<compile_context>
chip_gen: v7x
topology: tpu7x:2x2x1
jax: 0.10.2.dev20260603
libtpu: 0.0.44.dev20260713+nightly
codegen_flags: <defaults>
</compile_context>

<pallas_src>
import functools

import jax
import jax.numpy as jnp
from jax import lax
from jax.experimental import pallas as pl
from jax.experimental.pallas import tpu as pltpu
from jax.experimental.pallas import tpu_sc as plsc

BATCH = 16384
EMBED_DIM = 768
NUM_CLASSES = 100

_INFO = plsc.get_sparse_core_info()
_NC = _INFO.num_cores
_NS = _INFO.num_subcores
_NW = _NC * _NS
_B_PER_W = BATCH // _NW
_WINDOW = 64
_SPMEM_ROWS = 72
_HBM_ROWS = NUM_CLASSES - _SPMEM_ROWS
_N_STAGERS = _SPMEM_ROWS // 8


def _embed_lookup(idx, table):
    mesh = plsc.VectorSubcoreMesh(core_axis_name="c", subcore_axis_name="s")

    @functools.partial(
        pl.kernel,
        mesh=mesh,
        out_type=jax.ShapeDtypeStruct((BATCH, EMBED_DIM), jnp.float32),
        scratch_types=[
            pltpu.VMEM_SHARED((NUM_CLASSES, EMBED_DIM), jnp.float32),
            pltpu.VMEM((NUM_CLASSES, EMBED_DIM), jnp.float32),
            pltpu.VMEM((_B_PER_W,), jnp.int32),
            pltpu.SemaphoreType.DMA,
            pltpu.SemaphoreType.DMA,
        ],
    )
    def k(table_hbm, idx_hbm, out_hbm, table_sh, table_v, idx_v, sem, stage_sem):
        sid = lax.axis_index("s")
        wid = sid * _NC + lax.axis_index("c")
        base = wid * _B_PER_W

        @pl.when(sid < _N_STAGERS)
        def _():
            rs = pl.ds(sid * 8, 8)
            pltpu.sync_copy(table_hbm.at[rs], table_sh.at[rs])

        hbm_part = pltpu.async_copy(
            table_hbm.at[pl.ds(_SPMEM_ROWS, _HBM_ROWS)],
            table_v.at[pl.ds(_SPMEM_ROWS, _HBM_ROWS)],
            stage_sem,
        )
        pltpu.sync_copy(idx_hbm.at[pl.ds(base, _B_PER_W)], idx_v)
        plsc.subcore_barrier()
        pltpu.sync_copy(
            table_sh.at[pl.ds(0, _SPMEM_ROWS)],
            table_v.at[pl.ds(0, _SPMEM_ROWS)],
        )
        hbm_part.wait()

        def fire_group(g):
            v16 = idx_v[pl.ds(g * 16, 16)]
            for j in range(16):
                row = v16[j]
                pltpu.async_copy(
                    table_v.at[row], out_hbm.at[base + g * 16 + j], sem
                )

        def drain_one():
            pltpu.make_async_copy(out_hbm.at[base], table_v.at[0], sem).wait()

        n_groups = _B_PER_W // 16
        w_groups = _WINDOW // 16

        def head(g, carry):
            fire_group(g)
            return carry

        def steady(g, carry):
            for _ in range(16):
                drain_one()
            fire_group(g)
            return carry

        def tail(g, carry):
            for _ in range(16):
                drain_one()
            return carry

        lax.fori_loop(0, w_groups, head, 0)
        lax.fori_loop(w_groups, n_groups, steady, 0)
        lax.fori_loop(0, w_groups, tail, 0)

    return k(table, idx)


def kernel(c, text_embeddings):
    idx = c.astype(jnp.int32)
    return _embed_lookup(idx, text_embeddings)

# --- scband reference (transcript-rebuilt; emitter-appended) ---
"""Pipeline reference for scband-class-embedder-82317343195487 (READ-ONLY COPY).

The authoritative reference and input builder live on the scoring server;
editing this copy changes nothing except your own understanding.
"""

import jax, jax.numpy as jnp
import numpy as np

NUM_CLASSES = 100
EMBED_DIM = 768  # CLIP ViT-L/14 text-model hidden size (pooled CLS token per class)
BATCH = 16384


def setup_inputs(seed: int = 0) -> dict:
    key = jax.random.key(seed)
    k_idx, k_tab = jax.random.split(key)
    # class-label indices for a large batch
    c = jax.random.randint(k_idx, (BATCH,), 0, NUM_CLASSES, dtype=jnp.int64)
    # precomputed CLIP text embeddings table [num_classes, 768]
    # (in the torch module this is text_model(...).last_hidden_state[:, 0, :])
    text_embeddings = jax.random.normal(k_tab, (NUM_CLASSES, EMBED_DIM), dtype=jnp.float32)
    return {"c": c, "text_embeddings": text_embeddings}


def reference(c, text_embeddings):
    # forward: c = self.text_embeddings[c.to(int)]
    idx = c.astype(jnp.int32)
    return jnp.take(text_embeddings, idx, axis=0)

if __name__ == "__main__":
    import jax
    _d = setup_inputs()
    print(jax.jit(kernel)(*tuple(_d.values())))

</pallas_src>

<mosaic_0001>
#map = affine_map<(d0, d1) -> (0, 0)>
#map1 = affine_map<(d0, d1) -> (0)>
module attributes {stable_mosaic.version = 14 : i64} {
  func.func @k(%arg0: i32, %arg1: i32, %arg2: memref<100x768xf32, #tpu.memory_space<hbm>>, %arg3: memref<16384xi32, #tpu.memory_space<hbm>>, %arg4: memref<16384x768xf32, #tpu.memory_space<hbm>>, %arg5: memref<100x768xf32, #tpu.memory_space<vmem_shared>>, %arg6: memref<100x768xf32, #tpu.memory_space<vmem>>, %arg7: memref<512xi32, #tpu.memory_space<vmem>>, %arg8: memref<!tpu.dma_semaphore, #tpu.memory_space<semaphore_mem>>, %arg9: memref<!tpu.dma_semaphore, #tpu.memory_space<semaphore_mem>>) attributes {dimension_semantics = [#tpu.dimension_semantics<core_parallel>, #tpu.dimension_semantics<subcore_parallel>], iteration_bounds = array<i64: 2, 16>, scalar_prefetch = 0 : i64, scratch_operands = 5 : i64, tpu.core_type = #tpu.core_type<sc_vector_subcore>, window_params = [{transform_indices = #map}, {transform_indices = #map1}, {transform_indices = #map}]} {
    %mul3A = arith.constant 2 : i32
    %mul3A_0 = arith.muli %arg1, %mul3A : i32
    %add3A = arith.addi %mul3A_0, %arg0 : i32
    %mul3A_1 = arith.constant 512 : i32
    %mul3A_2 = arith.muli %add3A, %mul3A_1 : i32
    %lt3A = arith.constant 9 : i32
    %lt3A_3 = arith.cmpi slt, %arg1, %lt3A : i32
    %convert_element_type3A = arith.extui %lt3A_3 : i1 to i32
    %cond3A = arith.constant 0 : i32
    %cond3A_4 = arith.cmpi ne, %convert_element_type3A, %cond3A : i32
    scf.if %cond3A_4 {
      %mul3A_44 = arith.constant 8 : i32
      %mul3A_45 = arith.muli %arg1, %mul3A_44 : i32
      "tpu.region"() ({
        %run_scoped3A = tpu.sem_alloc : memref<!tpu.dma_semaphore, #tpu.memory_space<semaphore_mem>>
        %dma_start3A_46 = arith.constant 0 : i32
        %dma_start3A_47 = tpu.memref_slice %arg5[%mul3A_45, %dma_start3A_46] : memref<100x768xf32, #tpu.memory_space<vmem_shared>> -> memref<8x768xf32, #tpu.memory_space<vmem_shared>>
        %dma_start3A_48 = arith.constant 0 : i32
        %dma_start3A_49 = tpu.memref_slice %arg2[%mul3A_45, %dma_start3A_48] : memref<100x768xf32, #tpu.memory_space<hbm>> -> memref<8x768xf32, #tpu.memory_space<hbm>>
        tpu.enqueue_dma source(%dma_start3A_49 : memref<8x768xf32, #tpu.memory_space<hbm>>) target(%dma_start3A_47 : memref<8x768xf32, #tpu.memory_space<vmem_shared>>) target_semaphore(%run_scoped3A : memref<!tpu.dma_semaphore, #tpu.memory_space<semaphore_mem>>)
        %dma_wait3A_50 = arith.constant 0 : i32
        %dma_wait3A_51 = tpu.memref_slice %arg5[%mul3A_45, %dma_wait3A_50] : memref<100x768xf32, #tpu.memory_space<vmem_shared>> -> memref<8x768xf32, #tpu.memory_space<vmem_shared>>
        %dma_wait3A_52 = arith.constant 0 : i32
        %dma_wait3A_53 = tpu.memref_slice %arg2[%mul3A_45, %dma_wait3A_52] : memref<100x768xf32, #tpu.memory_space<hbm>> -> memref<8x768xf32, #tpu.memory_space<hbm>>
        tpu.wait_dma2 semaphore(%run_scoped3A : memref<!tpu.dma_semaphore, #tpu.memory_space<semaphore_mem>>) src(%dma_wait3A_53 : memref<8x768xf32, #tpu.memory_space<hbm>>) dst(%dma_wait3A_51 : memref<8x768xf32, #tpu.memory_space<vmem_shared>>)
        tpu.yield
      }) : () -> ()
    } else {
    }
    %dma_start3A = arith.constant 72 : i32
    %dma_start3A_5 = arith.constant 0 : i32
    %dma_start3A_6 = tpu.memref_slice %arg6[%dma_start3A, %dma_start3A_5] : memref<100x768xf32, #tpu.memory_space<vmem>> -> memref<28x768xf32, #tpu.memory_space<vmem>>
    %dma_start3A_7 = arith.constant 72 : i32
    %dma_start3A_8 = arith.constant 0 : i32
    %dma_start3A_9 = tpu.memref_slice %arg2[%dma_start3A_7, %dma_start3A_8] : memref<100x768xf32, #tpu.memory_space<hbm>> -> memref<28x768xf32, #tpu.memory_space<hbm>>
    %dma_start3A_10 = arith.constant 72 : i32
    %dma_start3A_11 = arith.constant 0 : i32
    %dma_start3A_12 = tpu.memref_slice %arg6[%dma_start3A_10, %dma_start3A_11] : memref<100x768xf32, #tpu.memory_space<vmem>> -> memref<28x768xf32, #tpu.memory_space<vmem>>
    %dma_start3A_13 = arith.constant 72 : i32
    %dma_start3A_14 = arith.constant 0 : i32
    %dma_start3A_15 = tpu.memref_slice %arg2[%dma_start3A_13, %dma_start3A_14] : memref<100x768xf32, #tpu.memory_space<hbm>> -> memref<28x768xf32, #tpu.memory_space<hbm>>
    tpu.enqueue_dma source(%dma_start3A_15 : memref<28x768xf32, #tpu.memory_space<hbm>>) target(%dma_start3A_12 : memref<28x768xf32, #tpu.memory_space<vmem>>) target_semaphore(%arg9 : memref<!tpu.dma_semaphore, #tpu.memory_space<semaphore_mem>>)
    "tpu.region"() ({
      %run_scoped3A = tpu.sem_alloc : memref<!tpu.dma_semaphore, #tpu.memory_space<semaphore_mem>>
      %dma_start3A_44 = tpu.memref_slice %arg3[%mul3A_2] : memref<16384xi32, #tpu.memory_space<hbm>> -> memref<512xi32, #tpu.memory_space<hbm>>
      %dma_start3A_45 = tpu.memref_slice %arg3[%mul3A_2] : memref<16384xi32, #tpu.memory_space<hbm>> -> memref<512xi32, #tpu.memory_space<hbm>>
      tpu.enqueue_dma source(%dma_start3A_45 : memref<512xi32, #tpu.memory_space<hbm>>) target(%arg7 : memref<512xi32, #tpu.memory_space<vmem>>) target_semaphore(%run_scoped3A : memref<!tpu.dma_semaphore, #tpu.memory_space<semaphore_mem>>)
      %dma_wait3A_46 = tpu.memref_slice %arg3[%mul3A_2] : memref<16384xi32, #tpu.memory_space<hbm>> -> memref<512xi32, #tpu.memory_space<hbm>>
      %dma_wait3A_47 = tpu.memref_slice %arg3[%mul3A_2] : memref<16384xi32, #tpu.memory_space<hbm>> -> memref<512xi32, #tpu.memory_space<hbm>>
      tpu.wait_dma2 semaphore(%run_scoped3A : memref<!tpu.dma_semaphore, #tpu.memory_space<semaphore_mem>>) src(%dma_wait3A_47 : memref<512xi32, #tpu.memory_space<hbm>>) dst(%arg7 : memref<512xi32, #tpu.memory_space<vmem>>)
      tpu.yield
    }) : () -> ()
    %barrier3A = arith.constant 0 : index
    tpu.barrier barrier_id(%barrier3A)
    "tpu.region"() ({
      %run_scoped3A = tpu.sem_alloc : memref<!tpu.dma_semaphore, #tpu.memory_space<semaphore_mem>>
      %dma_start3A_44 = arith.constant 0 : i32
      %dma_start3A_45 = arith.constant 0 : i32
      %dma_start3A_46 = tpu.memref_slice %arg6[%dma_start3A_44, %dma_start3A_45] : memref<100x768xf32, #tpu.memory_space<vmem>> -> memref<72x768xf32, #tpu.memory_space<vmem>>
      %dma_start3A_47 = arith.constant 0 : i32
      %dma_start3A_48 = arith.constant 0 : i32
      %dma_start3A_49 = tpu.memref_slice %arg5[%dma_start3A_47, %dma_start3A_48] : memref<100x768xf32, #tpu.memory_space<vmem_shared>> -> memref<72x768xf32, #tpu.memory_space<vmem_shared>>
      %dma_start3A_50 = arith.constant 0 : i32
      %dma_start3A_51 = arith.constant 0 : i32
      %dma_start3A_52 = tpu.memref_slice %arg6[%dma_start3A_50, %dma_start3A_51] : memref<100x768xf32, #tpu.memory_space<vmem>> -> memref<72x768xf32, #tpu.memory_space<vmem>>
      %dma_start3A_53 = arith.constant 0 : i32
      %dma_start3A_54 = arith.constant 0 : i32
      %dma_start3A_55 = tpu.memref_slice %arg5[%dma_start3A_53, %dma_start3A_54] : memref<100x768xf32, #tpu.memory_space<vmem_shared>> -> memref<72x768xf32, #tpu.memory_space<vmem_shared>>
      tpu.enqueue_dma source(%dma_start3A_55 : memref<72x768xf32, #tpu.memory_space<vmem_shared>>) target(%dma_start3A_52 : memref<72x768xf32, #tpu.memory_space<vmem>>) target_semaphore(%run_scoped3A : memref<!tpu.dma_semaphore, #tpu.memory_space<semaphore_mem>>)
      %dma_wait3A_56 = arith.constant 0 : i32
      %dma_wait3A_57 = arith.constant 0 : i32
      %dma_wait3A_58 = tpu.memref_slice %arg6[%dma_wait3A_56, %dma_wait3A_57] : memref<100x768xf32, #tpu.memory_space<vmem>> -> memref<72x768xf32, #tpu.memory_space<vmem>>
      %dma_wait3A_59 = arith.constant 0 : i32
      %dma_wait3A_60 = arith.constant 0 : i32
      %dma_wait3A_61 = tpu.memref_slice %arg5[%dma_wait3A_59, %dma_wait3A_60] : memref<100x768xf32, #tpu.memory_space<vmem_shared>> -> memref<72x768xf32, #tpu.memory_space<vmem_shared>>
      %dma_wait3A_62 = arith.constant 0 : i32
      %dma_wait3A_63 = arith.constant 0 : i32
      %dma_wait3A_64 = tpu.memref_slice %arg6[%dma_wait3A_62, %dma_wait3A_63] : memref<100x768xf32, #tpu.memory_space<vmem>> -> memref<72x768xf32, #tpu.memory_space<vmem>>
      %dma_wait3A_65 = arith.constant 0 : i32
      %dma_wait3A_66 = arith.constant 0 : i32
      %dma_wait3A_67 = tpu.memref_slice %arg5[%dma_wait3A_65, %dma_wait3A_66] : memref<100x768xf32, #tpu.memory_space<vmem_shared>> -> memref<72x768xf32, #tpu.memory_space<vmem_shared>>
      tpu.wait_dma2 semaphore(%run_scoped3A : memref<!tpu.dma_semaphore, #tpu.memory_space<semaphore_mem>>) src(%dma_wait3A_67 : memref<72x768xf32, #tpu.memory_space<vmem_shared>>) dst(%dma_wait3A_64 : memref<72x768xf32, #tpu.memory_space<vmem>>)
      tpu.yield
    }) : () -> ()
    %dma_wait3A = arith.constant 72 : i32
    %dma_wait3A_16 = arith.constant 0 : i32
    %dma_wait3A_17 = tpu.memref_slice %arg6[%dma_wait3A, %dma_wait3A_16] : memref<100x768xf32, #tpu.memory_space<vmem>> -> memref<28x768xf32, #tpu.memory_space<vmem>>
    %dma_wait3A_18 = arith.constant 72 : i32
    %dma_wait3A_19 = arith.constant 0 : i32
    %dma_wait3A_20 = tpu.memref_slice %arg2[%dma_wait3A_18, %dma_wait3A_19] : memref<100x768xf32, #tpu.memory_space<hbm>> -> memref<28x768xf32, #tpu.memory_space<hbm>>
    %dma_wait3A_21 = arith.constant 72 : i32
    %dma_wait3A_22 = arith.constant 0 : i32
    %dma_wait3A_23 = tpu.memref_slice %arg6[%dma_wait3A_21, %dma_wait3A_22] : memref<100x768xf32, #tpu.memory_space<vmem>> -> memref<28x768xf32, #tpu.memory_space<vmem>>
    %dma_wait3A_24 = arith.constant 72 : i32
    %dma_wait3A_25 = arith.constant 0 : i32
    %dma_wait3A_26 = tpu.memref_slice %arg2[%dma_wait3A_24, %dma_wait3A_25] : memref<100x768xf32, #tpu.memory_space<hbm>> -> memref<28x768xf32, #tpu.memory_space<hbm>>
    tpu.wait_dma2 semaphore(%arg9 : memref<!tpu.dma_semaphore, #tpu.memory_space<semaphore_mem>>) src(%dma_wait3A_26 : memref<28x768xf32, #tpu.memory_space<hbm>>) dst(%dma_wait3A_23 : memref<28x768xf32, #tpu.memory_space<vmem>>)
    %scan3A = arith.constant 0 : i32
    %scan3A_27 = arith.constant 0 : i32
    %scan3A_28 = arith.constant 4 : i32
    %scan3A_29 = arith.addi %scan3A_27, %scan3A_28 : i32
    %scan3A_30 = arith.constant 1 : i32
    scf.for %scan3A_44 = %scan3A_27 to %scan3A_29 step %scan3A_30  : i32 {
      %mul3A_45 = arith.constant 16 : i32
      %mul3A_46 = arith.muli %scan3A_44, %mul3A_45 : i32
      %get3A = arith.index_cast %mul3A_46 : i32 to index
      %get3A_47 = tpu.vector_load %arg7[%get3A] {strides = array<i32>} : memref<512xi32, #tpu.memory_space<vmem>>, vector<16xi32>,
      %get3A_48 = vector.shape_cast %get3A_47 : vector<16xi32> to vector<16xi32>
      %slice3A = vector.extract_strided_slice %get3A_48 {offsets = [0], sizes = [1], strides = [1]} : vector<16xi32> to vector<1xi32>
      %squeeze3A = vector.extract %slice3A[0] : i32 from vector<1xi32>
      %mul3A_49 = arith.constant 16 : i32
      %mul3A_50 = arith.muli %scan3A_44, %mul3A_49 : i32
      %add3A_51 = arith.addi %mul3A_2, %mul3A_50 : i32
      %add3A_52 = arith.constant 0 : i32
      %add3A_53 = arith.addi %add3A_51, %add3A_52 : i32
      %dma_start3A_54 = arith.constant 0 : i32
      %dma_start3A_55 = tpu.memref_slice %arg6[%squeeze3A, %dma_start3A_54] : memref<100x768xf32, #tpu.memory_space<vmem>> -> memref<1x768xf32, #tpu.memory_space<vmem>>
      %dma_start3A_56 = tpu.memref_squeeze %dma_start3A_55 : memref<1x768xf32, #tpu.memory_space<vmem>> -> memref<768xf32, #tpu.memory_space<vmem>>
      %dma_start3A_57 = arith.constant 0 : i32
      %dma_start3A_58 = tpu.memref_slice %arg4[%add3A_53, %dma_start3A_57] : memref<16384x768xf32, #tpu.memory_space<hbm>> -> memref<1x768xf32, #tpu.memory_space<hbm>>
      %dma_start3A_59 = tpu.memref_squeeze %dma_start3A_58 : memref<1x768xf32, #tpu.memory_space<hbm>> -> memref<768xf32, #tpu.memory_space<hbm>>
      %dma_start3A_60 = arith.constant 0 : i32
      %dma_start3A_61 = tpu.memref_slice %arg4[%add3A_53, %dma_start3A_60] : memref<16384x768xf32, #tpu.memory_space<hbm>> -> memref<1x768xf32, #tpu.memory_space<hbm>>
      %dma_start3A_62 = tpu.memref_squeeze %dma_start3A_61 : memref<1x768xf32, #tpu.memory_space<hbm>> -> memref<768xf32, #tpu.memory_space<hbm>>
      %dma_start3A_63 = arith.constant 0 : i32
      %dma_start3A_64 = tpu.memref_slice %arg6[%squeeze3A, %dma_start3A_63] : memref<100x768xf32, #tpu.memory_space<vmem>> -> memref<1x768xf32, #tpu.memory_space<vmem>>
      %dma_start3A_65 = tpu.memref_squeeze %dma_start3A_64 : memref<1x768xf32, #tpu.memory_space<vmem>> -> memref<768xf32, #tpu.memory_space<vmem>>
      tpu.enqueue_dma source(%dma_start3A_65 : memref<768xf32, #tpu.memory_space<vmem>>) target(%dma_start3A_62 : memref<768xf32, #tpu.memory_space<hbm>>) target_semaphore(%arg8 : memref<!tpu.dma_semaphore, #tpu.memory_space<semaphore_mem>>)
      %slice3A_66 = vector.extract_strided_slice %get3A_48 {offsets = [1], sizes = [1], strides = [1]} : vector<16xi32> to vector<1xi32>
      %squeeze3A_67 = vector.extract %slice3A_66[0] : i32 from vector<1xi32>
      %mul3A_68 = arith.constant 16 : i32
      %mul3A_69 = arith.muli %scan3A_44, %mul3A_68 : i32
      %add3A_70 = arith.addi %mul3A_2, %mul3A_69 : i32
      %add3A_71 = arith.constant 1 : i32
      %add3A_72 = arith.addi %add3A_70, %add3A_71 : i32
      %dma_start3A_73 = arith.constant 0 : i32
      %dma_start3A_74 = tpu.memref_slice %arg6[%squeeze3A_67, %dma_start3A_73] : memref<100x768xf32, #tpu.memory_space<vmem>> -> memref<1x768xf32, #tpu.memory_space<vmem>>
      %dma_start3A_75 = tpu.memref_squeeze %dma_start3A_74 : memref<1x768xf32, #tpu.memory_space<vmem>> -> memref<768xf32, #tpu.memory_space<vmem>>
      %dma_start3A_76 = arith.constant 0 : i32
      %dma_start3A_77 = tpu.memref_slice %arg4[%add3A_72, %dma_start3A_76] : memref<16384x768xf32, #tpu.memory_space<hbm>> -> memref<1x768xf32, #tpu.memory_space<hbm>>
      %dma_start3A_78 = tpu.memref_squeeze %dma_start3A_77 : memref<1x768xf32, #tpu.memory_space<hbm>> -> memref<768xf32, #tpu.memory_space<hbm>>
      %dma_start3A_79 = arith.constant 0 : i32
      %dma_start3A_80 = tpu.memref_slice %arg4[%add3A_72, %dma_start3A_79] : memref<16384x768xf32, #tpu.memory_space<hbm>> -> memref<1x768xf32, #tpu.memory_space<hbm>>
      %dma_start3A_81 = tpu.memref_squeeze %dma_start3A_80 : memref<1x768xf32, #tpu.memory_space<hbm>> -> memref<768xf32, #tpu.memory_space<hbm>>
      %dma_start3A_82 = arith.constant 0 : i32
      %dma_start3A_83 = tpu.memref_slice %arg6[%squeeze3A_67, %dma_start3A_82] : memref<100x768xf32, #tpu.memory_space<vmem>> -> memref<1x768xf32, #tpu.memory_space<vmem>>
      %dma_start3A_84 = tpu.memref_squeeze %dma_start3A_83 : memref<1x768xf32, #tpu.memory_space<vmem>> -> memref<768xf32, #tpu.memory_space<vmem>>
      tpu.enqueue_dma source(%dma_start3A_84 : memref<768xf32, #tpu.memory_space<vmem>>) target(%dma_start3A_81 : memref<768xf32, #tpu.memory_space<hbm>>) target_semaphore(%arg8 : memref<!tpu.dma_semaphore, #tpu.memory_space<semaphore_mem>>)
      %slice3A_85 = vector.extract_strided_slice %get3A_48 {offsets = [2], sizes = [1], strides = [1]} : vector<16xi32> to vector<1xi32>
      %squeeze3A_86 = vector.extract %slice3A_85[0] : i32 from vector<1xi32>
      %mul3A_87 = arith.constant 16 : i32
      %mul3A_88 = arith.muli %scan3A_44, %mul3A_87 : i32
      %add3A_89 = arith.addi %mul3A_2, %mul3A_88 : i32
      %add3A_90 = arith.constant 2 : i32
      %add3A_91 = arith.addi %add3A_89, %add3A_90 : i32
      %dma_start3A_92 = arith.constant 0 : i32
      %dma_start3A_93 = tpu.memref_slice %arg6[%squeeze3A_86, %dma_start3A_92] : memref<100x768xf32, #tpu.memory_space<vmem>> -> memref<1x768xf32, #tpu.memory_space<vmem>>
      %dma_start3A_94 = tpu.memref_squeeze %dma_start3A_93 : memref<1x768xf32, #tpu.memory_space<vmem>> -> memref<768xf32, #tpu.memory_space<vmem>>
      %dma_start3A_95 = arith.constant 0 : i32
      %dma_start3A_96 = tpu.memref_slice %arg4[%add3A_91, %dma_start3A_95] : memref<16384x768xf32, #tpu.memory_space<hbm>> -> memref<1x768xf32, #tpu.memory_space<hbm>>
      %dma_start3A_97 = tpu.memref_squeeze %dma_start3A_96 : memref<1x768xf32, #tpu.memory_space<hbm>> -> memref<768xf32, #tpu.memory_space<hbm>>
      %dma_start3A_98 = arith.constant 0 : i32
      %dma_start3A_99 = tpu.memref_slice %arg4[%add3A_91, %dma_start3A_98] : memref<16384x768xf32, #tpu.memory_space<hbm>> -> memref<1x768xf32, #tpu.memory_space<hbm>>
      %dma_start3A_100 = tpu.memref_squeeze %dma_start3A_99 : memref<1x768xf32, #tpu.memory_space<hbm>> -> memref<768xf32, #tpu.memory_space<hbm>>
      %dma_start3A_101 = arith.constant 0 : i32
      %dma_start3A_102 = tpu.memref_slice %arg6[%squeeze3A_86, %dma_start3A_101] : memref<100x768xf32, #tpu.memory_space<vmem>> -> memref<1x768xf32, #tpu.memory_space<vmem>>
      %dma_start3A_103 = tpu.memref_squeeze %dma_start3A_102 : memref<1x768xf32, #tpu.memory_space<vmem>> -> memref<768xf32, #tpu.memory_space<vmem>>
      tpu.enqueue_dma source(%dma_start3A_103 : memref<768xf32, #tpu.memory_space<vmem>>) target(%dma_start3A_100 : memref<768xf32, #tpu.memory_space<hbm>>) target_semaphore(%arg8 : memref<!tpu.dma_semaphore, #tpu.memory_space<semaphore_mem>>)
      %slice3A_104 = vector.extract_strided_slice %get3A_48 {offsets = [3], sizes = [1], strides = [1]} : vector<16xi32> to vector<1xi32>
      %squeeze3A_105 = vector.extract %slice3A_104[0] : i32 from vector<1xi32>
      %mul3A_106 = arith.constant 16 : i32
      %mul3A_107 = arith.muli %scan3A_44, %mul3A_106 : i32
      %add3A_108 = arith.addi %mul3A_2, %mul3A_107 : i32
      %add3A_109 = arith.constant 3 : i32
      %add3A_110 = arith.addi %add3A_108, %add3A_109 : i32
      %dma_start3A_111 = arith.constant 0 : i32
      %dma_start3A_112 = tpu.memref_slice %arg6[%squeeze3A_105, %dma_start3A_111] : memref<100x768xf32, #tpu.memory_space<vmem>> -> memref<1x768xf32, #tpu.memory_space<vmem>>
      %dma_start3A_113 = tpu.memref_squeeze %dma_start3A_112 : memref<1x768xf32, #tpu.memory_space<vmem>> -> memref<768xf32, #tpu.memory_space<vmem>>
      %dma_start3A_114 = arith.constant 0 : i32
      %dma_start3A_115 = tpu.memref_slice %arg4[%add3A_110, %dma_start3A_114] : memref<16384x768xf32, #tpu.memory_space<hbm>> -> memref<1x768xf32, #tpu.memory_space<hbm>>
      %dma_start3A_116 = tpu.memref_squeeze %dma_start3A_115 : memref<1x768xf32, #tpu.memory_space<hbm>> -> memref<768xf32, #tpu.memory_space<hbm>>
      %dma_start3A_117 = arith.constant 0 : i32
      %dma_start3A_118 = tpu.memref_slice %arg4[%add3A_110, %dma_start3A_117] : memref<16384x768xf32, #tpu.memory_space<hbm>> -> memref<1x768xf32, #tpu.memory_space<hbm>>
      %dma_start3A_119 = tpu.memref_squeeze %dma_start3A_118 : memref<1x768xf32, #tpu.memory_space<hbm>> -> memref<768xf32, #tpu.memory_space<hbm>>
      %dma_start3A_120 = arith.constant 0 : i32
      %dma_start3A_121 = tpu.memref_slice %arg6[%squeeze3A_105, %dma_start3A_120] : memref<100x768xf32, #tpu.memory_space<vmem>> -> memref<1x768xf32, #tpu.memory_space<vmem>>
      %dma_start3A_122 = tpu.memref_squeeze %dma_start3A_121 : memref<1x768xf32, #tpu.memory_space<vmem>> -> memref<768xf32, #tpu.memory_space<vmem>>
      tpu.enqueue_dma source(%dma_start3A_122 : memref<768xf32, #tpu.memory_space<vmem>>) target(%dma_start3A_119 : memref<768xf32, #tpu.memory_space<hbm>>) target_semaphore(%arg8 : memref<!tpu.dma_semaphore, #tpu.memory_space<semaphore_mem>>)
      %slice3A_123 = vector.extract_strided_slice %get3A_48 {offsets = [4], sizes = [1], strides = [1]} : vector<16xi32> to vector<1xi32>
      %squeeze3A_124 = vector.extract %slice3A_123[0] : i32 from vector<1xi32>
      %mul3A_125 = arith.constant 16 : i32
      %mul3A_126 = arith.muli %scan3A_44, %mul3A_125 : i32
      %add3A_127 = arith.addi %mul3A_2, %mul3A_126 : i32
      %add3A_128 = arith.constant 4 : i32
      %add3A_129 = arith.addi %add3A_127, %add3A_128 : i32
      %dma_start3A_130 = arith.constant 0 : i32
      %dma_start3A_131 = tpu.memref_slice %arg6[%squeeze3A_124, %dma_start3A_130] : memref<100x768xf32, #tpu.memory_space<vmem>> -> memref<1x768xf32, #tpu.memory_space<vmem>>
      %dma_start3A_132 = tpu.memref_squeeze %dma_start3A_131 : memref<1x768xf32, #tpu.memory_space<vmem>> -> memref<768xf32, #tpu.memory_space<vmem>>
      %dma_start3A_133 = arith.constant 0 : i32
      %dma_start3A_134 = tpu.memref_slice %arg4[%add3A_129, %dma_start3A_133] : memref<16384x768xf32, #tpu.memory_space<hbm>> -> memref<1x768xf32, #tpu.memory_space<hbm>>
      %dma_start3A_135 = tpu.memref_squeeze %dma_start3A_134 : memref<1x768xf32, #tpu.memory_space<hbm>> -> memref<768xf32, #tpu.memory_space<hbm>>
      %dma_start3A_136 = arith.constant 0 : i32
      %dma_start3A_137 = tpu.memref_slice %arg4[%add3A_129, %dma_start3A_136] : memref<16384x768xf32, #tpu.memory_space<hbm>> -> memref<1x768xf32, #tpu.memory_space<hbm>>
      %dma_start3A_138 = tpu.memref_squeeze %dma_start3A_137 : memref<1x768xf32, #tpu.memory_space<hbm>> -> memref<768xf32, #tpu.memory_space<hbm>>
      %dma_start3A_139 = arith.constant 0 : i32
      %dma_start3A_140 = tpu.memref_slice %arg6[%squeeze3A_124, %dma_start3A_139] : memref<100x768xf32, #tpu.memory_space<vmem>> -> memref<1x768xf32, #tpu.memory_space<vmem>>
      %dma_start3A_141 = tpu.memref_squeeze %dma_start3A_140 : memref<1x768xf32, #tpu.memory_space<vmem>> -> memref<768xf32, #tpu.memory_space<vmem>>
      tpu.enqueue_dma source(%dma_start3A_141 : memref<768xf32, #tpu.memory_space<vmem>>) target(%dma_start3A_138 : memref<768xf32, #tpu.memory_space<hbm>>) target_semaphore(%arg8 : memref<!tpu.dma_semaphore, #tpu.memory_space<semaphore_mem>>)
      %slice3A_142 = vector.extract_strided_slice %get3A_48 {offsets = [5], sizes = [1], strides = [1]} : vector<16xi32> to vector<1xi32>
      %squeeze3A_143 = vector.extract %slice3A_142[0] : i32 from vector<1xi32>
      %mul3A_144 = arith.constant 16 : i32
      %mul3A_145 = arith.muli %scan3A_44, %mul3A_144 : i32
      %add3A_146 = arith.addi %mul3A_2, %mul3A_145 : i32
      %add3A_147 = arith.constant 5 : i32
      %add3A_148 = arith.addi %add3A_146, %add3A_147 : i32
      %dma_start3A_149 = arith.constant 0 : i32
      %dma_start3A_150 = tpu.memref_slice %arg6[%squeeze3A_143, %dma_start3A_149] : memref<100x768xf32, #tpu.memory_space<vmem>> -> memref<1x768xf32, #tpu.memory_space<vmem>>
      %dma_start3A_151 = tpu.memref_squeeze %dma_start3A_150 : memref<1x768xf32, #tpu.memory_space<vmem>> -> memref<768xf32, #tpu.memory_space<vmem>>
      %dma_start3A_152 = arith.constant 0 : i32
      %dma_start3A_153 = tpu.memref_slice %arg4[%add3A_148, %dma_start3A_152] : memref<16384x768xf32, #tpu.memory_space<hbm>> -> memref<1x768xf32, #tpu.memory_space<hbm>>
      %dma_start3A_154 = tpu.memref_squeeze %dma_start3A_153 : memref<1x768xf32, #tpu.memory_space<hbm>> -> memref<768xf32, #tpu.memory_space<hbm>>
      %dma_start3A_155 = arith.constant 0 : i32
      %dma_start3A_156 = tpu.memref_slice %arg4[%add3A_148, %dma_start3A_155] : memref<16384x768xf32, #tpu.memory_space<hbm>> -> memref<1x768xf32, #tpu.memory_space<hbm>>
      %dma_start3A_157 = tpu.memref_squeeze %dma_start3A_156 : memref<1x768xf32, #tpu.memory_space<hbm>> -> memref<768xf32, #tpu.memory_space<hbm>>
      %dma_start3A_158 = arith.constant 0 : i32
      %dma_start3A_159 = tpu.memref_slice %arg6[%squeeze3A_143, %dma_start3A_158] : memref<100x768xf32, #tpu.memory_space<vmem>> -> memref<1x768xf32, #tpu.memory_space<vmem>>
      %dma_start3A_160 = tpu.memref_squeeze %dma_start3A_159 : memref<1x768xf32, #tpu.memory_space<vmem>> -> memref<768xf32, #tpu.memory_space<vmem>>
      tpu.enqueue_dma source(%dma_start3A_160 : memref<768xf32, #tpu.memory_space<vmem>>) target(%dma_start3A_157 : memref<768xf32, #tpu.memory_space<hbm>>) target_semaphore(%arg8 : memref<!tpu.dma_semaphore, #tpu.memory_space<semaphore_mem>>)
      %slice3A_161 = vector.extract_strided_slice %get3A_48 {offsets = [6], sizes = [1], strides = [1]} : vector<16xi32> to vector<1xi32>
      %squeeze3A_162 = vector.extract %slice3A_161[0] : i32 from vector<1xi32>
      %mul3A_163 = arith.constant 16 : i32
      %mul3A_164 = arith.muli %scan3A_44, %mul3A_163 : i32
      %add3A_165 = arith.addi %mul3A_2, %mul3A_164 : i32
      %add3A_166 = arith.constant 6 : i32
      %add3A_167 = arith.addi %add3A_165, %add3A_166 : i32
      %dma_start3A_168 = arith.constant 0 : i32
      %dma_start3A_169 = tpu.memref_slice %arg6[%squeeze3A_162, %dma_start3A_168] : memref<100x768xf32, #tpu.memory_space<vmem>> -> memref<1x768xf32, #tpu.memory_space<vmem>>
      %dma_start3A_170 = tpu.memref_squeeze %dma_start3A_169 : memref<1x768xf32, #tpu.memory_space<vmem>> -> memref<768xf32, #tpu.memory_space<vmem>>
      %dma_start3A_171 = arith.constant 0 : i32
      %dma_start3A_172 = tpu.memref_slice %arg4[%add3A_167, %dma_start3A_171] : memref<16384x768xf32, #tpu.memory_space<hbm>> -> memref<1x768xf32, #tpu.memory_space<hbm>>
      %dma_start3A_173 = tpu.memref_squeeze %dma_start3A_172 : memref<1x768xf32, #tpu.memory_space<hbm>> -> memref<768xf32, #tpu.memory_space<hbm>>
      %dma_start3A_174 = arith.constant 0 : i32
      %dma_start3A_175 = tpu.memref_slice %arg4[%add3A_167, %dma_start3A_174] : memref<16384x768xf32, #tpu.memory_space<hbm>> -> memref<1x768xf32, #tpu.memory_space<hbm>>
      %dma_start3A_176 = tpu.memref_squeeze %dma_start3A_175 : memref<1x768xf32, #tpu.memory_space<hbm>> -> memref<768xf32, #tpu.memory_space<hbm>>
      %dma_start3A_177 = arith.constant 0 : i32
      %dma_start3A_178 = tpu.memref_slice %arg6[%squeeze3A_162, %dma_start3A_177] : memref<100x768xf32, #tpu.memory_space<vmem>> -> memref<1x768xf32, #tpu.memory_space<vmem>>
      %dma_start3A_179 = tpu.memref_squeeze %dma_start3A_178 : memref<1x768xf32, #tpu.memory_space<vmem>> -> memref<768xf32, #tpu.memory_space<vmem>>
      tpu.enqueue_dma source(%dma_start3A_179 : memref<768xf32, #tpu.memory_space<vmem>>) target(%dma_start3A_176 : memref<768xf32, #tpu.memory_space<hbm>>) target_semaphore(%arg8 : memref<!tpu.dma_semaphore, #tpu.memory_space<semaphore_mem>>)
      %slice3A_180 = vector.extract_strided_slice %get3A_48 {offsets = [7], sizes = [1], strides = [1]} : vector<16xi32> to vector<1xi32>
      %squeeze3A_181 = vector.extract %slice3A_180[0] : i32 from vector<1xi32>
      %mul3A_182 = arith.constant 16 : i32
      %mul3A_183 = arith.muli %scan3A_44, %mul3A_182 : i32
      %add3A_184 = arith.addi %mul3A_2, %mul3A_183 : i32
      %add3A_185 = arith.constant 7 : i32
      %add3A_186 = arith.addi %add3A_184, %add3A_185 : i32
      %dma_start3A_187 = arith.constant 0 : i32
      %dma_start3A_188 = tpu.memref_slice %arg6[%squeeze3A_181, %dma_start3A_187] : memref<100x768xf32, #tpu.memory_space<vmem>> -> memref<1x768xf32, #tpu.memory_space<vmem>>
      %dma_start3A_189 = tpu.memref_squeeze %dma_start3A_188 : memref<1x768xf32, #tpu.memory_space<vmem>> -> memref<768xf32, #tpu.memory_space<vmem>>
      %dma_start3A_190 = arith.constant 0 : i32
      %dma_start3A_191 = tpu.memref_slice %arg4[%add3A_186, %dma_start3A_190] : memref<16384x768xf32, #tpu.memory_space<hbm>> -> memref<1x768xf32, #tpu.memory_space<hbm>>
      %dma_start3A_192 = tpu.memref_squeeze %dma_start3A_191 : memref<1x768xf32, #tpu.memory_space<hbm>> -> memref<768xf32, #tpu.memory_space<hbm>>
      %dma_start3A_193 = arith.constant 0 : i32
      %dma_start3A_194 = tpu.memref_slice %arg4[%add3A_186, %dma_start3A_193] : memref<16384x768xf32, #tpu.memory_space<hbm>> -> memref<1x768xf32, #tpu.memory_space<hbm>>
      %dma_start3A_195 = tpu.memref_squeeze %dma_start3A_194 : memref<1x768xf32, #tpu.memory_space<hbm>> -> memref<768xf32, #tpu.memory_space<hbm>>
      %dma_start3A_196 = arith.constant 0 : i32
      %dma_start3A_197 = tpu.memref_slice %arg6[%squeeze3A_181, %dma_start3A_196] : memref<100x768xf32, #tpu.memory_space<vmem>> -> memref<1x768xf32, #tpu.memory_space<vmem>>
      %dma_start3A_198 = tpu.memref_squeeze %dma_start3A_197 : memref<1x768xf32, #tpu.memory_space<vmem>> -> memref<768xf32, #tpu.memory_space<vmem>>
      tpu.enqueue_dma source(%dma_start3A_198 : memref<768xf32, #tpu.memory_space<vmem>>) target(%dma_start3A_195 : memref<768xf32, #tpu.memory_space<hbm>>) target_semaphore(%arg8 : memref<!tpu.dma_semaphore, #tpu.memory_space<semaphore_mem>>)
      %slice3A_199 = vector.extract_strided_slice %get3A_48 {offsets = [8], sizes = [1], strides = [1]} : vector<16xi32> to vector<1xi32>
      %squeeze3A_200 = vector.extract %slice3A_199[0] : i32 from vector<1xi32>
      %mul3A_201 = arith.constant 16 : i32
      %mul3A_202 = arith.muli %scan3A_44, %mul3A_201 : i32
      %add3A_203 = arith.addi %mul3A_2, %mul3A_202 : i32
      %add3A_204 = arith.constant 8 : i32
      %add3A_205 = arith.addi %add3A_203, %add3A_204 : i32
      %dma_start3A_206 = arith.constant 0 : i32
      %dma_start3A_207 = tpu.memref_slice %arg6[%squeeze3A_200, %dma_start3A_206] : memref<100x768xf32, #tpu.memory_space<vmem>> -> memref<1x768xf32, #tpu.memory_space<vmem>>
      %dma_start3A_208 = tpu.memref_squeeze %dma_start3A_207 : memref<1x768xf32, #tpu.memory_space<vmem>> -> memref<768xf32, #tpu.memory_space<vmem>>
      %dma_start3A_209 = arith.constant 0 : i32
      %dma_start3A_210 = tpu.memref_slice %arg4[%add3A_205, %dma_start3A_209] : memref<16384x768xf32, #tpu.memory_space<hbm>> -> memref<1x768xf32, #tpu.memory_space<hbm>>
      %dma_start3A_211 = tpu.memref_squeeze %dma_start3A_210 : memref<1x768xf32, #tpu.memory_space<hbm>> -> memref<768xf32, #tpu.memory_space<hbm>>
      %dma_start3A_212 = arith.constant 0 : i32
      %dma_start3A_213 = tpu.memref_slice %arg4[%add3A_205, %dma_start3A_212] : memref<16384x768xf32, #tpu.memory_space<hbm>> -> memref<1x768xf32, #tpu.memory_space<hbm>>
      %dma_start3A_214 = tpu.memref_squeeze %dma_start3A_213 : memref<1x768xf32, #tpu.memory_space<hbm>> -> memref<768xf32, #tpu.memory_space<hbm>>
      %dma_start3A_215 = arith.constant 0 : i32
      %dma_start3A_216 = tpu.memref_slice %arg6[%squeeze3A_200, %dma_start3A_215] : memref<100x768xf32, #tpu.memory_space<vmem>> -> memref<1x768xf32, #tpu.memory_space<vmem>>
      %dma_start3A_217 = tpu.memref_squeeze %dma_start3A_216 : memref<1x768xf32, #tpu.memory_space<vmem>> -> memref<768xf32, #tpu.memory_space<vmem>>
      tpu.enqueue_dma source(%dma_start3A_217 : memref<768xf32, #tpu.memory_space<vmem>>) target(%dma_start3A_214 : memref<768xf32, #tpu.memory_space<hbm>>) target_semaphore(%arg8 : memref<!tpu.dma_semaphore, #tpu.memory_space<semaphore_mem>>)
      %slice3A_218 = vector.extract_strided_slice %get3A_48 {offsets = [9], sizes = [1], strides = [1]} : vector<16xi32> to vector<1xi32>
      %squeeze3A_219 = vector.extract %slice3A_218[0] : i32 from vector<1xi32>
      %mul3A_220 = arith.constant 16 : i32
      %mul3A_221 = arith.muli %scan3A_44, %mul3A_220 : i32
      %add3A_222 = arith.addi %mul3A_2, %mul3A_221 : i32
      %add3A_223 = arith.constant 9 : i32
      %add3A_224 = arith.addi %add3A_222, %add3A_223 : i32
      %dma_start3A_225 = arith.constant 0 : i32
      %dma_start3A_226 = tpu.memref_slice %arg6[%squeeze3A_219, %dma_start3A_225] : memref<100x768xf32, #tpu.memory_space<vmem>> -> memref<1x768xf32, #tpu.memory_space<vmem>>
      %dma_start3A_227 = tpu.memref_squeeze %dma_start3A_226 : memref<1x768xf32, #tpu.memory_space<vmem>> -> memref<768xf32, #tpu.memory_space<vmem>>
      %dma_start3A_228 = arith.constant 0 : i32
      %dma_start3A_229 = tpu.memref_slice %arg4[%add3A_224, %dma_start3A_228] : memref<16384x768xf32, #tpu.memory_space<hbm>> -> memref<1x768xf32, #tpu.memory_space<hbm>>
      %dma_start3A_230 = tpu.memref_squeeze %dma_start3A_229 : memref<1x768xf32, #tpu.memory_space<hbm>> -> memref<768xf32, #tpu.memory_space<hbm>>
      %dma_start3A_231 = arith.constant 0 : i32
      %dma_start3A_232 = tpu.memref_slice %arg4[%add3A_224, %dma_start3A_231] : memref<16384x768xf32, #tpu.memory_space<hbm>> -> memref<1x768xf32, #tpu.memory_space<hbm>>
      %dma_start3A_233 = tpu.memref_squeeze %dma_start3A_232 : memref<1x768xf32, #tpu.memory_space<hbm>> -> memref<768xf32, #tpu.memory_space<hbm>>
      %dma_start3A_234 = arith.constant 0 : i32
      %dma_start3A_235 = tpu.memref_slice %arg6[%squeeze3A_219, %dma_start3A_234] : memref<100x768xf32, #tpu.memory_space<vmem>> -> memref<1x768xf32, #tpu.memory_space<vmem>>
      %dma_start3A_236 = tpu.memref_squeeze %dma_start3A_235 : memref<1x768xf32, #tpu.memory_space<vmem>> -> memref<768xf32, #tpu.memory_space<vmem>>
      tpu.enqueue_dma source(%dma_start3A_236 : memref<768xf32, #tpu.memory_space<vmem>>) target(%dma_start3A_233 : memref<768xf32, #tpu.memory_space<hbm>>) target_semaphore(%arg8 : memref<!tpu.dma_semaphore, #tpu.memory_space<semaphore_mem>>)
      %slice3A_237 = vector.extract_strided_slice %get3A_48 {offsets = [10], sizes = [1], strides = [1]} : vector<16xi32> to vector<1xi32>
      %squeeze3A_238 = vector.extract %slice3A_237[0] : i32 from vector<1xi32>
      %mul3A_239 = arith.constant 16 : i32
      %mul3A_240 = arith.muli %scan3A_44, %mul3A_239 : i32
      %add3A_241 = arith.addi %mul3A_2, %mul3A_240 : i32
      %add3A_242 = arith.constant 10 : i32
      %add3A_243 = arith.addi %add3A_241, %add3A_242 : i32
      %dma_start3A_244 = arith.constant 0 : i32
      %dma_start3A_245 = tpu.memref_slice %arg6[%squeeze3A_238, %dma_start3A_244] : memref<100x768xf32, #tpu.memory_space<vmem>> -> memref<1x768xf32, #tpu.memory_space<vmem>>
      %dma_start3A_246 = tpu.memref_squeeze %dma_start3A_245 : memref<1x768xf32, #tpu.memory_space<vmem>> -> memref<768xf32, #tpu.memory_space<vmem>>
      %dma_start3A_247 = arith.constant 0 : i32
      %dma_start3A_248 = tpu.memref_slice %arg4[%add3A_243, %dma_start3A_247] : memref<16384x768xf32, #tpu.memory_space<hbm>> -> memref<1x768xf32, #tpu.memory_space<hbm>>
      %dma_start3A_249 = tpu.memref_squeeze %dma_start3A_248 : memref<1x768xf32, #tpu.memory_space<hbm>> -> memref<768xf32, #tpu.memory_space<hbm>>
      %dma_start3A_250 = arith.constant 0 : i32
      %dma_start3A_251 = tpu.memref_slice %arg4[%add3A_243, %dma_start3A_250] : memref<16384x768xf32, #tpu.memory_space<hbm>> -> memref<1x768xf32, #tpu.memory_space<hbm>>
      %dma_start3A_252 = tpu.memref_squeeze %dma_start3A_251 : memref<1x768xf32, #tpu.memory_space<hbm>> -> memref<768xf32, #tpu.memory_space<hbm>>
      %dma_start3A_253 = arith.constant 0 : i32
      %dma_start3A_254 = tpu.memref_slice %arg6[%squeeze3A_238, %dma_start3A_253] : memref<100x768xf32, #tpu.memory_space<vmem>> -> memref<1x768xf32, #tpu.memory_space<vmem>>
      %dma_start3A_255 = tpu.memref_squeeze %dma_start3A_254 : memref<1x768xf32, #tpu.memory_space<vmem>> -> memref<768xf32, #tpu.memory_space<vmem>>
      tpu.enqueue_dma source(%dma_start3A_255 : memref<768xf32, #tpu.memory_space<vmem>>) target(%dma_start3A_252 : memref<768xf32, #tpu.memory_space<hbm>>) target_semaphore(%arg8 : memref<!tpu.dma_semaphore, #tpu.memory_space<semaphore_mem>>)
      %slice3A_256 = vector.extract_strided_slice %get3A_48 {offsets = [11], sizes = [1], strides = [1]} : vector<16xi32> to vector<1xi32>
      %squeeze3A_257 = vector.extract %slice3A_256[0] : i32 from vector<1xi32>
      %mul3A_258 = arith.constant 16 : i32
      %mul3A_259 = arith.muli %scan3A_44, %mul3A_258 : i32
      %add3A_260 = arith.addi %mul3A_2, %mul3A_259 : i32
      %add3A_261 = arith.constant 11 : i32
      %add3A_262 = arith.addi %add3A_260, %add3A_261 : i32
      %dma_start3A_263 = arith.constant 0 : i32
      %dma_start3A_264 = tpu.memref_slice %arg6[%squeeze3A_257, %dma_start3A_263] : memref<100x768xf32, #tpu.memory_space<vmem>> -> memref<1x768xf32, #tpu.memory_space<vmem>>
      %dma_start3A_265 = tpu.memref_squeeze %dma_start3A_264 : memref<1x768xf32, #tpu.memory_space<vmem>> -> memref<768xf32, #tpu.memory_space<vmem>>
      %dma_start3A_266 = arith.constant 0 : i32
      %dma_start3A_267 = tpu.memref_slice %arg4[%add3A_262, %dma_start3A_266] : memref<16384x768xf32, #tpu.memory_space<hbm>> -> memref<1x768xf32, #tpu.memory_space<hbm>>
      %dma_start3A_268 = tpu.memref_squeeze %dma_start3A_267 : memref<1x768xf32, #tpu.memory_space<hbm>> -> memref<768xf32, #tpu.memory_space<hbm>>
      %dma_start3A_269 = arith.constant 0 : i32
      %dma_start3A_270 = tpu.memref_slice %arg4[%add3A_262, %dma_start3A_269] : memref<16384x768xf32, #tpu.memory_space<hbm>> -> memref<1x768xf32, #tpu.memory_space<hbm>>
      %dma_start3A_271 = tpu.memref_squeeze %dma_start3A_270 : memref<1x768xf32, #tpu.memory_space<hbm>> -> memref<768xf32, #tpu.memory_space<hbm>>
      %dma_start3A_272 = arith.constant 0 : i32
      %dma_start3A_273 = tpu.memref_slice %arg6[%squeeze3A_257, %dma_start3A_272] : memref<100x768xf32, #tpu.memory_space<vmem>> -> memref<1x768xf32, #tpu.memory_space<vmem>>
      %dma_start3A_274 = tpu.memref_squeeze %dma_start3A_273 : memref<1x768xf32, #tpu.memory_space<vmem>> -> memref<768xf32, #tpu.memory_space<vmem>>
      tpu.enqueue_dma source(%dma_start3A_274 : memref<768xf32, #tpu.memory_space<vmem>>) target(%dma_start3A_271 : memref<768xf32, #tpu.memory_space<hbm>>) target_semaphore(%arg8 : memref<!tpu.dma_semaphore, #tpu.memory_space<semaphore_mem>>)
      %slice3A_275 = vector.extract_strided_slice %get3A_48 {offsets = [12], sizes = [1], strides = [1]} : vector<16xi32> to vector<1xi32>
      %squeeze3A_276 = vector.extract %slice3A_275[0] : i32 from vector<1xi32>
      %mul3A_277 = arith.constant 16 : i32
      %mul3A_278 = arith.muli %scan3A_44, %mul3A_277 : i32
      %add3A_279 = arith.addi %mul3A_2, %mul3A_278 : i32
      %add3A_280 = arith.constant 12 : i32
      %add3A_281 = arith.addi %add3A_279, %add3A_280 : i32
      %dma_start3A_282 = arith.constant 0 : i32
      %dma_start3A_283 = tpu.memref_slice %arg6[%squeeze3A_276, %dma_start3A_282] : memref<100x768xf32, #tpu.memory_space<vmem>> -> memref<1x768xf32, #tpu.memory_space<vmem>>
      %dma_start3A_284 = tpu.memref_squeeze %dma_start3A_283 : memref<1x768xf32, #tpu.memory_space<vmem>> -> memref<768xf32, #tpu.memory_space<vmem>>
      %dma_start3A_285 = arith.constant 0 : i32
      %dma_start3A_286 = tpu.memref_slice %arg4[%add3A_281, %dma_start3A_285] : memref<16384x768xf32, #tpu.memory_space<hbm>> -> memref<1x768xf32, #tpu.memory_space<hbm>>
      %dma_start3A_287 = tpu.memref_squeeze %dma_start3A_286 : memref<1x768xf32, #tpu.memory_space<hbm>> -> memref<768xf32, #tpu.memory_space<hbm>>
      %dma_start3A_288 = arith.constant 0 : i32
      %dma_start3A_289 = tpu.memref_slice %arg4[%add3A_281, %dma_start3A_288] : memref<16384x768xf32, #tpu.memory_space<hbm>> -> memref<1x768xf32, #tpu.memory_space<hbm>>
      %dma_start3A_290 = tpu.memref_squeeze %dma_start3A_289 : memref<1x768xf32, #tpu.memory_space<hbm>> -> memref<768xf32, #tpu.memory_space<hbm>>
      %dma_start3A_291 = arith.constant 0 : i32
      %dma_start3A_292 = tpu.memref_slice %arg6[%squeeze3A_276, %dma_start3A_291] : memref<100x768xf32, #tpu.memory_space<vmem>> -> memref<1x768xf32, #tpu.memory_space<vmem>>
      %dma_start3A_293 = tpu.memref_squeeze %dma_start3A_292 : memref<1x768xf32, #tpu.memory_space<vmem>> -> memref<768xf32, #tpu.memory_space<vmem>>
      tpu.enqueue_dma source(%dma_start3A_293 : memref<768xf32, #tpu.memory_space<vmem>>) target(%dma_start3A_290 : memref<768xf32, #tpu.memory_space<hbm>>) target_semaphore(%arg8 : memref<!tpu.dma_semaphore, #tpu.memory_space<semaphore_mem>>)
      %slice3A_294 = vector.extract_strided_slice %get3A_48 {offsets = [13], sizes = [1], strides = [1]} : vector<16xi32> to vector<1xi32>
      %squeeze3A_295 = vector.extract %slice3A_294[0] : i32 from vector<1xi32>
      %mul3A_296 = arith.constant 16 : i32
      %mul3A_297 = arith.muli %scan3A_44, %mul3A_296 : i32
      %add3A_298 = arith.addi %mul3A_2, %mul3A_297 : i32
      %add3A_299 = arith.constant 13 : i32
      %add3A_300 = arith.addi %add3A_298, %add3A_299 : i32
      %dma_start3A_301 = arith.constant 0 : i32
      %dma_start3A_302 = tpu.memref_slice %arg6[%squeeze3A_295, %dma_start3A_301] : memref<100x768xf32, #tpu.memory_space<vmem>> -> memref<1x768xf32, #tpu.memory_space<vmem>>
      %dma_start3A_303 = tpu.memref_squeeze %dma_start3A_302 : memref<1x768xf32, #tpu.memory_space<vmem>> -> memref<768xf32, #tpu.memory_space<vmem>>
      %dma_start3A_304 = arith.constant 0 : i32
      %dma_start3A_305 = tpu.memref_slice %arg4[%add3A_300, %dma_start3A_304] : memref<16384x768xf32, #tpu.memory_space<hbm>> -> memref<1x768xf32, #tpu.memory_space<hbm>>
      %dma_start3A_306 = tpu.memref_squeeze %dma_start3A_305 : memref<1x768xf32, #tpu.memory_space<hbm>> -> memref<768xf32, #tpu.memory_space<hbm>>
      %dma_start3A_307 = arith.constant 0 : i32
      %dma_start3A_308 = tpu.memref_slice %arg4[%add3A_300, %dma_start3A_307] : memref<16384x768xf32, #tpu.memory_space<hbm>> -> memref<1x768xf32, #tpu.memory_space<hbm>>
      %dma_start3A_309 = tpu.memref_squeeze %dma_start3A_308 : memref<1x768xf32, #tpu.memory_space<hbm>> -> memref<768xf32, #tpu.memory_space<hbm>>
      %dma_start3A_310 = arith.constant 0 : i32
      %dma_start3A_311 = tpu.memref_slice %arg6[%squeeze3A_295, %dma_start3A_310] : memref<100x768xf32, #tpu.memory_space<vmem>> -> memref<1x768xf32, #tpu.memory_space<vmem>>
      %dma_start3A_312 = tpu.memref_squeeze %dma_start3A_311 : memref<1x768xf32, #tpu.memory_space<vmem>> -> memref<768xf32, #tpu.memory_space<vmem>>
      tpu.enqueue_dma source(%dma_start3A_312 : memref<768xf32, #tpu.memory_space<vmem>>) target(%dma_start3A_309 : memref<768xf32, #tpu.memory_space<hbm>>) target_semaphore(%arg8 : memref<!tpu.dma_semaphore, #tpu.memory_space<semaphore_mem>>)
      %slice3A_313 = vector.extract_strided_slice %get3A_48 {offsets = [14], sizes = [1], strides = [1]} : vector<16xi32> to vector<1xi32>
      %squeeze3A_314 = vector.extract %slice3A_313[0] : i32 from vector<1xi32>
      %mul3A_315 = arith.constant 16 : i32
      %mul3A_316 = arith.muli %scan3A_44, %mul3A_315 : i32
      %add3A_317 = arith.addi %mul3A_2, %mul3A_316 : i32
      %add3A_318 = arith.constant 14 : i32
      %add3A_319 = arith.addi %add3A_317, %add3A_318 : i32
      %dma_start3A_320 = arith.constant 0 : i32
      %dma_start3A_321 = tpu.memref_slice %arg6[%squeeze3A_314, %dma_start3A_320] : memref<100x768xf32, #tpu.memory_space<vmem>> -> memref<1x768xf32, #tpu.memory_space<vmem>>
      %dma_start3A_322 = tpu.memref_squeeze %dma_start3A_321 : memref<1x768xf32, #tpu.memory_space<vmem>> -> memref<768xf32, #tpu.memory_space<vmem>>
      %dma_start3A_323 = arith.constant 0 : i32
      %dma_start3A_324 = tpu.memref_slice %arg4[%add3A_319, %dma_start3A_323] : memref<16384x768xf32, #tpu.memory_space<hbm>> -> memref<1x768xf32, #tpu.memory_space<hbm>>
      %dma_start3A_325 = tpu.memref_squeeze %dma_start3A_324 : memref<1x768xf32, #tpu.memory_space<hbm>> -> memref<768xf32, #tpu.memory_space<hbm>>
      %dma_start3A_326 = arith.constant 0 : i32
      %dma_start3A_327 = tpu.memref_slice %arg4[%add3A_319, %dma_start3A_326] : memref<16384x768xf32, #tpu.memory_space<hbm>> -> memref<1x768xf32, #tpu.memory_space<hbm>>
      %dma_start3A_328 = tpu.memref_squeeze %dma_start3A_327 : memref<1x768xf32, #tpu.memory_space<hbm>> -> memref<768xf32, #tpu.memory_space<hbm>>
      %dma_start3A_329 = arith.constant 0 : i32
      %dma_start3A_330 = tpu.memref_slice %arg6[%squeeze3A_314, %dma_start3A_329] : memref<100x768xf32, #tpu.memory_space<vmem>> -> memref<1x768xf32, #tpu.memory_space<vmem>>
      %dma_start3A_331 = tpu.memref_squeeze %dma_start3A_330 : memref<1x768xf32, #tpu.memory_space<vmem>> -> memref<768xf32, #tpu.memory_space<vmem>>
      tpu.enqueue_dma source(%dma_start3A_331 : memref<768xf32, #tpu.memory_space<vmem>>) target(%dma_start3A_328 : memref<768xf32, #tpu.memory_space<hbm>>) target_semaphore(%arg8 : memref<!tpu.dma_semaphore, #tpu.memory_space<semaphore_mem>>)
      %slice3A_332 = vector.extract_strided_slice %get3A_48 {offsets = [15], sizes = [1], strides = [1]} : vector<16xi32> to vector<1xi32>
      %squeeze3A_333 = vector.extract %slice3A_332[0] : i32 from vector<1xi32>
      %mul3A_334 = arith.constant 16 : i32
      %mul3A_335 = arith.muli %scan3A_44, %mul3A_334 : i32
      %add3A_336 = arith.addi %mul3A_2, %mul3A_335 : i32
      %add3A_337 = arith.constant 15 : i32
      %add3A_338 = arith.addi %add3A_336, %add3A_337 : i32
      %dma_start3A_339 = arith.constant 0 : i32
      %dma_start3A_340 = tpu.memref_slice %arg6[%squeeze3A_333, %dma_start3A_339] : memref<100x768xf32, #tpu.memory_space<vmem>> -> memref<1x768xf32, #tpu.memory_space<vmem>>
      %dma_start3A_341 = tpu.memref_squeeze %dma_start3A_340 : memref<1x768xf32, #tpu.memory_space<vmem>> -> memref<768xf32, #tpu.memory_space<vmem>>
      %dma_start3A_342 = arith.constant 0 : i32
      %dma_start3A_343 = tpu.memref_slice %arg4[%add3A_338, %dma_start3A_342] : memref<16384x768xf32, #tpu.memory_space<hbm>> -> memref<1x768xf32, #tpu.memory_space<hbm>>
      %dma_start3A_344 = tpu.memref_squeeze %dma_start3A_343 : memref<1x768xf32, #tpu.memory_space<hbm>> -> memref<768xf32, #tpu.memory_space<hbm>>
      %dma_start3A_345 = arith.constant 0 : i32
      %dma_start3A_346 = tpu.memref_slice %arg4[%add3A_338, %dma_start3A_345] : memref<16384x768xf32, #tpu.memory_space<hbm>> -> memref<1x768xf32, #tpu.memory_space<hbm>>
      %dma_start3A_347 = tpu.memref_squeeze %dma_start3A_346 : memref<1x768xf32, #tpu.memory_space<hbm>> -> memref<768xf32, #tpu.memory_space<hbm>>
      %dma_start3A_348 = arith.constant 0 : i32
      %dma_start3A_349 = tpu.memref_slice %arg6[%squeeze3A_333, %dma_start3A_348] : memref<100x768xf32, #tpu.memory_space<vmem>> -> memref<1x768xf32, #tpu.memory_space<vmem>>
      %dma_start3A_350 = tpu.memref_squeeze %dma_start3A_349 : memref<1x768xf32, #tpu.memory_space<vmem>> -> memref<768xf32, #tpu.memory_space<vmem>>
      tpu.enqueue_dma source(%dma_start3A_350 : memref<768xf32, #tpu.memory_space<vmem>>) target(%dma_start3A_347 : memref<768xf32, #tpu.memory_space<hbm>>) target_semaphore(%arg8 : memref<!tpu.dma_semaphore, #tpu.memory_space<semaphore_mem>>)
    }
    %scan3A_31 = arith.constant 4 : i32
    %scan3A_32 = arith.constant 0 : i32
    %scan3A_33 = arith.constant 4 : i32
    %scan3A_34 = arith.constant 28 : i32
    %scan3A_35 = arith.addi %scan3A_33, %scan3A_34 : i32
    %scan3A_36 = arith.constant 1 : i32
    scf.for %scan3A_44 = %scan3A_33 to %scan3A_35 step %scan3A_36  : i32 {
      %dma_wait3A_45 = arith.constant 0 : i32
      %dma_wait3A_46 = arith.constant 0 : i32
      %dma_wait3A_47 = tpu.memref_slice %arg6[%dma_wait3A_45, %dma_wait3A_46] : memref<100x768xf32, #tpu.memory_space<vmem>> -> memref<1x768xf32, #tpu.memory_space<vmem>>
      %dma_wait3A_48 = tpu.memref_squeeze %dma_wait3A_47 : memref<1x768xf32, #tpu.memory_space<vmem>> -> memref<768xf32, #tpu.memory_space<vmem>>
      %dma_wait3A_49 = arith.constant 0 : i32
      %dma_wait3A_50 = tpu.memref_slice %arg4[%mul3A_2, %dma_wait3A_49] : memref<16384x768xf32, #tpu.memory_space<hbm>> -> memref<1x768xf32, #tpu.memory_space<hbm>>
      %dma_wait3A_51 = tpu.memref_squeeze %dma_wait3A_50 : memref<1x768xf32, #tpu.memory_space<hbm>> -> memref<768xf32, #tpu.memory_space<hbm>>
      %dma_wait3A_52 = arith.constant 0 : i32
      %dma_wait3A_53 = tpu.memref_slice %arg6[%dma_wait3A_45, %dma_wait3A_52] : memref<100x768xf32, #tpu.memory_space<vmem>> -> memref<1x768xf32, #tpu.memory_space<vmem>>
      %dma_wait3A_54 = tpu.memref_squeeze %dma_wait3A_53 : memref<1x768xf32, #tpu.memory_space<vmem>> -> memref<768xf32, #tpu.memory_space<vmem>>
      %dma_wait3A_55 = arith.constant 0 : i32
      %dma_wait3A_56 = tpu.memref_slice %arg4[%mul3A_2, %dma_wait3A_55] : memref<16384x768xf32, #tpu.memory_space<hbm>> -> memref<1x768xf32, #tpu.memory_space<hbm>>
      %dma_wait3A_57 = tpu.memref_squeeze %dma_wait3A_56 : memref<1x768xf32, #tpu.memory_space<hbm>> -> memref<768xf32, #tpu.memory_space<hbm>>
      tpu.wait_dma2 semaphore(%arg8 : memref<!tpu.dma_semaphore, #tpu.memory_space<semaphore_mem>>) src(%dma_wait3A_57 : memref<768xf32, #tpu.memory_space<hbm>>) dst(%dma_wait3A_54 : memref<768xf32, #tpu.memory_space<vmem>>)
      %dma_wait3A_58 = arith.constant 0 : i32
      %dma_wait3A_59 = arith.constant 0 : i32
      %dma_wait3A_60 = tpu.memref_slice %arg6[%dma_wait3A_58, %dma_wait3A_59] : memref<100x768xf32, #tpu.memory_space<vmem>> -> memref<1x768xf32, #tpu.memory_space<vmem>>
      %dma_wait3A_61 = tpu.memref_squeeze %dma_wait3A_60 : memref<1x768xf32, #tpu.memory_space<vmem>> -> memref<768xf32, #tpu.memory_space<vmem>>
      %dma_wait3A_62 = arith.constant 0 : i32
      %dma_wait3A_63 = tpu.memref_slice %arg4[%mul3A_2, %dma_wait3A_62] : memref<16384x768xf32, #tpu.memory_space<hbm>> -> memref<1x768xf32, #tpu.memory_space<hbm>>
      %dma_wait3A_64 = tpu.memref_squeeze %dma_wait3A_63 : memref<1x768xf32, #tpu.memory_space<hbm>> -> memref<768xf32, #tpu.memory_space<hbm>>
      %dma_wait3A_65 = arith.constant 0 : i32
      %dma_wait3A_66 = tpu.memref_slice %arg6[%dma_wait3A_58, %dma_wait3A_65] : memref<100x768xf32, #tpu.memory_space<vmem>> -> memref<1x768xf32, #tpu.memory_space<vmem>>
      %dma_wait3A_67 = tpu.memref_squeeze %dma_wait3A_66 : memref<1x768xf32, #tpu.memory_space<vmem>> -> memref<768xf32, #tpu.memory_space<vmem>>
      %dma_wait3A_68 = arith.constant 0 : i32
      %dma_wait3A_69 = tpu.memref_slice %arg4[%mul3A_2, %dma_wait3A_68] : memref<16384x768xf32, #tpu.memory_space<hbm>> -> memref<1x768xf32, #tpu.memory_space<hbm>>
      %dma_wait3A_70 = tpu.memref_squeeze %dma_wait3A_69 : memref<1x768xf32, #tpu.memory_space<hbm>> -> memref<768xf32, #tpu.memory_space<hbm>>
      tpu.wait_dma2 semaphore(%arg8 : memref<!tpu.dma_semaphore, #tpu.memory_space<semaphore_mem>>) src(%dma_wait3A_70 : memref<768xf32, #tpu.memory_space<hbm>>) dst(%dma_wait3A_67 : memref<768xf32, #tpu.memory_space<vmem>>)
      %dma_wait3A_71 = arith.constant 0 : i32
      %dma_wait3A_72 = arith.constant 0 : i32
      %dma_wait3A_73 = tpu.memref_slice %arg6[%dma_wait3A_71, %dma_wait3A_72] : memref<100x768xf32, #tpu.memory_space<vmem>> -> memref<1x768xf32, #tpu.memory_space<vmem>>
      %dma_wait3A_74 = tpu.memref_squeeze %dma_wait3A_73 : memref<1x768xf32, #tpu.memory_space<vmem>> -> memref<768xf32, #tpu.memory_space<vmem>>
      %dma_wait3A_75 = arith.constant 0 : i32
      %dma_wait3A_76 = tpu.memref_slice %arg4[%mul3A_2, %dma_wait3A_75] : memref<16384x768xf32, #tpu.memory_space<hbm>> -> memref<1x768xf32, #tpu.memory_space<hbm>>
      %dma_wait3A_77 = tpu.memref_squeeze %dma_wait3A_76 : memref<1x768xf32, #tpu.memory_space<hbm>> -> memref<768xf32, #tpu.memory_space<hbm>>
      %dma_wait3A_78 = arith.constant 0 : i32
      %dma_wait3A_79 = tpu.memref_slice %arg6[%dma_wait3A_71, %dma_wait3A_78] : memref<100x768xf32, #tpu.memory_space<vmem>> -> memref<1x768xf32, #tpu.memory_space<vmem>>
      %dma_wait3A_80 = tpu.memref_squeeze %dma_wait3A_79 : memref<1x768xf32, #tpu.memory_space<vmem>> -> memref<768xf32, #tpu.memory_space<vmem>>
      %dma_wait3A_81 = arith.constant 0 : i32
      %dma_wait3A_82 = tpu.memref_slice %arg4[%mul3A_2, %dma_wait3A_81] : memref<16384x768xf32, #tpu.memory_space<hbm>> -> memref<1x768xf32, #tpu.memory_space<hbm>>
      %dma_wait3A_83 = tpu.memref_squeeze %dma_wait3A_82 : memref<1x768xf32, #tpu.memory_space<hbm>> -> memref<768xf32, #tpu.memory_space<hbm>>
      tpu.wait_dma2 semaphore(%arg8 : memref<!tpu.dma_semaphore, #tpu.memory_space<semaphore_mem>>) src(%dma_wait3A_83 : memref<768xf32, #tpu.memory_space<hbm>>) dst(%dma_wait3A_80 : memref<768xf32, #tpu.memory_space<vmem>>)
      %dma_wait3A_84 = arith.constant 0 : i32
      %dma_wait3A_85 = arith.constant 0 : i32
      %dma_wait3A_86 = tpu.memref_slice %arg6[%dma_wait3A_84, %dma_wait3A_85] : memref<100x768xf32, #tpu.memory_space<vmem>> -> memref<1x768xf32, #tpu.memory_space<vmem>>
      %dma_wait3A_87 = tpu.memref_squeeze %dma_wait3A_86 : memref<1x768xf32, #tpu.memory_space<vmem>> -> memref<768xf32, #tpu.memory_space<vmem>>
      %dma_wait3A_88 = arith.constant 0 : i32
      %dma_wait3A_89 = tpu.memref_slice %arg4[%mul3A_2, %dma_wait3A_88] : memref<16384x768xf32, #tpu.memory_space<hbm>> -> memref<1x768xf32, #tpu.memory_space<hbm>>
      %dma_wait3A_90 = tpu.memref_squeeze %dma_wait3A_89 : memref<1x768xf32, #tpu.memory_space<hbm>> -> memref<768xf32, #tpu.memory_space<hbm>>
      %dma_wait3A_91 = arith.constant 0 : i32
      %dma_wait3A_92 = tpu.memref_slice %arg6[%dma_wait3A_84, %dma_wait3A_91] : memref<100x768xf32, #tpu.memory_space<vmem>> -> memref<1x768xf32, #tpu.memory_space<vmem>>
      %dma_wait3A_93 = tpu.memref_squeeze %dma_wait3A_92 : memref<1x768xf32, #tpu.memory_space<vmem>> -> memref<768xf32, #tpu.memory_space<vmem>>
      %dma_wait3A_94 = arith.constant 0 : i32
      %dma_wait3A_95 = tpu.memref_slice %arg4[%mul3A_2, %dma_wait3A_94] : memref<16384x768xf32, #tpu.memory_space<hbm>> -> memref<1x768xf32, #tpu.memory_space<hbm>>
      %dma_wait3A_96 = tpu.memref_squeeze %dma_wait3A_95 : memref<1x768xf32, #tpu.memory_space<hbm>> -> memref<768xf32, #tpu.memory_space<hbm>>
      tpu.wait_dma2 semaphore(%arg8 : memref<!tpu.dma_semaphore, #tpu.memory_space<semaphore_mem>>) src(%dma_wait3A_96 : memref<768xf32, #tpu.memory_space<hbm>>) dst(%dma_wait3A_93 : memref<768xf32, #tpu.memory_space<vmem>>)
      %dma_wait3A_97 = arith.constant 0 : i32
      %dma_wait3A_98 = arith.constant 0 : i32
      %dma_wait3A_99 = tpu.memref_slice %arg6[%dma_wait3A_97, %dma_wait3A_98] : memref<100x768xf32, #tpu.memory_space<vmem>> -> memref<1x768xf32, #tpu.memory_space<vmem>>
      %dma_wait3A_100 = tpu.memref_squeeze %dma_wait3A_99 : memref<1x768xf32, #tpu.memory_space<vmem>> -> memref<768xf32, #tpu.memory_space<vmem>>
      %dma_wait3A_101 = arith.constant 0 : i32
      %dma_wait3A_102 = tpu.memref_slice %arg4[%mul3A_2, %dma_wait3A_101] : memref<16384x768xf32, #tpu.memory_space<hbm>> -> memref<1x768xf32, #tpu.memory_space<hbm>>
      %dma_wait3A_103 = tpu.memref_squeeze %dma_wait3A_102 : memref<1x768xf32, #tpu.memory_space<hbm>> -> memref<768xf32, #tpu.memory_space<hbm>>
      %dma_wait3A_104 = arith.constant 0 : i32
      %dma_wait3A_105 = tpu.memref_slice %arg6[%dma_wait3A_97, %dma_wait3A_104] : memref<100x768xf32, #tpu.memory_space<vmem>> -> memref<1x768xf32, #tpu.memory_space<vmem>>
      %dma_wait3A_106 = tpu.memref_squeeze %dma_wait3A_105 : memref<1x768xf32, #tpu.memory_space<vmem>> -> memref<768xf32, #tpu.memory_space<vmem>>
      %dma_wait3A_107 = arith.constant 0 : i32
      %dma_wait3A_108 = tpu.memref_slice %arg4[%mul3A_2, %dma_wait3A_107] : memref<16384x768xf32, #tpu.memory_space<hbm>> -> memref<1x768xf32, #tpu.memory_space<hbm>>
      %dma_wait3A_109 = tpu.memref_squeeze %dma_wait3A_108 : memref<1x768xf32, #tpu.memory_space<hbm>> -> memref<768xf32, #tpu.memory_space<hbm>>
      tpu.wait_dma2 semaphore(%arg8 : memref<!tpu.dma_semaphore, #tpu.memory_space<semaphore_mem>>) src(%dma_wait3A_109 : memref<768xf32, #tpu.memory_space<hbm>>) dst(%dma_wait3A_106 : memref<768xf32, #tpu.memory_space<vmem>>)
      %dma_wait3A_110 = arith.constant 0 : i32
      %dma_wait3A_111 = arith.constant 0 : i32
      %dma_wait3A_112 = tpu.memref_slice %arg6[%dma_wait3A_110, %dma_wait3A_111] : memref<100x768xf32, #tpu.memory_space<vmem>> -> memref<1x768xf32, #tpu.memory_space<vmem>>
      %dma_wait3A_113 = tpu.memref_squeeze %dma_wait3A_112 : memref<1x768xf32, #tpu.memory_space<vmem>> -> memref<768xf32, #tpu.memory_space<vmem>>
      %dma_wait3A_114 = arith.constant 0 : i32
      %dma_wait3A_115 = tpu.memref_slice %arg4[%mul3A_2, %dma_wait3A_114] : memref<16384x768xf32, #tpu.memory_space<hbm>> -> memref<1x768xf32, #tpu.memory_space<hbm>>
      %dma_wait3A_116 = tpu.memref_squeeze %dma_wait3A_115 : memref<1x768xf32, #tpu.memory_space<hbm>> -> memref<768xf32, #tpu.memory_space<hbm>>
      %dma_wait3A_117 = arith.constant 0 : i32
      %dma_wait3A_118 = tpu.memref_slice %arg6[%dma_wait3A_110, %dma_wait3A_117] : memref<100x768xf32, #tpu.memory_space<vmem>> -> memref<1x768xf32, #tpu.memory_space<vmem>>
      %dma_wait3A_119 = tpu.memref_squeeze %dma_wait3A_118 : memref<1x768xf32, #tpu.memory_space<vmem>> -> memref<768xf32, #tpu.memory_space<vmem>>
      %dma_wait3A_120 = arith.constant 0 : i32
      %dma_wait3A_121 = tpu.memref_slice %arg4[%mul3A_2, %dma_wait3A_120] : memref<16384x768xf32, #tpu.memory_space<hbm>> -> memref<1x768xf32, #tpu.memory_space<hbm>>
      %dma_wait3A_122 = tpu.memref_squeeze %dma_wait3A_121 : memref<1x768xf32, #tpu.memory_space<hbm>> -> memref<768xf32, #tpu.memory_space<hbm>>
      tpu.wait_dma2 semaphore(%arg8 : memref<!tpu.dma_semaphore, #tpu.memory_space<semaphore_mem>>) src(%dma_wait3A_122 : memref<768xf32, #tpu.memory_space<hbm>>) dst(%dma_wait3A_119 : memref<768xf32, #tpu.memory_space<vmem>>)
      %dma_wait3A_123 = arith.constant 0 : i32
      %dma_wait3A_124 = arith.constant 0 : i32
      %dma_wait3A_125 = tpu.memref_slice %arg6[%dma_wait3A_123, %dma_wait3A_124] : memref<100x768xf32, #tpu.memory_space<vmem>> -> memref<1x768xf32, #tpu.memory_space<vmem>>
      %dma_wait3A_126 = tpu.memref_squeeze %dma_wait3A_125 : memref<1x768xf32, #tpu.memory_space<vmem>> -> memref<768xf32, #tpu.memory_space<vmem>>
      %dma_wait3A_127 = arith.constant 0 : i32
      %dma_wait3A_128 = tpu.memref_slice %arg4[%mul3A_2, %dma_wait3A_127] : memref<16384x768xf32, #tpu.memory_space<hbm>> -> memref<1x768xf32, #tpu.memory_space<hbm>>
      %dma_wait3A_129 = tpu.memref_squeeze %dma_wait3A_128 : memref<1x768xf32, #tpu.memory_space<hbm>> -> memref<768xf32, #tpu.memory_space<hbm>>
      %dma_wait3A_130 = arith.constant 0 : i32
      %dma_wait3A_131 = tpu.memref_slice %arg6[%dma_wait3A_123, %dma_wait3A_130] : memref<100x768xf32, #tpu.memory_space<vmem>> -> memref<1x768xf32, #tpu.memory_space<vmem>>
      %dma_wait3A_132 = tpu.memref_squeeze %dma_wait3A_131 : memref<1x768xf32, #tpu.memory_space<vmem>> -> memref<768xf32, #tpu.memory_space<vmem>>
      %dma_wait3A_133 = arith.constant 0 : i32
      %dma_wait3A_134 = tpu.memref_slice %arg4[%mul3A_2, %dma_wait3A_133] : memref<16384x768xf32, #tpu.memory_space<hbm>> -> memref<1x768xf32, #tpu.memory_space<hbm>>
      %dma_wait3A_135 = tpu.memref_squeeze %dma_wait3A_134 : memref<1x768xf32, #tpu.memory_space<hbm>> -> memref<768xf32, #tpu.memory_space<hbm>>
      tpu.wait_dma2 semaphore(%arg8 : memref<!tpu.dma_semaphore, #tpu.memory_space<semaphore_mem>>) src(%dma_wait3A_135 : memref<768xf32, #tpu.memory_space<hbm>>) dst(%dma_wait3A_132 : memref<768xf32, #tpu.memory_space<vmem>>)
      %dma_wait3A_136 = arith.constant 0 : i32
      %dma_wait3A_137 = arith.constant 0 : i32
      %dma_wait3A_138 = tpu.memref_slice %arg6[%dma_wait3A_136, %dma_wait3A_137] : memref<100x768xf32, #tpu.memory_space<vmem>> -> memref<1x768xf32, #tpu.memory_space<vmem>>
      %dma_wait3A_139 = tpu.memref_squeeze %dma_wait3A_138 : memref<1x768xf32, #tpu.memory_space<vmem>> -> memref<768xf32, #tpu.memory_space<vmem>>
      %dma_wait3A_140 = arith.constant 0 : i32
      %dma_wait3A_141 = tpu.memref_slice %arg4[%mul3A_2, %dma_wait3A_140] : memref<16384x768xf32, #tpu.memory_space<hbm>> -> memref<1x768xf32, #tpu.memory_space<hbm>>
      %dma_wait3A_142 = tpu.memref_squeeze %dma_wait3A_141 : memref<1x768xf32, #tpu.memory_space<hbm>> -> memref<768xf32, #tpu.memory_space<hbm>>
      %dma_wait3A_143 = arith.constant 0 : i32
      %dma_wait3A_144 = tpu.memref_slice %arg6[%dma_wait3A_136, %dma_wait3A_143] : memref<100x768xf32, #tpu.memory_space<vmem>> -> memref<1x768xf32, #tpu.memory_space<vmem>>
      %dma_wait3A_145 = tpu.memref_squeeze %dma_wait3A_144 : memref<1x768xf32, #tpu.memory_space<vmem>> -> memref<768xf32, #tpu.memory_space<vmem>>
      %dma_wait3A_146 = arith.constant 0 : i32
      %dma_wait3A_147 = tpu.memref_slice %arg4[%mul3A_2, %dma_wait3A_146] : memref<16384x768xf32, #tpu.memory_space<hbm>> -> memref<1x768xf32, #tpu.memory_space<hbm>>
      %dma_wait3A_148 = tpu.memref_squeeze %dma_wait3A_147 : memref<1x768xf32, #tpu.memory_space<hbm>> -> memref<768xf32, #tpu.memory_space<hbm>>
      tpu.wait_dma2 semaphore(%arg8 : memref<!tpu.dma_semaphore, #tpu.memory_space<semaphore_mem>>) src(%dma_wait3A_148 : memref<768xf32, #tpu.memory_space<hbm>>) dst(%dma_wait3A_145 : memref<768xf32, #tpu.memory_space<vmem>>)
      %dma_wait3A_149 = arith.constant 0 : i32
      %dma_wait3A_150 = arith.constant 0 : i32
      %dma_wait3A_151 = tpu.memref_slice %arg6[%dma_wait3A_149, %dma_wait3A_150] : memref<100x768xf32, #tpu.memory_space<vmem>> -> memref<1x768xf32, #tpu.memory_space<vmem>>
      %dma_wait3A_152 = tpu.memref_squeeze %dma_wait3A_151 : memref<1x768xf32, #tpu.memory_space<vmem>> -> memref<768xf32, #tpu.memory_space<vmem>>
      %dma_wait3A_153 = arith.constant 0 : i32
      %dma_wait3A_154 = tpu.memref_slice %arg4[%mul3A_2, %dma_wait3A_153] : memref<16384x768xf32, #tpu.memory_space<hbm>> -> memref<1x768xf32, #tpu.memory_space<hbm>>
      %dma_wait3A_155 = tpu.memref_squeeze %dma_wait3A_154 : memref<1x768xf32, #tpu.memory_space<hbm>> -> memref<768xf32, #tpu.memory_space<hbm>>
      %dma_wait3A_156 = arith.constant 0 : i32
      %dma_wait3A_157 = tpu.memref_slice %arg6[%dma_wait3A_149, %dma_wait3A_156] : memref<100x768xf32, #tpu.memory_space<vmem>> -> memref<1x768xf32, #tpu.memory_space<vmem>>
      %dma_wait3A_158 = tpu.memref_squeeze %dma_wait3A_157 : memref<1x768xf32, #tpu.memory_space<vmem>> -> memref<768xf32, #tpu.memory_space<vmem>>
      %dma_wait3A_159 = arith.constant 0 : i32
      %dma_wait3A_160 = tpu.memref_slice %arg4[%mul3A_2, %dma_wait3A_159] : memref<16384x768xf32, #tpu.memory_space<hbm>> -> memref<1x768xf32, #tpu.memory_space<hbm>>
      %dma_wait3A_161 = tpu.memref_squeeze %dma_wait3A_160 : memref<1x768xf32, #tpu.memory_space<hbm>> -> memref<768xf32, #tpu.memory_space<hbm>>
      tpu.wait_dma2 semaphore(%arg8 : memref<!tpu.dma_semaphore, #tpu.memory_space<semaphore_mem>>) src(%dma_wait3A_161 : memref<768xf32, #tpu.memory_space<hbm>>) dst(%dma_wait3A_158 : memref<768xf32, #tpu.memory_space<vmem>>)
      %dma_wait3A_162 = arith.constant 0 : i32
      %dma_wait3A_163 = arith.constant 0 : i32
      %dma_wait3A_164 = tpu.memref_slice %arg6[%dma_wait3A_162, %dma_wait3A_163] : memref<100x768xf32, #tpu.memory_space<vmem>> -> memref<1x768xf32, #tpu.memory_space<vmem>>
      %dma_wait3A_165 = tpu.memref_squeeze %dma_wait3A_164 : memref<1x768xf32, #tpu.memory_space<vmem>> -> memref<768xf32, #tpu.memory_space<vmem>>
      %dma_wait3A_166 = arith.constant 0 : i32
      %dma_wait3A_167 = tpu.memref_slice %arg4[%mul3A_2, %dma_wait3A_166] : memref<16384x768xf32, #tpu.memory_space<hbm>> -> memref<1x768xf32, #tpu.memory_space<hbm>>
      %dma_wait3A_168 = tpu.memref_squeeze %dma_wait3A_167 : memref<1x768xf32, #tpu.memory_space<hbm>> -> memref<768xf32, #tpu.memory_space<hbm>>
      %dma_wait3A_169 = arith.constant 0 : i32
      %dma_wait3A_170 = tpu.memref_slice %arg6[%dma_wait3A_162, %dma_wait3A_169] : memref<100x768xf32, #tpu.memory_space<vmem>> -> memref<1x768xf32, #tpu.memory_space<vmem>>
      %dma_wait3A_171 = tpu.memref_squeeze %dma_wait3A_170 : memref<1x768xf32, #tpu.memory_space<vmem>> -> memref<768xf32, #tpu.memory_space<vmem>>
      %dma_wait3A_172 = arith.constant 0 : i32
      %dma_wait3A_173 = tpu.memref_slice %arg4[%mul3A_2, %dma_wait3A_172] : memref<16384x768xf32, #tpu.memory_space<hbm>> -> memref<1x768xf32, #tpu.memory_space<hbm>>
      %dma_wait3A_174 = tpu.memref_squeeze %dma_wait3A_173 : memref<1x768xf32, #tpu.memory_space<hbm>> -> memref<768xf32, #tpu.memory_space<hbm>>
      tpu.wait_dma2 semaphore(%arg8 : memref<!tpu.dma_semaphore, #tpu.memory_space<semaphore_mem>>) src(%dma_wait3A_174 : memref<768xf32, #tpu.memory_space<hbm>>) dst(%dma_wait3A_171 : memref<768xf32, #tpu.memory_space<vmem>>)
      %dma_wait3A_175 = arith.constant 0 : i32
      %dma_wait3A_176 = arith.constant 0 : i32
      %dma_wait3A_177 = tpu.memref_slice %arg6[%dma_wait3A_175, %dma_wait3A_176] : memref<100x768xf32, #tpu.memory_space<vmem>> -> memref<1x768xf32, #tpu.memory_space<vmem>>
      %dma_wait3A_178 = tpu.memref_squeeze %dma_wait3A_177 : memref<1x768xf32, #tpu.memory_space<vmem>> -> memref<768xf32, #tpu.memory_space<vmem>>
      %dma_wait3A_179 = arith.constant 0 : i32
      %dma_wait3A_180 = tpu.memref_slice %arg4[%mul3A_2, %dma_wait3A_179] : memref<16384x768xf32, #tpu.memory_space<hbm>> -> memref<1x768xf32, #tpu.memory_space<hbm>>
      %dma_wait3A_181 = tpu.memref_squeeze %dma_wait3A_180 : memref<1x768xf32, #tpu.memory_space<hbm>> -> memref<768xf32, #tpu.memory_space<hbm>>
      %dma_wait3A_182 = arith.constant 0 : i32
      %dma_wait3A_183 = tpu.memref_slice %arg6[%dma_wait3A_175, %dma_wait3A_182] : memref<100x768xf32, #tpu.memory_space<vmem>> -> memref<1x768xf32, #tpu.memory_space<vmem>>
      %dma_wait3A_184 = tpu.memref_squeeze %dma_wait3A_183 : memref<1x768xf32, #tpu.memory_space<vmem>> -> memref<768xf32, #tpu.memory_space<vmem>>
      %dma_wait3A_185 = arith.constant 0 : i32
      %dma_wait3A_186 = tpu.memref_slice %arg4[%mul3A_2, %dma_wait3A_185] : memref<16384x768xf32, #tpu.memory_space<hbm>> -> memref<1x768xf32, #tpu.memory_space<hbm>>
      %dma_wait3A_187 = tpu.memref_squeeze %dma_wait3A_186 : memref<1x768xf32, #tpu.memory_space<hbm>> -> memref<768xf32, #tpu.memory_space<hbm>>
      tpu.wait_dma2 semaphore(%arg8 : memref<!tpu.dma_semaphore, #tpu.memory_space<semaphore_mem>>) src(%dma_wait3A_187 : memref<768xf32, #tpu.memory_space<hbm>>) dst(%dma_wait3A_184 : memref<768xf32, #tpu.memory_space<vmem>>)
      %dma_wait3A_188 = arith.constant 0 : i32
      %dma_wait3A_189 = arith.constant 0 : i32
      %dma_wait3A_190 = tpu.memref_slice %arg6[%dma_wait3A_188, %dma_wait3A_189] : memref<100x768xf32, #tpu.memory_space<vmem>> -> memref<1x768xf32, #tpu.memory_space<vmem>>
      %dma_wait3A_191 = tpu.memref_squeeze %dma_wait3A_190 : memref<1x768xf32, #tpu.memory_space<vmem>> -> memref<768xf32, #tpu.memory_space<vmem>>
      %dma_wait3A_192 = arith.constant 0 : i32
      %dma_wait3A_193 = tpu.memref_slice %arg4[%mul3A_2, %dma_wait3A_192] : memref<16384x768xf32, #tpu.memory_space<hbm>> -> memref<1x768xf32, #tpu.memory_space<hbm>>
      %dma_wait3A_194 = tpu.memref_squeeze %dma_wait3A_193 : memref<1x768xf32, #tpu.memory_space<hbm>> -> memref<768xf32, #tpu.memory_space<hbm>>
      %dma_wait3A_195 = arith.constant 0 : i32
      %dma_wait3A_196 = tpu.memref_slice %arg6[%dma_wait3A_188, %dma_wait3A_195] : memref<100x768xf32, #tpu.memory_space<vmem>> -> memref<1x768xf32, #tpu.memory_space<vmem>>
      %dma_wait3A_197 = tpu.memref_squeeze %dma_wait3A_196 : memref<1x768xf32, #tpu.memory_space<vmem>> -> memref<768xf32, #tpu.memory_space<vmem>>
      %dma_wait3A_198 = arith.constant 0 : i32
      %dma_wait3A_199 = tpu.memref_slice %arg4[%mul3A_2, %dma_wait3A_198] : memref<16384x768xf32, #tpu.memory_space<hbm>> -> memref<1x768xf32, #tpu.memory_space<hbm>>
      %dma_wait3A_200 = tpu.memref_squeeze %dma_wait3A_199 : memref<1x768xf32, #tpu.memory_space<hbm>> -> memref<768xf32, #tpu.memory_space<hbm>>
      tpu.wait_dma2 semaphore(%arg8 : memref<!tpu.dma_semaphore, #tpu.memory_space<semaphore_mem>>) src(%dma_wait3A_200 : memref<768xf32, #tpu.memory_space<hbm>>) dst(%dma_wait3A_197 : memref<768xf32, #tpu.memory_space<vmem>>)
      %dma_wait3A_201 = arith.constant 0 : i32
      %dma_wait3A_202 = arith.constant 0 : i32
      %dma_wait3A_203 = tpu.memref_slice %arg6[%dma_wait3A_201, %dma_wait3A_202] : memref<100x768xf32, #tpu.memory_space<vmem>> -> memref<1x768xf32, #tpu.memory_space<vmem>>
      %dma_wait3A_204 = tpu.memref_squeeze %dma_wait3A_203 : memref<1x768xf32, #tpu.memory_space<vmem>> -> memref<768xf32, #tpu.memory_space<vmem>>
      %dma_wait3A_205 = arith.constant 0 : i32
      %dma_wait3A_206 = tpu.memref_slice %arg4[%mul3A_2, %dma_wait3A_205] : memref<16384x768xf32, #tpu.memory_space<hbm>> -> memref<1x768xf32, #tpu.memory_space<hbm>>
      %dma_wait3A_207 = tpu.memref_squeeze %dma_wait3A_206 : memref<1x768xf32, #tpu.memory_space<hbm>> -> memref<768xf32, #tpu.memory_space<hbm>>
      %dma_wait3A_208 = arith.constant 0 : i32
      %dma_wait3A_209 = tpu.memref_slice %arg6[%dma_wait3A_201, %dma_wait3A_208] : memref<100x768xf32, #tpu.memory_space<vmem>> -> memref<1x768xf32, #tpu.memory_space<vmem>>
      %dma_wait3A_210 = tpu.memref_squeeze %dma_wait3A_209 : memref<1x768xf32, #tpu.memory_space<vmem>> -> memref<768xf32, #tpu.memory_space<vmem>>
      %dma_wait3A_211 = arith.constant 0 : i32
      %dma_wait3A_212 = tpu.memref_slice %arg4[%mul3A_2, %dma_wait3A_211] : memref<16384x768xf32, #tpu.memory_space<hbm>> -> memref<1x768xf32, #tpu.memory_space<hbm>>
      %dma_wait3A_213 = tpu.memref_squeeze %dma_wait3A_212 : memref<1x768xf32, #tpu.memory_space<hbm>> -> memref<768xf32, #tpu.memory_space<hbm>>
      tpu.wait_dma2 semaphore(%arg8 : memref<!tpu.dma_semaphore, #tpu.memory_space<semaphore_mem>>) src(%dma_wait3A_213 : memref<768xf32, #tpu.memory_space<hbm>>) dst(%dma_wait3A_210 : memref<768xf32, #tpu.memory_space<vmem>>)
      %dma_wait3A_214 = arith.constant 0 : i32
      %dma_wait3A_215 = arith.constant 0 : i32
      %dma_wait3A_216 = tpu.memref_slice %arg6[%dma_wait3A_214, %dma_wait3A_215] : memref<100x768xf32, #tpu.memory_space<vmem>> -> memref<1x768xf32, #tpu.memory_space<vmem>>
      %dma_wait3A_217 = tpu.memref_squeeze %dma_wait3A_216 : memref<1x768xf32, #tpu.memory_space<vmem>> -> memref<768xf32, #tpu.memory_space<vmem>>
      %dma_wait3A_218 = arith.constant 0 : i32
      %dma_wait3A_219 = tpu.memref_slice %arg4[%mul3A_2, %dma_wait3A_218] : memref<16384x768xf32, #tpu.memory_space<hbm>> -> memref<1x768xf32, #tpu.memory_space<hbm>>
      %dma_wait3A_220 = tpu.memref_squeeze %dma_wait3A_219 : memref<1x768xf32, #tpu.memory_space<hbm>> -> memref<768xf32, #tpu.memory_space<hbm>>
      %dma_wait3A_221 = arith.constant 0 : i32
      %dma_wait3A_222 = tpu.memref_slice %arg6[%dma_wait3A_214, %dma_wait3A_221] : memref<100x768xf32, #tpu.memory_space<vmem>> -> memref<1x768xf32, #tpu.memory_space<vmem>>
      %dma_wait3A_223 = tpu.memref_squeeze %dma_wait3A_222 : memref<1x768xf32, #tpu.memory_space<vmem>> -> memref<768xf32, #tpu.memory_space<vmem>>
      %dma_wait3A_224 = arith.constant 0 : i32
      %dma_wait3A_225 = tpu.memref_slice %arg4[%mul3A_2, %dma_wait3A_224] : memref<16384x768xf32, #tpu.memory_space<hbm>> -> memref<1x768xf32, #tpu.memory_space<hbm>>
      %dma_wait3A_226 = tpu.memref_squeeze %dma_wait3A_225 : memref<1x768xf32, #tpu.memory_space<hbm>> -> memref<768xf32, #tpu.memory_space<hbm>>
      tpu.wait_dma2 semaphore(%arg8 : memref<!tpu.dma_semaphore, #tpu.memory_space<semaphore_mem>>) src(%dma_wait3A_226 : memref<768xf32, #tpu.memory_space<hbm>>) dst(%dma_wait3A_223 : memref<768xf32, #tpu.memory_space<vmem>>)
      %dma_wait3A_227 = arith.constant 0 : i32
      %dma_wait3A_228 = arith.constant 0 : i32
      %dma_wait3A_229 = tpu.memref_slice %arg6[%dma_wait3A_227, %dma_wait3A_228] : memref<100x768xf32, #tpu.memory_space<vmem>> -> memref<1x768xf32, #tpu.memory_space<vmem>>
      %dma_wait3A_230 = tpu.memref_squeeze %dma_wait3A_229 : memref<1x768xf32, #tpu.memory_space<vmem>> -> memref<768xf32, #tpu.memory_space<vmem>>
      %dma_wait3A_231 = arith.constant 0 : i32
      %dma_wait3A_232 = tpu.memref_slice %arg4[%mul3A_2, %dma_wait3A_231] : memref<16384x768xf32, #tpu.memory_space<hbm>> -> memref<1x768xf32, #tpu.memory_space<hbm>>
      %dma_wait3A_233 = tpu.memref_squeeze %dma_wait3A_232 : memref<1x768xf32, #tpu.memory_space<hbm>> -> memref<768xf32, #tpu.memory_space<hbm>>
      %dma_wait3A_234 = arith.constant 0 : i32
      %dma_wait3A_235 = tpu.memref_slice %arg6[%dma_wait3A_227, %dma_wait3A_234] : memref<100x768xf32, #tpu.memory_space<vmem>> -> memref<1x768xf32, #tpu.memory_space<vmem>>
      %dma_wait3A_236 = tpu.memref_squeeze %dma_wait3A_235 : memref<1x768xf32, #tpu.memory_space<vmem>> -> memref<768xf32, #tpu.memory_space<vmem>>
      %dma_wait3A_237 = arith.constant 0 : i32
      %dma_wait3A_238 = tpu.memref_slice %arg4[%mul3A_2, %dma_wait3A_237] : memref<16384x768xf32, #tpu.memory_space<hbm>> -> memref<1x768xf32, #tpu.memory_space<hbm>>
      %dma_wait3A_239 = tpu.memref_squeeze %dma_wait3A_238 : memref<1x768xf32, #tpu.memory_space<hbm>> -> memref<768xf32, #tpu.memory_space<hbm>>
      tpu.wait_dma2 semaphore(%arg8 : memref<!tpu.dma_semaphore, #tpu.memory_space<semaphore_mem>>) src(%dma_wait3A_239 : memref<768xf32, #tpu.memory_space<hbm>>) dst(%dma_wait3A_236 : memref<768xf32, #tpu.memory_space<vmem>>)
      %dma_wait3A_240 = arith.constant 0 : i32
      %dma_wait3A_241 = arith.constant 0 : i32
      %dma_wait3A_242 = tpu.memref_slice %arg6[%dma_wait3A_240, %dma_wait3A_241] : memref<100x768xf32, #tpu.memory_space<vmem>> -> memref<1x768xf32, #tpu.memory_space<vmem>>
      %dma_wait3A_243 = tpu.memref_squeeze %dma_wait3A_242 : memref<1x768xf32, #tpu.memory_space<vmem>> -> memref<768xf32, #tpu.memory_space<vmem>>
      %dma_wait3A_244 = arith.constant 0 : i32
      %dma_wait3A_245 = tpu.memref_slice %arg4[%mul3A_2, %dma_wait3A_244] : memref<16384x768xf32, #tpu.memory_space<hbm>> -> memref<1x768xf32, #tpu.memory_space<hbm>>
      %dma_wait3A_246 = tpu.memref_squeeze %dma_wait3A_245 : memref<1x768xf32, #tpu.memory_space<hbm>> -> memref<768xf32, #tpu.memory_space<hbm>>
      %dma_wait3A_247 = arith.constant 0 : i32
      %dma_wait3A_248 = tpu.memref_slice %arg6[%dma_wait3A_240, %dma_wait3A_247] : memref<100x768xf32, #tpu.memory_space<vmem>> -> memref<1x768xf32, #tpu.memory_space<vmem>>
      %dma_wait3A_249 = tpu.memref_squeeze %dma_wait3A_248 : memref<1x768xf32, #tpu.memory_space<vmem>> -> memref<768xf32, #tpu.memory_space<vmem>>
      %dma_wait3A_250 = arith.constant 0 : i32
      %dma_wait3A_251 = tpu.memref_slice %arg4[%mul3A_2, %dma_wait3A_250] : memref<16384x768xf32, #tpu.memory_space<hbm>> -> memref<1x768xf32, #tpu.memory_space<hbm>>
      %dma_wait3A_252 = tpu.memref_squeeze %dma_wait3A_251 : memref<1x768xf32, #tpu.memory_space<hbm>> -> memref<768xf32, #tpu.memory_space<hbm>>
      tpu.wait_dma2 semaphore(%arg8 : memref<!tpu.dma_semaphore, #tpu.memory_space<semaphore_mem>>) src(%dma_wait3A_252 : memref<768xf32, #tpu.memory_space<hbm>>) dst(%dma_wait3A_249 : memref<768xf32, #tpu.memory_space<vmem>>)
      %mul3A_253 = arith.constant 16 : i32
      %mul3A_254 = arith.muli %scan3A_44, %mul3A_253 : i32
      %get3A = arith.index_cast %mul3A_254 : i32 to index
      %get3A_255 = tpu.vector_load %arg7[%get3A] {strides = array<i32>} : memref<512xi32, #tpu.memory_space<vmem>>, vector<16xi32>,
      %get3A_256 = vector.shape_cast %get3A_255 : vector<16xi32> to vector<16xi32>
      %slice3A = vector.extract_strided_slice %get3A_256 {offsets = [0], sizes = [1], strides = [1]} : vector<16xi32> to vector<1xi32>
      %squeeze3A = vector.extract %slice3A[0] : i32 from vector<1xi32>
      %mul3A_257 = arith.constant 16 : i32
      %mul3A_258 = arith.muli %scan3A_44, %mul3A_257 : i32
      %add3A_259 = arith.addi %mul3A_2, %mul3A_258 : i32
      %add3A_260 = arith.constant 0 : i32
      %add3A_261 = arith.addi %add3A_259, %add3A_260 : i32
      %dma_start3A_262 = arith.constant 0 : i32
      %dma_start3A_263 = tpu.memref_slice %arg6[%squeeze3A, %dma_start3A_262] : memref<100x768xf32, #tpu.memory_space<vmem>> -> memref<1x768xf32, #tpu.memory_space<vmem>>
      %dma_start3A_264 = tpu.memref_squeeze %dma_start3A_263 : memref<1x768xf32, #tpu.memory_space<vmem>> -> memref<768xf32, #tpu.memory_space<vmem>>
      %dma_start3A_265 = arith.constant 0 : i32
      %dma_start3A_266 = tpu.memref_slice %arg4[%add3A_261, %dma_start3A_265] : memref<16384x768xf32, #tpu.memory_space<hbm>> -> memref<1x768xf32, #tpu.memory_space<hbm>>
      %dma_start3A_267 = tpu.memref_squeeze %dma_start3A_266 : memref<1x768xf32, #tpu.memory_space<hbm>> -> memref<768xf32, #tpu.memory_space<hbm>>
      %dma_start3A_268 = arith.constant 0 : i32
      %dma_start3A_269 = tpu.memref_slice %arg4[%add3A_261, %dma_start3A_268] : memref<16384x768xf32, #tpu.memory_space<hbm>> -> memref<1x768xf32, #tpu.memory_space<hbm>>
      %dma_start3A_270 = tpu.memref_squeeze %dma_start3A_269 : memref<1x768xf32, #tpu.memory_space<hbm>> -> memref<768xf32, #tpu.memory_space<hbm>>
      %dma_start3A_271 = arith.constant 0 : i32
      %dma_start3A_272 = tpu.memref_slice %arg6[%squeeze3A, %dma_start3A_271] : memref<100x768xf32, #tpu.memory_space<vmem>> -> memref<1x768xf32, #tpu.memory_space<vmem>>
      %dma_start3A_273 = tpu.memref_squeeze %dma_start3A_272 : memref<1x768xf32, #tpu.memory_space<vmem>> -> memref<768xf32, #tpu.memory_space<vmem>>
      tpu.enqueue_dma source(%dma_start3A_273 : memref<768xf32, #tpu.memory_space<vmem>>) target(%dma_start3A_270 : memref<768xf32, #tpu.memory_space<hbm>>) target_semaphore(%arg8 : memref<!tpu.dma_semaphore, #tpu.memory_space<semaphore_mem>>)
      %slice3A_274 = vector.extract_strided_slice %get3A_256 {offsets = [1], sizes = [1], strides = [1]} : vector<16xi32> to vector<1xi32>
      %squeeze3A_275 = vector.extract %slice3A_274[0] : i32 from vector<1xi32>
      %mul3A_276 = arith.constant 16 : i32
      %mul3A_277 = arith.muli %scan3A_44, %mul3A_276 : i32
      %add3A_278 = arith.addi %mul3A_2, %mul3A_277 : i32
      %add3A_279 = arith.constant 1 : i32
      %add3A_280 = arith.addi %add3A_278, %add3A_279 : i32
      %dma_start3A_281 = arith.constant 0 : i32
      %dma_start3A_282 = tpu.memref_slice %arg6[%squeeze3A_275, %dma_start3A_281] : memref<100x768xf32, #tpu.memory_space<vmem>> -> memref<1x768xf32, #tpu.memory_space<vmem>>
      %dma_start3A_283 = tpu.memref_squeeze %dma_start3A_282 : memref<1x768xf32, #tpu.memory_space<vmem>> -> memref<768xf32, #tpu.memory_space<vmem>>
      %dma_start3A_284 = arith.constant 0 : i32
      %dma_start3A_285 = tpu.memref_slice %arg4[%add3A_280, %dma_start3A_284] : memref<16384x768xf32, #tpu.memory_space<hbm>> -> memref<1x768xf32, #tpu.memory_space<hbm>>
      %dma_start3A_286 = tpu.memref_squeeze %dma_start3A_285 : memref<1x768xf32, #tpu.memory_space<hbm>> -> memref<768xf32, #tpu.memory_space<hbm>>
      %dma_start3A_287 = arith.constant 0 : i32
      %dma_start3A_288 = tpu.memref_slice %arg4[%add3A_280, %dma_start3A_287] : memref<16384x768xf32, #tpu.memory_space<hbm>> -> memref<1x768xf32, #tpu.memory_space<hbm>>
      %dma_start3A_289 = tpu.memref_squeeze %dma_start3A_288 : memref<1x768xf32, #tpu.memory_space<hbm>> -> memref<768xf32, #tpu.memory_space<hbm>>
      %dma_start3A_290 = arith.constant 0 : i32
      %dma_start3A_291 = tpu.memref_slice %arg6[%squeeze3A_275, %dma_start3A_290] : memref<100x768xf32, #tpu.memory_space<vmem>> -> memref<1x768xf32, #tpu.memory_space<vmem>>
      %dma_start3A_292 = tpu.memref_squeeze %dma_start3A_291 : memref<1x768xf32, #tpu.memory_space<vmem>> -> memref<768xf32, #tpu.memory_space<vmem>>
      tpu.enqueue_dma source(%dma_start3A_292 : memref<768xf32, #tpu.memory_space<vmem>>) target(%dma_start3A_289 : memref<768xf32, #tpu.memory_space<hbm>>) target_semaphore(%arg8 : memref<!tpu.dma_semaphore, #tpu.memory_space<semaphore_mem>>)
      %slice3A_293 = vector.extract_strided_slice %get3A_256 {offsets = [2], sizes = [1], strides = [1]} : vector<16xi32> to vector<1xi32>
      %squeeze3A_294 = vector.extract %slice3A_293[0] : i32 from vector<1xi32>
      %mul3A_295 = arith.constant 16 : i32
      %mul3A_296 = arith.muli %scan3A_44, %mul3A_295 : i32
      %add3A_297 = arith.addi %mul3A_2, %mul3A_296 : i32
      %add3A_298 = arith.constant 2 : i32
      %add3A_299 = arith.addi %add3A_297, %add3A_298 : i32
      %dma_start3A_300 = arith.constant 0 : i32
      %dma_start3A_301 = tpu.memref_slice %arg6[%squeeze3A_294, %dma_start3A_300] : memref<100x768xf32, #tpu.memory_space<vmem>> -> memref<1x768xf32, #tpu.memory_space<vmem>>
      %dma_start3A_302 = tpu.memref_squeeze %dma_start3A_301 : memref<1x768xf32, #tpu.memory_space<vmem>> -> memref<768xf32, #tpu.memory_space<vmem>>
      %dma_start3A_303 = arith.constant 0 : i32
      %dma_start3A_304 = tpu.memref_slice %arg4[%add3A_299, %dma_start3A_303] : memref<16384x768xf32, #tpu.memory_space<hbm>> -> memref<1x768xf32, #tpu.memory_space<hbm>>
      %dma_start3A_305 = tpu.memref_squeeze %dma_start3A_304 : memref<1x768xf32, #tpu.memory_space<hbm>> -> memref<768xf32, #tpu.memory_space<hbm>>
      %dma_start3A_306 = arith.constant 0 : i32
      %dma_start3A_307 = tpu.memref_slice %arg4[%add3A_299, %dma_start3A_306] : memref<16384x768xf32, #tpu.memory_space<hbm>> -> memref<1x768xf32, #tpu.memory_space<hbm>>
      %dma_start3A_308 = tpu.memref_squeeze %dma_start3A_307 : memref<1x768xf32, #tpu.memory_space<hbm>> -> memref<768xf32, #tpu.memory_space<hbm>>
      %dma_start3A_309 = arith.constant 0 : i32
      %dma_start3A_310 = tpu.memref_slice %arg6[%squeeze3A_294, %dma_start3A_309] : memref<100x768xf32, #tpu.memory_space<vmem>> -> memref<1x768xf32, #tpu.memory_space<vmem>>
      %dma_start3A_311 = tpu.memref_squeeze %dma_start3A_310 : memref<1x768xf32, #tpu.memory_space<vmem>> -> memref<768xf32, #tpu.memory_space<vmem>>
      tpu.enqueue_dma source(%dma_start3A_311 : memref<768xf32, #tpu.memory_space<vmem>>) target(%dma_start3A_308 : memref<768xf32, #tpu.memory_space<hbm>>) target_semaphore(%arg8 : memref<!tpu.dma_semaphore, #tpu.memory_space<semaphore_mem>>)
      %slice3A_312 = vector.extract_strided_slice %get3A_256 {offsets = [3], sizes = [1], strides = [1]} : vector<16xi32> to vector<1xi32>
      %squeeze3A_313 = vector.extract %slice3A_312[0] : i32 from vector<1xi32>
      %mul3A_314 = arith.constant 16 : i32
      %mul3A_315 = arith.muli %scan3A_44, %mul3A_314 : i32
      %add3A_316 = arith.addi %mul3A_2, %mul3A_315 : i32
      %add3A_317 = arith.constant 3 : i32
      %add3A_318 = arith.addi %add3A_316, %add3A_317 : i32
      %dma_start3A_319 = arith.constant 0 : i32
      %dma_start3A_320 = tpu.memref_slice %arg6[%squeeze3A_313, %dma_start3A_319] : memref<100x768xf32, #tpu.memory_space<vmem>> -> memref<1x768xf32, #tpu.memory_space<vmem>>
      %dma_start3A_321 = tpu.memref_squeeze %dma_start3A_320 : memref<1x768xf32, #tpu.memory_space<vmem>> -> memref<768xf32, #tpu.memory_space<vmem>>
      %dma_start3A_322 = arith.constant 0 : i32
      %dma_start3A_323 = tpu.memref_slice %arg4[%add3A_318, %dma_start3A_322] : memref<16384x768xf32, #tpu.memory_space<hbm>> -> memref<1x768xf32, #tpu.memory_space<hbm>>
      %dma_start3A_324 = tpu.memref_squeeze %dma_start3A_323 : memref<1x768xf32, #tpu.memory_space<hbm>> -> memref<768xf32, #tpu.memory_space<hbm>>
      %dma_start3A_325 = arith.constant 0 : i32
      %dma_start3A_326 = tpu.memref_slice %arg4[%add3A_318, %dma_start3A_325] : memref<16384x768xf32, #tpu.memory_space<hbm>> -> memref<1x768xf32, #tpu.memory_space<hbm>>
      %dma_start3A_327 = tpu.memref_squeeze %dma_start3A_326 : memref<1x768xf32, #tpu.memory_space<hbm>> -> memref<768xf32, #tpu.memory_space<hbm>>
      %dma_start3A_328 = arith.constant 0 : i32
      %dma_start3A_329 = tpu.memref_slice %arg6[%squeeze3A_313, %dma_start3A_328] : memref<100x768xf32, #tpu.memory_space<vmem>> -> memref<1x768xf32, #tpu.memory_space<vmem>>
      %dma_start3A_330 = tpu.memref_squeeze %dma_start3A_329 : memref<1x768xf32, #tpu.memory_space<vmem>> -> memref<768xf32, #tpu.memory_space<vmem>>
      tpu.enqueue_dma source(%dma_start3A_330 : memref<768xf32, #tpu.memory_space<vmem>>) target(%dma_start3A_327 : memref<768xf32, #tpu.memory_space<hbm>>) target_semaphore(%arg8 : memref<!tpu.dma_semaphore, #tpu.memory_space<semaphore_mem>>)
      %slice3A_331 = vector.extract_strided_slice %get3A_256 {offsets = [4], sizes = [1], strides = [1]} : vector<16xi32> to vector<1xi32>
      %squeeze3A_332 = vector.extract %slice3A_331[0] : i32 from vector<1xi32>
      %mul3A_333 = arith.constant 16 : i32
      %mul3A_334 = arith.muli %scan3A_44, %mul3A_333 : i32
      %add3A_335 = arith.addi %mul3A_2, %mul3A_334 : i32
      %add3A_336 = arith.constant 4 : i32
      %add3A_337 = arith.addi %add3A_335, %add3A_336 : i32
      %dma_start3A_338 = arith.constant 0 : i32
      %dma_start3A_339 = tpu.memref_slice %arg6[%squeeze3A_332, %dma_start3A_338] : memref<100x768xf32, #tpu.memory_space<vmem>> -> memref<1x768xf32, #tpu.memory_space<vmem>>
      %dma_start3A_340 = tpu.memref_squeeze %dma_start3A_339 : memref<1x768xf32, #tpu.memory_space<vmem>> -> memref<768xf32, #tpu.memory_space<vmem>>
      %dma_start3A_341 = arith.constant 0 : i32
      %dma_start3A_342 = tpu.memref_slice %arg4[%add3A_337, %dma_start3A_341] : memref<16384x768xf32, #tpu.memory_space<hbm>> -> memref<1x768xf32, #tpu.memory_space<hbm>>
      %dma_start3A_343 = tpu.memref_squeeze %dma_start3A_342 : memref<1x768xf32, #tpu.memory_space<hbm>> -> memref<768xf32, #tpu.memory_space<hbm>>
      %dma_start3A_344 = arith.constant 0 : i32
      %dma_start3A_345 = tpu.memref_slice %arg4[%add3A_337, %dma_start3A_344] : memref<16384x768xf32, #tpu.memory_space<hbm>> -> memref<1x768xf32, #tpu.memory_space<hbm>>
      %dma_start3A_346 = tpu.memref_squeeze %dma_start3A_345 : memref<1x768xf32, #tpu.memory_space<hbm>> -> memref<768xf32, #tpu.memory_space<hbm>>
      %dma_start3A_347 = arith.constant 0 : i32
      %dma_start3A_348 = tpu.memref_slice %arg6[%squeeze3A_332, %dma_start3A_347] : memref<100x768xf32, #tpu.memory_space<vmem>> -> memref<1x768xf32, #tpu.memory_space<vmem>>
      %dma_start3A_349 = tpu.memref_squeeze %dma_start3A_348 : memref<1x768xf32, #tpu.memory_space<vmem>> -> memref<768xf32, #tpu.memory_space<vmem>>
      tpu.enqueue_dma source(%dma_start3A_349 : memref<768xf32, #tpu.memory_space<vmem>>) target(%dma_start3A_346 : memref<768xf32, #tpu.memory_space<hbm>>) target_semaphore(%arg8 : memref<!tpu.dma_semaphore, #tpu.memory_space<semaphore_mem>>)
      %slice3A_350 = vector.extract_strided_slice %get3A_256 {offsets = [5], sizes = [1], strides = [1]} : vector<16xi32> to vector<1xi32>
      %squeeze3A_351 = vector.extract %slice3A_350[0] : i32 from vector<1xi32>
      %mul3A_352 = arith.constant 16 : i32
      %mul3A_353 = arith.muli %scan3A_44, %mul3A_352 : i32
      %add3A_354 = arith.addi %mul3A_2, %mul3A_353 : i32
      %add3A_355 = arith.constant 5 : i32
      %add3A_356 = arith.addi %add3A_354, %add3A_355 : i32
      %dma_start3A_357 = arith.constant 0 : i32
      %dma_start3A_358 = tpu.memref_slice %arg6[%squeeze3A_351, %dma_start3A_357] : memref<100x768xf32, #tpu.memory_space<vmem>> -> memref<1x768xf32, #tpu.memory_space<vmem>>
      %dma_start3A_359 = tpu.memref_squeeze %dma_start3A_358 : memref<1x768xf32, #tpu.memory_space<vmem>> -> memref<768xf32, #tpu.memory_space<vmem>>
      %dma_start3A_360 = arith.constant 0 : i32
      %dma_start3A_361 = tpu.memref_slice %arg4[%add3A_356, %dma_start3A_360] : memref<16384x768xf32, #tpu.memory_space<hbm>> -> memref<1x768xf32, #tpu.memory_space<hbm>>
      %dma_start3A_362 = tpu.memref_squeeze %dma_start3A_361 : memref<1x768xf32, #tpu.memory_space<hbm>> -> memref<768xf32, #tpu.memory_space<hbm>>
      %dma_start3A_363 = arith.constant 0 : i32
      %dma_start3A_364 = tpu.memref_slice %arg4[%add3A_356, %dma_start3A_363] : memref<16384x768xf32, #tpu.memory_space<hbm>> -> memref<1x768xf32, #tpu.memory_space<hbm>>
      %dma_start3A_365 = tpu.memref_squeeze %dma_start3A_364 : memref<1x768xf32, #tpu.memory_space<hbm>> -> memref<768xf32, #tpu.memory_space<hbm>>
      %dma_start3A_366 = arith.constant 0 : i32
      %dma_start3A_367 = tpu.memref_slice %arg6[%squeeze3A_351, %dma_start3A_366] : memref<100x768xf32, #tpu.memory_space<vmem>> -> memref<1x768xf32, #tpu.memory_space<vmem>>
      %dma_start3A_368 = tpu.memref_squeeze %dma_start3A_367 : memref<1x768xf32, #tpu.memory_space<vmem>> -> memref<768xf32, #tpu.memory_space<vmem>>
      tpu.enqueue_dma source(%dma_start3A_368 : memref<768xf32, #tpu.memory_space<vmem>>) target(%dma_start3A_365 : memref<768xf32, #tpu.memory_space<hbm>>) target_semaphore(%arg8 : memref<!tpu.dma_semaphore, #tpu.memory_space<semaphore_mem>>)
      %slice3A_369 = vector.extract_strided_slice %get3A_256 {offsets = [6], sizes = [1], strides = [1]} : vector<16xi32> to vector<1xi32>
      %squeeze3A_370 = vector.extract %slice3A_369[0] : i32 from vector<1xi32>
      %mul3A_371 = arith.constant 16 : i32
      %mul3A_372 = arith.muli %scan3A_44, %mul3A_371 : i32
      %add3A_373 = arith.addi %mul3A_2, %mul3A_372 : i32
      %add3A_374 = arith.constant 6 : i32
      %add3A_375 = arith.addi %add3A_373, %add3A_374 : i32
      %dma_start3A_376 = arith.constant 0 : i32
      %dma_start3A_377 = tpu.memref_slice %arg6[%squeeze3A_370, %dma_start3A_376] : memref<100x768xf32, #tpu.memory_space<vmem>> -> memref<1x768xf32, #tpu.memory_space<vmem>>
      %dma_start3A_378 = tpu.memref_squeeze %dma_start3A_377 : memref<1x768xf32, #tpu.memory_space<vmem>> -> memref<768xf32, #tpu.memory_space<vmem>>
      %dma_start3A_379 = arith.constant 0 : i32
      %dma_start3A_380 = tpu.memref_slice %arg4[%add3A_375, %dma_start3A_379] : memref<16384x768xf32, #tpu.memory_space<hbm>> -> memref<1x768xf32, #tpu.memory_space<hbm>>
      %dma_start3A_381 = tpu.memref_squeeze %dma_start3A_380 : memref<1x768xf32, #tpu.memory_space<hbm>> -> memref<768xf32, #tpu.memory_space<hbm>>
      %dma_start3A_382 = arith.constant 0 : i32
      %dma_start3A_383 = tpu.memref_slice %arg4[%add3A_375, %dma_start3A_382] : memref<16384x768xf32, #tpu.memory_space<hbm>> -> memref<1x768xf32, #tpu.memory_space<hbm>>
      %dma_start3A_384 = tpu.memref_squeeze %dma_start3A_383 : memref<1x768xf32, #tpu.memory_space<hbm>> -> memref<768xf32, #tpu.memory_space<hbm>>
      %dma_start3A_385 = arith.constant 0 : i32
      %dma_start3A_386 = tpu.memref_slice %arg6[%squeeze3A_370, %dma_start3A_385] : memref<100x768xf32, #tpu.memory_space<vmem>> -> memref<1x768xf32, #tpu.memory_space<vmem>>
      %dma_start3A_387 = tpu.memref_squeeze %dma_start3A_386 : memref<1x768xf32, #tpu.memory_space<vmem>> -> memref<768xf32, #tpu.memory_space<vmem>>
      tpu.enqueue_dma source(%dma_start3A_387 : memref<768xf32, #tpu.memory_space<vmem>>) target(%dma_start3A_384 : memref<768xf32, #tpu.memory_space<hbm>>) target_semaphore(%arg8 : memref<!tpu.dma_semaphore, #tpu.memory_space<semaphore_mem>>)
      %slice3A_388 = vector.extract_strided_slice %get3A_256 {offsets = [7], sizes = [1], strides = [1]} : vector<16xi32> to vector<1xi32>
      %squeeze3A_389 = vector.extract %slice3A_388[0] : i32 from vector<1xi32>
      %mul3A_390 = arith.constant 16 : i32
      %mul3A_391 = arith.muli %scan3A_44, %mul3A_390 : i32
      %add3A_392 = arith.addi %mul3A_2, %mul3A_391 : i32
      %add3A_393 = arith.constant 7 : i32
      %add3A_394 = arith.addi %add3A_392, %add3A_393 : i32
      %dma_start3A_395 = arith.constant 0 : i32
      %dma_start3A_396 = tpu.memref_slice %arg6[%squeeze3A_389, %dma_start3A_395] : memref<100x768xf32, #tpu.memory_space<vmem>> -> memref<1x768xf32, #tpu.memory_space<vmem>>
      %dma_start3A_397 = tpu.memref_squeeze %dma_start3A_396 : memref<1x768xf32, #tpu.memory_space<vmem>> -> memref<768xf32, #tpu.memory_space<vmem>>
      %dma_start3A_398 = arith.constant 0 : i32
      %dma_start3A_399 = tpu.memref_slice %arg4[%add3A_394, %dma_start3A_398] : memref<16384x768xf32, #tpu.memory_space<hbm>> -> memref<1x768xf32, #tpu.memory_space<hbm>>
      %dma_start3A_400 = tpu.memref_squeeze %dma_start3A_399 : memref<1x768xf32, #tpu.memory_space<hbm>> -> memref<768xf32, #tpu.memory_space<hbm>>
      %dma_start3A_401 = arith.constant 0 : i32
      %dma_start3A_402 = tpu.memref_slice %arg4[%add3A_394, %dma_start3A_401] : memref<16384x768xf32, #tpu.memory_space<hbm>> -> memref<1x768xf32, #tpu.memory_space<hbm>>
      %dma_start3A_403 = tpu.memref_squeeze %dma_start3A_402 : memref<1x768xf32, #tpu.memory_space<hbm>> -> memref<768xf32, #tpu.memory_space<hbm>>
      %dma_start3A_404 = arith.constant 0 : i32
      %dma_start3A_405 = tpu.memref_slice %arg6[%squeeze3A_389, %dma_start3A_404] : memref<100x768xf32, #tpu.memory_space<vmem>> -> memref<1x768xf32, #tpu.memory_space<vmem>>
      %dma_start3A_406 = tpu.memref_squeeze %dma_start3A_405 : memref<1x768xf32, #tpu.memory_space<vmem>> -> memref<768xf32, #tpu.memory_space<vmem>>
      tpu.enqueue_dma source(%dma_start3A_406 : memref<768xf32, #tpu.memory_space<vmem>>) target(%dma_start3A_403 : memref<768xf32, #tpu.memory_space<hbm>>) target_semaphore(%arg8 : memref<!tpu.dma_semaphore, #tpu.memory_space<semaphore_mem>>)
      %slice3A_407 = vector.extract_strided_slice %get3A_256 {offsets = [8], sizes = [1], strides = [1]} : vector<16xi32> to vector<1xi32>
      %squeeze3A_408 = vector.extract %slice3A_407[0] : i32 from vector<1xi32>
      %mul3A_409 = arith.constant 16 : i32
      %mul3A_410 = arith.muli %scan3A_44, %mul3A_409 : i32
      %add3A_411 = arith.addi %mul3A_2, %mul3A_410 : i32
      %add3A_412 = arith.constant 8 : i32
      %add3A_413 = arith.addi %add3A_411, %add3A_412 : i32
      %dma_start3A_414 = arith.constant 0 : i32
      %dma_start3A_415 = tpu.memref_slice %arg6[%squeeze3A_408, %dma_start3A_414] : memref<100x768xf32, #tpu.memory_space<vmem>> -> memref<1x768xf32, #tpu.memory_space<vmem>>
      %dma_start3A_416 = tpu.memref_squeeze %dma_start3A_415 : memref<1x768xf32, #tpu.memory_space<vmem>> -> memref<768xf32, #tpu.memory_space<vmem>>
      %dma_start3A_417 = arith.constant 0 : i32
      %dma_start3A_418 = tpu.memref_slice %arg4[%add3A_413, %dma_start3A_417] : memref<16384x768xf32, #tpu.memory_space<hbm>> -> memref<1x768xf32, #tpu.memory_space<hbm>>
      %dma_start3A_419 = tpu.memref_squeeze %dma_start3A_418 : memref<1x768xf32, #tpu.memory_space<hbm>> -> memref<768xf32, #tpu.memory_space<hbm>>
      %dma_start3A_420 = arith.constant 0 : i32
      %dma_start3A_421 = tpu.memref_slice %arg4[%add3A_413, %dma_start3A_420] : memref<16384x768xf32, #tpu.memory_space<hbm>> -> memref<1x768xf32, #tpu.memory_space<hbm>>
      %dma_start3A_422 = tpu.memref_squeeze %dma_start3A_421 : memref<1x768xf32, #tpu.memory_space<hbm>> -> memref<768xf32, #tpu.memory_space<hbm>>
      %dma_start3A_423 = arith.constant 0 : i32
      %dma_start3A_424 = tpu.memref_slice %arg6[%squeeze3A_408, %dma_start3A_423] : memref<100x768xf32, #tpu.memory_space<vmem>> -> memref<1x768xf32, #tpu.memory_space<vmem>>
      %dma_start3A_425 = tpu.memref_squeeze %dma_start3A_424 : memref<1x768xf32, #tpu.memory_space<vmem>> -> memref<768xf32, #tpu.memory_space<vmem>>
      tpu.enqueue_dma source(%dma_start3A_425 : memref<768xf32, #tpu.memory_space<vmem>>) target(%dma_start3A_422 : memref<768xf32, #tpu.memory_space<hbm>>) target_semaphore(%arg8 : memref<!tpu.dma_semaphore, #tpu.memory_space<semaphore_mem>>)
      %slice3A_426 = vector.extract_strided_slice %get3A_256 {offsets = [9], sizes = [1], strides = [1]} : vector<16xi32> to vector<1xi32>
      %squeeze3A_427 = vector.extract %slice3A_426[0] : i32 from vector<1xi32>
      %mul3A_428 = arith.constant 16 : i32
      %mul3A_429 = arith.muli %scan3A_44, %mul3A_428 : i32
      %add3A_430 = arith.addi %mul3A_2, %mul3A_429 : i32
      %add3A_431 = arith.constant 9 : i32
      %add3A_432 = arith.addi %add3A_430, %add3A_431 : i32
      %dma_start3A_433 = arith.constant 0 : i32
      %dma_start3A_434 = tpu.memref_slice %arg6[%squeeze3A_427, %dma_start3A_433] : memref<100x768xf32, #tpu.memory_space<vmem>> -> memref<1x768xf32, #tpu.memory_space<vmem>>
      %dma_start3A_435 = tpu.memref_squeeze %dma_start3A_434 : memref<1x768xf32, #tpu.memory_space<vmem>> -> memref<768xf32, #tpu.memory_space<vmem>>
      %dma_start3A_436 = arith.constant 0 : i32
      %dma_start3A_437 = tpu.memref_slice %arg4[%add3A_432, %dma_start3A_436] : memref<16384x768xf32, #tpu.memory_space<hbm>> -> memref<1x768xf32, #tpu.memory_space<hbm>>
      %dma_start3A_438 = tpu.memref_squeeze %dma_start3A_437 : memref<1x768xf32, #tpu.memory_space<hbm>> -> memref<768xf32, #tpu.memory_space<hbm>>
      %dma_start3A_439 = arith.constant 0 : i32
      %dma_start3A_440 = tpu.memref_slice %arg4[%add3A_432, %dma_start3A_439] : memref<16384x768xf32, #tpu.memory_space<hbm>> -> memref<1x768xf32, #tpu.memory_space<hbm>>
      %dma_start3A_441 = tpu.memref_squeeze %dma_start3A_440 : memref<1x768xf32, #tpu.memory_space<hbm>> -> memref<768xf32, #tpu.memory_space<hbm>>
      %dma_start3A_442 = arith.constant 0 : i32
      %dma_start3A_443 = tpu.memref_slice %arg6[%squeeze3A_427, %dma_start3A_442] : memref<100x768xf32, #tpu.memory_space<vmem>> -> memref<1x768xf32, #tpu.memory_space<vmem>>
      %dma_start3A_444 = tpu.memref_squeeze %dma_start3A_443 : memref<1x768xf32, #tpu.memory_space<vmem>> -> memref<768xf32, #tpu.memory_space<vmem>>
      tpu.enqueue_dma source(%dma_start3A_444 : memref<768xf32, #tpu.memory_space<vmem>>) target(%dma_start3A_441 : memref<768xf32, #tpu.memory_space<hbm>>) target_semaphore(%arg8 : memref<!tpu.dma_semaphore, #tpu.memory_space<semaphore_mem>>)
      %slice3A_445 = vector.extract_strided_slice %get3A_256 {offsets = [10], sizes = [1], strides = [1]} : vector<16xi32> to vector<1xi32>
      %squeeze3A_446 = vector.extract %slice3A_445[0] : i32 from vector<1xi32>
      %mul3A_447 = arith.constant 16 : i32
      %mul3A_448 = arith.muli %scan3A_44, %mul3A_447 : i32
      %add3A_449 = arith.addi %mul3A_2, %mul3A_448 : i32
      %add3A_450 = arith.constant 10 : i32
      %add3A_451 = arith.addi %add3A_449, %add3A_450 : i32
      %dma_start3A_452 = arith.constant 0 : i32
      %dma_start3A_453 = tpu.memref_slice %arg6[%squeeze3A_446, %dma_start3A_452] : memref<100x768xf32, #tpu.memory_space<vmem>> -> memref<1x768xf32, #tpu.memory_space<vmem>>
      %dma_start3A_454 = tpu.memref_squeeze %dma_start3A_453 : memref<1x768xf32, #tpu.memory_space<vmem>> -> memref<768xf32, #tpu.memory_space<vmem>>
      %dma_start3A_455 = arith.constant 0 : i32
      %dma_start3A_456 = tpu.memref_slice %arg4[%add3A_451, %dma_start3A_455] : memref<16384x768xf32, #tpu.memory_space<hbm>> -> memref<1x768xf32, #tpu.memory_space<hbm>>
      %dma_start3A_457 = tpu.memref_squeeze %dma_start3A_456 : memref<1x768xf32, #tpu.memory_space<hbm>> -> memref<768xf32, #tpu.memory_space<hbm>>
      %dma_start3A_458 = arith.constant 0 : i32
      %dma_start3A_459 = tpu.memref_slice %arg4[%add3A_451, %dma_start3A_458] : memref<16384x768xf32, #tpu.memory_space<hbm>> -> memref<1x768xf32, #tpu.memory_space<hbm>>
      %dma_start3A_460 = tpu.memref_squeeze %dma_start3A_459 : memref<1x768xf32, #tpu.memory_space<hbm>> -> memref<768xf32, #tpu.memory_space<hbm>>
      %dma_start3A_461 = arith.constant 0 : i32
      %dma_start3A_462 = tpu.memref_slice %arg6[%squeeze3A_446, %dma_start3A_461] : memref<100x768xf32, #tpu.memory_space<vmem>> -> memref<1x768xf32, #tpu.memory_space<vmem>>
      %dma_start3A_463 = tpu.memref_squeeze %dma_start3A_462 : memref<1x768xf32, #tpu.memory_space<vmem>> -> memref<768xf32, #tpu.memory_space<vmem>>
      tpu.enqueue_dma source(%dma_start3A_463 : memref<768xf32, #tpu.memory_space<vmem>>) target(%dma_start3A_460 : memref<768xf32, #tpu.memory_space<hbm>>) target_semaphore(%arg8 : memref<!tpu.dma_semaphore, #tpu.memory_space<semaphore_mem>>)
      %slice3A_464 = vector.extract_strided_slice %get3A_256 {offsets = [11], sizes = [1], strides = [1]} : vector<16xi32> to vector<1xi32>
      %squeeze3A_465 = vector.extract %slice3A_464[0] : i32 from vector<1xi32>
      %mul3A_466 = arith.constant 16 : i32
      %mul3A_467 = arith.muli %scan3A_44, %mul3A_466 : i32
      %add3A_468 = arith.addi %mul3A_2, %mul3A_467 : i32
      %add3A_469 = arith.constant 11 : i32
      %add3A_470 = arith.addi %add3A_468, %add3A_469 : i32
      %dma_start3A_471 = arith.constant 0 : i32
      %dma_start3A_472 = tpu.memref_slice %arg6[%squeeze3A_465, %dma_start3A_471] : memref<100x768xf32, #tpu.memory_space<vmem>> -> memref<1x768xf32, #tpu.memory_space<vmem>>
      %dma_start3A_473 = tpu.memref_squeeze %dma_start3A_472 : memref<1x768xf32, #tpu.memory_space<vmem>> -> memref<768xf32, #tpu.memory_space<vmem>>
      %dma_start3A_474 = arith.constant 0 : i32
      %dma_start3A_475 = tpu.memref_slice %arg4[%add3A_470, %dma_start3A_474] : memref<16384x768xf32, #tpu.memory_space<hbm>> -> memref<1x768xf32, #tpu.memory_space<hbm>>
      %dma_start3A_476 = tpu.memref_squeeze %dma_start3A_475 : memref<1x768xf32, #tpu.memory_space<hbm>> -> memref<768xf32, #tpu.memory_space<hbm>>
      %dma_start3A_477 = arith.constant 0 : i32
      %dma_start3A_478 = tpu.memref_slice %arg4[%add3A_470, %dma_start3A_477] : memref<16384x768xf32, #tpu.memory_space<hbm>> -> memref<1x768xf32, #tpu.memory_space<hbm>>
      %dma_start3A_479 = tpu.memref_squeeze %dma_start3A_478 : memref<1x768xf32, #tpu.memory_space<hbm>> -> memref<768xf32, #tpu.memory_space<hbm>>
      %dma_start3A_480 = arith.constant 0 : i32
      %dma_start3A_481 = tpu.memref_slice %arg6[%squeeze3A_465, %dma_start3A_480] : memref<100x768xf32, #tpu.memory_space<vmem>> -> memref<1x768xf32, #tpu.memory_space<vmem>>
      %dma_start3A_482 = tpu.memref_squeeze %dma_start3A_481 : memref<1x768xf32, #tpu.memory_space<vmem>> -> memref<768xf32, #tpu.memory_space<vmem>>
      tpu.enqueue_dma source(%dma_start3A_482 : memref<768xf32, #tpu.memory_space<vmem>>) target(%dma_start3A_479 : memref<768xf32, #tpu.memory_space<hbm>>) target_semaphore(%arg8 : memref<!tpu.dma_semaphore, #tpu.memory_space<semaphore_mem>>)
      %slice3A_483 = vector.extract_strided_slice %get3A_256 {offsets = [12], sizes = [1], strides = [1]} : vector<16xi32> to vector<1xi32>
      %squeeze3A_484 = vector.extract %slice3A_483[0] : i32 from vector<1xi32>
      %mul3A_485 = arith.constant 16 : i32
      %mul3A_486 = arith.muli %scan3A_44, %mul3A_485 : i32
      %add3A_487 = arith.addi %mul3A_2, %mul3A_486 : i32
      %add3A_488 = arith.constant 12 : i32
      %add3A_489 = arith.addi %add3A_487, %add3A_488 : i32
      %dma_start3A_490 = arith.constant 0 : i32
      %dma_start3A_491 = tpu.memref_slice %arg6[%squeeze3A_484, %dma_start3A_490] : memref<100x768xf32, #tpu.memory_space<vmem>> -> memref<1x768xf32, #tpu.memory_space<vmem>>
      %dma_start3A_492 = tpu.memref_squeeze %dma_start3A_491 : memref<1x768xf32, #tpu.memory_space<vmem>> -> memref<768xf32, #tpu.memory_space<vmem>>
      %dma_start3A_493 = arith.constant 0 : i32
      %dma_start3A_494 = tpu.memref_slice %arg4[%add3A_489, %dma_start3A_493] : memref<16384x768xf32, #tpu.memory_space<hbm>> -> memref<1x768xf32, #tpu.memory_space<hbm>>
      %dma_start3A_495 = tpu.memref_squeeze %dma_start3A_494 : memref<1x768xf32, #tpu.memory_space<hbm>> -> memref<768xf32, #tpu.memory_space<hbm>>
      %dma_start3A_496 = arith.constant 0 : i32
      %dma_start3A_497 = tpu.memref_slice %arg4[%add3A_489, %dma_start3A_496] : memref<16384x768xf32, #tpu.memory_space<hbm>> -> memref<1x768xf32, #tpu.memory_space<hbm>>
      %dma_start3A_498 = tpu.memref_squeeze %dma_start3A_497 : memref<1x768xf32, #tpu.memory_space<hbm>> -> memref<768xf32, #tpu.memory_space<hbm>>
      %dma_start3A_499 = arith.constant 0 : i32
      %dma_start3A_500 = tpu.memref_slice %arg6[%squeeze3A_484, %dma_start3A_499] : memref<100x768xf32, #tpu.memory_space<vmem>> -> memref<1x768xf32, #tpu.memory_space<vmem>>
      %dma_start3A_501 = tpu.memref_squeeze %dma_start3A_500 : memref<1x768xf32, #tpu.memory_space<vmem>> -> memref<768xf32, #tpu.memory_space<vmem>>
      tpu.enqueue_dma source(%dma_start3A_501 : memref<768xf32, #tpu.memory_space<vmem>>) target(%dma_start3A_498 : memref<768xf32, #tpu.memory_space<hbm>>) target_semaphore(%arg8 : memref<!tpu.dma_semaphore, #tpu.memory_space<semaphore_mem>>)
      %slice3A_502 = vector.extract_strided_slice %get3A_256 {offsets = [13], sizes = [1], strides = [1]} : vector<16xi32> to vector<1xi32>
      %squeeze3A_503 = vector.extract %slice3A_502[0] : i32 from vector<1xi32>
      %mul3A_504 = arith.constant 16 : i32
      %mul3A_505 = arith.muli %scan3A_44, %mul3A_504 : i32
      %add3A_506 = arith.addi %mul3A_2, %mul3A_505 : i32
      %add3A_507 = arith.constant 13 : i32
      %add3A_508 = arith.addi %add3A_506, %add3A_507 : i32
      %dma_start3A_509 = arith.constant 0 : i32
      %dma_start3A_510 = tpu.memref_slice %arg6[%squeeze3A_503, %dma_start3A_509] : memref<100x768xf32, #tpu.memory_space<vmem>> -> memref<1x768xf32, #tpu.memory_space<vmem>>
      %dma_start3A_511 = tpu.memref_squeeze %dma_start3A_510 : memref<1x768xf32, #tpu.memory_space<vmem>> -> memref<768xf32, #tpu.memory_space<vmem>>
      %dma_start3A_512 = arith.constant 0 : i32
      %dma_start3A_513 = tpu.memref_slice %arg4[%add3A_508, %dma_start3A_512] : memref<16384x768xf32, #tpu.memory_space<hbm>> -> memref<1x768xf32, #tpu.memory_space<hbm>>
      %dma_start3A_514 = tpu.memref_squeeze %dma_start3A_513 : memref<1x768xf32, #tpu.memory_space<hbm>> -> memref<768xf32, #tpu.memory_space<hbm>>
      %dma_start3A_515 = arith.constant 0 : i32
      %dma_start3A_516 = tpu.memref_slice %arg4[%add3A_508, %dma_start3A_515] : memref<16384x768xf32, #tpu.memory_space<hbm>> -> memref<1x768xf32, #tpu.memory_space<hbm>>
      %dma_start3A_517 = tpu.memref_squeeze %dma_start3A_516 : memref<1x768xf32, #tpu.memory_space<hbm>> -> memref<768xf32, #tpu.memory_space<hbm>>
      %dma_start3A_518 = arith.constant 0 : i32
      %dma_start3A_519 = tpu.memref_slice %arg6[%squeeze3A_503, %dma_start3A_518] : memref<100x768xf32, #tpu.memory_space<vmem>> -> memref<1x768xf32, #tpu.memory_space<vmem>>
      %dma_start3A_520 = tpu.memref_squeeze %dma_start3A_519 : memref<1x768xf32, #tpu.memory_space<vmem>> -> memref<768xf32, #tpu.memory_space<vmem>>
      tpu.enqueue_dma source(%dma_start3A_520 : memref<768xf32, #tpu.memory_space<vmem>>) target(%dma_start3A_517 : memref<768xf32, #tpu.memory_space<hbm>>) target_semaphore(%arg8 : memref<!tpu.dma_semaphore, #tpu.memory_space<semaphore_mem>>)
      %slice3A_521 = vector.extract_strided_slice %get3A_256 {offsets = [14], sizes = [1], strides = [1]} : vector<16xi32> to vector<1xi32>
      %squeeze3A_522 = vector.extract %slice3A_521[0] : i32 from vector<1xi32>
      %mul3A_523 = arith.constant 16 : i32
      %mul3A_524 = arith.muli %scan3A_44, %mul3A_523 : i32
      %add3A_525 = arith.addi %mul3A_2, %mul3A_524 : i32
      %add3A_526 = arith.constant 14 : i32
      %add3A_527 = arith.addi %add3A_525, %add3A_526 : i32
      %dma_start3A_528 = arith.constant 0 : i32
      %dma_start3A_529 = tpu.memref_slice %arg6[%squeeze3A_522, %dma_start3A_528] : memref<100x768xf32, #tpu.memory_space<vmem>> -> memref<1x768xf32, #tpu.memory_space<vmem>>
      %dma_start3A_530 = tpu.memref_squeeze %dma_start3A_529 : memref<1x768xf32, #tpu.memory_space<vmem>> -> memref<768xf32, #tpu.memory_space<vmem>>
      %dma_start3A_531 = arith.constant 0 : i32
      %dma_start3A_532 = tpu.memref_slice %arg4[%add3A_527, %dma_start3A_531] : memref<16384x768xf32, #tpu.memory_space<hbm>> -> memref<1x768xf32, #tpu.memory_space<hbm>>
      %dma_start3A_533 = tpu.memref_squeeze %dma_start3A_532 : memref<1x768xf32, #tpu.memory_space<hbm>> -> memref<768xf32, #tpu.memory_space<hbm>>
      %dma_start3A_534 = arith.constant 0 : i32
      %dma_start3A_535 = tpu.memref_slice %arg4[%add3A_527, %dma_start3A_534] : memref<16384x768xf32, #tpu.memory_space<hbm>> -> memref<1x768xf32, #tpu.memory_space<hbm>>
      %dma_start3A_536 = tpu.memref_squeeze %dma_start3A_535 : memref<1x768xf32, #tpu.memory_space<hbm>> -> memref<768xf32, #tpu.memory_space<hbm>>
      %dma_start3A_537 = arith.constant 0 : i32
      %dma_start3A_538 = tpu.memref_slice %arg6[%squeeze3A_522, %dma_start3A_537] : memref<100x768xf32, #tpu.memory_space<vmem>> -> memref<1x768xf32, #tpu.memory_space<vmem>>
      %dma_start3A_539 = tpu.memref_squeeze %dma_start3A_538 : memref<1x768xf32, #tpu.memory_space<vmem>> -> memref<768xf32, #tpu.memory_space<vmem>>
      tpu.enqueue_dma source(%dma_start3A_539 : memref<768xf32, #tpu.memory_space<vmem>>) target(%dma_start3A_536 : memref<768xf32, #tpu.memory_space<hbm>>) target_semaphore(%arg8 : memref<!tpu.dma_semaphore, #tpu.memory_space<semaphore_mem>>)
      %slice3A_540 = vector.extract_strided_slice %get3A_256 {offsets = [15], sizes = [1], strides = [1]} : vector<16xi32> to vector<1xi32>
      %squeeze3A_541 = vector.extract %slice3A_540[0] : i32 from vector<1xi32>
      %mul3A_542 = arith.constant 16 : i32
      %mul3A_543 = arith.muli %scan3A_44, %mul3A_542 : i32
      %add3A_544 = arith.addi %mul3A_2, %mul3A_543 : i32
      %add3A_545 = arith.constant 15 : i32
      %add3A_546 = arith.addi %add3A_544, %add3A_545 : i32
      %dma_start3A_547 = arith.constant 0 : i32
      %dma_start3A_548 = tpu.memref_slice %arg6[%squeeze3A_541, %dma_start3A_547] : memref<100x768xf32, #tpu.memory_space<vmem>> -> memref<1x768xf32, #tpu.memory_space<vmem>>
      %dma_start3A_549 = tpu.memref_squeeze %dma_start3A_548 : memref<1x768xf32, #tpu.memory_space<vmem>> -> memref<768xf32, #tpu.memory_space<vmem>>
      %dma_start3A_550 = arith.constant 0 : i32
      %dma_start3A_551 = tpu.memref_slice %arg4[%add3A_546, %dma_start3A_550] : memref<16384x768xf32, #tpu.memory_space<hbm>> -> memref<1x768xf32, #tpu.memory_space<hbm>>
      %dma_start3A_552 = tpu.memref_squeeze %dma_start3A_551 : memref<1x768xf32, #tpu.memory_space<hbm>> -> memref<768xf32, #tpu.memory_space<hbm>>
      %dma_start3A_553 = arith.constant 0 : i32
      %dma_start3A_554 = tpu.memref_slice %arg4[%add3A_546, %dma_start3A_553] : memref<16384x768xf32, #tpu.memory_space<hbm>> -> memref<1x768xf32, #tpu.memory_space<hbm>>
      %dma_start3A_555 = tpu.memref_squeeze %dma_start3A_554 : memref<1x768xf32, #tpu.memory_space<hbm>> -> memref<768xf32, #tpu.memory_space<hbm>>
      %dma_start3A_556 = arith.constant 0 : i32
      %dma_start3A_557 = tpu.memref_slice %arg6[%squeeze3A_541, %dma_start3A_556] : memref<100x768xf32, #tpu.memory_space<vmem>> -> memref<1x768xf32, #tpu.memory_space<vmem>>
      %dma_start3A_558 = tpu.memref_squeeze %dma_start3A_557 : memref<1x768xf32, #tpu.memory_space<vmem>> -> memref<768xf32, #tpu.memory_space<vmem>>
      tpu.enqueue_dma source(%dma_start3A_558 : memref<768xf32, #tpu.memory_space<vmem>>) target(%dma_start3A_555 : memref<768xf32, #tpu.memory_space<hbm>>) target_semaphore(%arg8 : memref<!tpu.dma_semaphore, #tpu.memory_space<semaphore_mem>>)
    }
    %scan3A_37 = arith.constant 28 : i32
    %scan3A_38 = arith.constant 0 : i32
    %scan3A_39 = arith.constant 0 : i32
    %scan3A_40 = arith.constant 4 : i32
    %scan3A_41 = arith.addi %scan3A_39, %scan3A_40 : i32
    %scan3A_42 = arith.constant 1 : i32
    scf.for %scan3A_44 = %scan3A_39 to %scan3A_41 step %scan3A_42  : i32 {
      %dma_wait3A_45 = arith.constant 0 : i32
      %dma_wait3A_46 = arith.constant 0 : i32
      %dma_wait3A_47 = tpu.memref_slice %arg6[%dma_wait3A_45, %dma_wait3A_46] : memref<100x768xf32, #tpu.memory_space<vmem>> -> memref<1x768xf32, #tpu.memory_space<vmem>>
      %dma_wait3A_48 = tpu.memref_squeeze %dma_wait3A_47 : memref<1x768xf32, #tpu.memory_space<vmem>> -> memref<768xf32, #tpu.memory_space<vmem>>
      %dma_wait3A_49 = arith.constant 0 : i32
      %dma_wait3A_50 = tpu.memref_slice %arg4[%mul3A_2, %dma_wait3A_49] : memref<16384x768xf32, #tpu.memory_space<hbm>> -> memref<1x768xf32, #tpu.memory_space<hbm>>
      %dma_wait3A_51 = tpu.memref_squeeze %dma_wait3A_50 : memref<1x768xf32, #tpu.memory_space<hbm>> -> memref<768xf32, #tpu.memory_space<hbm>>
      %dma_wait3A_52 = arith.constant 0 : i32
      %dma_wait3A_53 = tpu.memref_slice %arg6[%dma_wait3A_45, %dma_wait3A_52] : memref<100x768xf32, #tpu.memory_space<vmem>> -> memref<1x768xf32, #tpu.memory_space<vmem>>
      %dma_wait3A_54 = tpu.memref_squeeze %dma_wait3A_53 : memref<1x768xf32, #tpu.memory_space<vmem>> -> memref<768xf32, #tpu.memory_space<vmem>>
      %dma_wait3A_55 = arith.constant 0 : i32
      %dma_wait3A_56 = tpu.memref_slice %arg4[%mul3A_2, %dma_wait3A_55] : memref<16384x768xf32, #tpu.memory_space<hbm>> -> memref<1x768xf32, #tpu.memory_space<hbm>>
      %dma_wait3A_57 = tpu.memref_squeeze %dma_wait3A_56 : memref<1x768xf32, #tpu.memory_space<hbm>> -> memref<768xf32, #tpu.memory_space<hbm>>
      tpu.wait_dma2 semaphore(%arg8 : memref<!tpu.dma_semaphore, #tpu.memory_space<semaphore_mem>>) src(%dma_wait3A_57 : memref<768xf32, #tpu.memory_space<hbm>>) dst(%dma_wait3A_54 : memref<768xf32, #tpu.memory_space<vmem>>)
      %dma_wait3A_58 = arith.constant 0 : i32
      %dma_wait3A_59 = arith.constant 0 : i32
      %dma_wait3A_60 = tpu.memref_slice %arg6[%dma_wait3A_58, %dma_wait3A_59] : memref<100x768xf32, #tpu.memory_space<vmem>> -> memref<1x768xf32, #tpu.memory_space<vmem>>
      %dma_wait3A_61 = tpu.memref_squeeze %dma_wait3A_60 : memref<1x768xf32, #tpu.memory_space<vmem>> -> memref<768xf32, #tpu.memory_space<vmem>>
      %dma_wait3A_62 = arith.constant 0 : i32
      %dma_wait3A_63 = tpu.memref_slice %arg4[%mul3A_2, %dma_wait3A_62] : memref<16384x768xf32, #tpu.memory_space<hbm>> -> memref<1x768xf32, #tpu.memory_space<hbm>>
      %dma_wait3A_64 = tpu.memref_squeeze %dma_wait3A_63 : memref<1x768xf32, #tpu.memory_space<hbm>> -> memref<768xf32, #tpu.memory_space<hbm>>
      %dma_wait3A_65 = arith.constant 0 : i32
      %dma_wait3A_66 = tpu.memref_slice %arg6[%dma_wait3A_58, %dma_wait3A_65] : memref<100x768xf32, #tpu.memory_space<vmem>> -> memref<1x768xf32, #tpu.memory_space<vmem>>
      %dma_wait3A_67 = tpu.memref_squeeze %dma_wait3A_66 : memref<1x768xf32, #tpu.memory_space<vmem>> -> memref<768xf32, #tpu.memory_space<vmem>>
      %dma_wait3A_68 = arith.constant 0 : i32
      %dma_wait3A_69 = tpu.memref_slice %arg4[%mul3A_2, %dma_wait3A_68] : memref<16384x768xf32, #tpu.memory_space<hbm>> -> memref<1x768xf32, #tpu.memory_space<hbm>>
      %dma_wait3A_70 = tpu.memref_squeeze %dma_wait3A_69 : memref<1x768xf32, #tpu.memory_space<hbm>> -> memref<768xf32, #tpu.memory_space<hbm>>
      tpu.wait_dma2 semaphore(%arg8 : memref<!tpu.dma_semaphore, #tpu.memory_space<semaphore_mem>>) src(%dma_wait3A_70 : memref<768xf32, #tpu.memory_space<hbm>>) dst(%dma_wait3A_67 : memref<768xf32, #tpu.memory_space<vmem>>)
      %dma_wait3A_71 = arith.constant 0 : i32
      %dma_wait3A_72 = arith.constant 0 : i32
      %dma_wait3A_73 = tpu.memref_slice %arg6[%dma_wait3A_71, %dma_wait3A_72] : memref<100x768xf32, #tpu.memory_space<vmem>> -> memref<1x768xf32, #tpu.memory_space<vmem>>
      %dma_wait3A_74 = tpu.memref_squeeze %dma_wait3A_73 : memref<1x768xf32, #tpu.memory_space<vmem>> -> memref<768xf32, #tpu.memory_space<vmem>>
      %dma_wait3A_75 = arith.constant 0 : i32
      %dma_wait3A_76 = tpu.memref_slice %arg4[%mul3A_2, %dma_wait3A_75] : memref<16384x768xf32, #tpu.memory_space<hbm>> -> memref<1x768xf32, #tpu.memory_space<hbm>>
      %dma_wait3A_77 = tpu.memref_squeeze %dma_wait3A_76 : memref<1x768xf32, #tpu.memory_space<hbm>> -> memref<768xf32, #tpu.memory_space<hbm>>
      %dma_wait3A_78 = arith.constant 0 : i32
      %dma_wait3A_79 = tpu.memref_slice %arg6[%dma_wait3A_71, %dma_wait3A_78] : memref<100x768xf32, #tpu.memory_space<vmem>> -> memref<1x768xf32, #tpu.memory_space<vmem>>
      %dma_wait3A_80 = tpu.memref_squeeze %dma_wait3A_79 : memref<1x768xf32, #tpu.memory_space<vmem>> -> memref<768xf32, #tpu.memory_space<vmem>>
      %dma_wait3A_81 = arith.constant 0 : i32
      %dma_wait3A_82 = tpu.memref_slice %arg4[%mul3A_2, %dma_wait3A_81] : memref<16384x768xf32, #tpu.memory_space<hbm>> -> memref<1x768xf32, #tpu.memory_space<hbm>>
      %dma_wait3A_83 = tpu.memref_squeeze %dma_wait3A_82 : memref<1x768xf32, #tpu.memory_space<hbm>> -> memref<768xf32, #tpu.memory_space<hbm>>
      tpu.wait_dma2 semaphore(%arg8 : memref<!tpu.dma_semaphore, #tpu.memory_space<semaphore_mem>>) src(%dma_wait3A_83 : memref<768xf32, #tpu.memory_space<hbm>>) dst(%dma_wait3A_80 : memref<768xf32, #tpu.memory_space<vmem>>)
      %dma_wait3A_84 = arith.constant 0 : i32
      %dma_wait3A_85 = arith.constant 0 : i32
      %dma_wait3A_86 = tpu.memref_slice %arg6[%dma_wait3A_84, %dma_wait3A_85] : memref<100x768xf32, #tpu.memory_space<vmem>> -> memref<1x768xf32, #tpu.memory_space<vmem>>
      %dma_wait3A_87 = tpu.memref_squeeze %dma_wait3A_86 : memref<1x768xf32, #tpu.memory_space<vmem>> -> memref<768xf32, #tpu.memory_space<vmem>>
      %dma_wait3A_88 = arith.constant 0 : i32
      %dma_wait3A_89 = tpu.memref_slice %arg4[%mul3A_2, %dma_wait3A_88] : memref<16384x768xf32, #tpu.memory_space<hbm>> -> memref<1x768xf32, #tpu.memory_space<hbm>>
      %dma_wait3A_90 = tpu.memref_squeeze %dma_wait3A_89 : memref<1x768xf32, #tpu.memory_space<hbm>> -> memref<768xf32, #tpu.memory_space<hbm>>
      %dma_wait3A_91 = arith.constant 0 : i32
      %dma_wait3A_92 = tpu.memref_slice %arg6[%dma_wait3A_84, %dma_wait3A_91] : memref<100x768xf32, #tpu.memory_space<vmem>> -> memref<1x768xf32, #tpu.memory_space<vmem>>
      %dma_wait3A_93 = tpu.memref_squeeze %dma_wait3A_92 : memref<1x768xf32, #tpu.memory_space<vmem>> -> memref<768xf32, #tpu.memory_space<vmem>>
      %dma_wait3A_94 = arith.constant 0 : i32
      %dma_wait3A_95 = tpu.memref_slice %arg4[%mul3A_2, %dma_wait3A_94] : memref<16384x768xf32, #tpu.memory_space<hbm>> -> memref<1x768xf32, #tpu.memory_space<hbm>>
      %dma_wait3A_96 = tpu.memref_squeeze %dma_wait3A_95 : memref<1x768xf32, #tpu.memory_space<hbm>> -> memref<768xf32, #tpu.memory_space<hbm>>
      tpu.wait_dma2 semaphore(%arg8 : memref<!tpu.dma_semaphore, #tpu.memory_space<semaphore_mem>>) src(%dma_wait3A_96 : memref<768xf32, #tpu.memory_space<hbm>>) dst(%dma_wait3A_93 : memref<768xf32, #tpu.memory_space<vmem>>)
      %dma_wait3A_97 = arith.constant 0 : i32
      %dma_wait3A_98 = arith.constant 0 : i32
      %dma_wait3A_99 = tpu.memref_slice %arg6[%dma_wait3A_97, %dma_wait3A_98] : memref<100x768xf32, #tpu.memory_space<vmem>> -> memref<1x768xf32, #tpu.memory_space<vmem>>
      %dma_wait3A_100 = tpu.memref_squeeze %dma_wait3A_99 : memref<1x768xf32, #tpu.memory_space<vmem>> -> memref<768xf32, #tpu.memory_space<vmem>>
      %dma_wait3A_101 = arith.constant 0 : i32
      %dma_wait3A_102 = tpu.memref_slice %arg4[%mul3A_2, %dma_wait3A_101] : memref<16384x768xf32, #tpu.memory_space<hbm>> -> memref<1x768xf32, #tpu.memory_space<hbm>>
      %dma_wait3A_103 = tpu.memref_squeeze %dma_wait3A_102 : memref<1x768xf32, #tpu.memory_space<hbm>> -> memref<768xf32, #tpu.memory_space<hbm>>
      %dma_wait3A_104 = arith.constant 0 : i32
      %dma_wait3A_105 = tpu.memref_slice %arg6[%dma_wait3A_97, %dma_wait3A_104] : memref<100x768xf32, #tpu.memory_space<vmem>> -> memref<1x768xf32, #tpu.memory_space<vmem>>
      %dma_wait3A_106 = tpu.memref_squeeze %dma_wait3A_105 : memref<1x768xf32, #tpu.memory_space<vmem>> -> memref<768xf32, #tpu.memory_space<vmem>>
      %dma_wait3A_107 = arith.constant 0 : i32
      %dma_wait3A_108 = tpu.memref_slice %arg4[%mul3A_2, %dma_wait3A_107] : memref<16384x768xf32, #tpu.memory_space<hbm>> -> memref<1x768xf32, #tpu.memory_space<hbm>>
      %dma_wait3A_109 = tpu.memref_squeeze %dma_wait3A_108 : memref<1x768xf32, #tpu.memory_space<hbm>> -> memref<768xf32, #tpu.memory_space<hbm>>
      tpu.wait_dma2 semaphore(%arg8 : memref<!tpu.dma_semaphore, #tpu.memory_space<semaphore_mem>>) src(%dma_wait3A_109 : memref<768xf32, #tpu.memory_space<hbm>>) dst(%dma_wait3A_106 : memref<768xf32, #tpu.memory_space<vmem>>)
      %dma_wait3A_110 = arith.constant 0 : i32
      %dma_wait3A_111 = arith.constant 0 : i32
      %dma_wait3A_112 = tpu.memref_slice %arg6[%dma_wait3A_110, %dma_wait3A_111] : memref<100x768xf32, #tpu.memory_space<vmem>> -> memref<1x768xf32, #tpu.memory_space<vmem>>
      %dma_wait3A_113 = tpu.memref_squeeze %dma_wait3A_112 : memref<1x768xf32, #tpu.memory_space<vmem>> -> memref<768xf32, #tpu.memory_space<vmem>>
      %dma_wait3A_114 = arith.constant 0 : i32
      %dma_wait3A_115 = tpu.memref_slice %arg4[%mul3A_2, %dma_wait3A_114] : memref<16384x768xf32, #tpu.memory_space<hbm>> -> memref<1x768xf32, #tpu.memory_space<hbm>>
      %dma_wait3A_116 = tpu.memref_squeeze %dma_wait3A_115 : memref<1x768xf32, #tpu.memory_space<hbm>> -> memref<768xf32, #tpu.memory_space<hbm>>
      %dma_wait3A_117 = arith.constant 0 : i32
      %dma_wait3A_118 = tpu.memref_slice %arg6[%dma_wait3A_110, %dma_wait3A_117] : memref<100x768xf32, #tpu.memory_space<vmem>> -> memref<1x768xf32, #tpu.memory_space<vmem>>
      %dma_wait3A_119 = tpu.memref_squeeze %dma_wait3A_118 : memref<1x768xf32, #tpu.memory_space<vmem>> -> memref<768xf32, #tpu.memory_space<vmem>>
      %dma_wait3A_120 = arith.constant 0 : i32
      %dma_wait3A_121 = tpu.memref_slice %arg4[%mul3A_2, %dma_wait3A_120] : memref<16384x768xf32, #tpu.memory_space<hbm>> -> memref<1x768xf32, #tpu.memory_space<hbm>>
      %dma_wait3A_122 = tpu.memref_squeeze %dma_wait3A_121 : memref<1x768xf32, #tpu.memory_space<hbm>> -> memref<768xf32, #tpu.memory_space<hbm>>
      tpu.wait_dma2 semaphore(%arg8 : memref<!tpu.dma_semaphore, #tpu.memory_space<semaphore_mem>>) src(%dma_wait3A_122 : memref<768xf32, #tpu.memory_space<hbm>>) dst(%dma_wait3A_119 : memref<768xf32, #tpu.memory_space<vmem>>)
      %dma_wait3A_123 = arith.constant 0 : i32
      %dma_wait3A_124 = arith.constant 0 : i32
      %dma_wait3A_125 = tpu.memref_slice %arg6[%dma_wait3A_123, %dma_wait3A_124] : memref<100x768xf32, #tpu.memory_space<vmem>> -> memref<1x768xf32, #tpu.memory_space<vmem>>
      %dma_wait3A_126 = tpu.memref_squeeze %dma_wait3A_125 : memref<1x768xf32, #tpu.memory_space<vmem>> -> memref<768xf32, #tpu.memory_space<vmem>>
      %dma_wait3A_127 = arith.constant 0 : i32
      %dma_wait3A_128 = tpu.memref_slice %arg4[%mul3A_2, %dma_wait3A_127] : memref<16384x768xf32, #tpu.memory_space<hbm>> -> memref<1x768xf32, #tpu.memory_space<hbm>>
      %dma_wait3A_129 = tpu.memref_squeeze %dma_wait3A_128 : memref<1x768xf32, #tpu.memory_space<hbm>> -> memref<768xf32, #tpu.memory_space<hbm>>
      %dma_wait3A_130 = arith.constant 0 : i32
      %dma_wait3A_131 = tpu.memref_slice %arg6[%dma_wait3A_123, %dma_wait3A_130] : memref<100x768xf32, #tpu.memory_space<vmem>> -> memref<1x768xf32, #tpu.memory_space<vmem>>
      %dma_wait3A_132 = tpu.memref_squeeze %dma_wait3A_131 : memref<1x768xf32, #tpu.memory_space<vmem>> -> memref<768xf32, #tpu.memory_space<vmem>>
      %dma_wait3A_133 = arith.constant 0 : i32
      %dma_wait3A_134 = tpu.memref_slice %arg4[%mul3A_2, %dma_wait3A_133] : memref<16384x768xf32, #tpu.memory_space<hbm>> -> memref<1x768xf32, #tpu.memory_space<hbm>>
      %dma_wait3A_135 = tpu.memref_squeeze %dma_wait3A_134 : memref<1x768xf32, #tpu.memory_space<hbm>> -> memref<768xf32, #tpu.memory_space<hbm>>
      tpu.wait_dma2 semaphore(%arg8 : memref<!tpu.dma_semaphore, #tpu.memory_space<semaphore_mem>>) src(%dma_wait3A_135 : memref<768xf32, #tpu.memory_space<hbm>>) dst(%dma_wait3A_132 : memref<768xf32, #tpu.memory_space<vmem>>)
      %dma_wait3A_136 = arith.constant 0 : i32
      %dma_wait3A_137 = arith.constant 0 : i32
      %dma_wait3A_138 = tpu.memref_slice %arg6[%dma_wait3A_136, %dma_wait3A_137] : memref<100x768xf32, #tpu.memory_space<vmem>> -> memref<1x768xf32, #tpu.memory_space<vmem>>
      %dma_wait3A_139 = tpu.memref_squeeze %dma_wait3A_138 : memref<1x768xf32, #tpu.memory_space<vmem>> -> memref<768xf32, #tpu.memory_space<vmem>>
      %dma_wait3A_140 = arith.constant 0 : i32
      %dma_wait3A_141 = tpu.memref_slice %arg4[%mul3A_2, %dma_wait3A_140] : memref<16384x768xf32, #tpu.memory_space<hbm>> -> memref<1x768xf32, #tpu.memory_space<hbm>>
      %dma_wait3A_142 = tpu.memref_squeeze %dma_wait3A_141 : memref<1x768xf32, #tpu.memory_space<hbm>> -> memref<768xf32, #tpu.memory_space<hbm>>
      %dma_wait3A_143 = arith.constant 0 : i32
      %dma_wait3A_144 = tpu.memref_slice %arg6[%dma_wait3A_136, %dma_wait3A_143] : memref<100x768xf32, #tpu.memory_space<vmem>> -> memref<1x768xf32, #tpu.memory_space<vmem>>
      %dma_wait3A_145 = tpu.memref_squeeze %dma_wait3A_144 : memref<1x768xf32, #tpu.memory_space<vmem>> -> memref<768xf32, #tpu.memory_space<vmem>>
      %dma_wait3A_146 = arith.constant 0 : i32
      %dma_wait3A_147 = tpu.memref_slice %arg4[%mul3A_2, %dma_wait3A_146] : memref<16384x768xf32, #tpu.memory_space<hbm>> -> memref<1x768xf32, #tpu.memory_space<hbm>>
      %dma_wait3A_148 = tpu.memref_squeeze %dma_wait3A_147 : memref<1x768xf32, #tpu.memory_space<hbm>> -> memref<768xf32, #tpu.memory_space<hbm>>
      tpu.wait_dma2 semaphore(%arg8 : memref<!tpu.dma_semaphore, #tpu.memory_space<semaphore_mem>>) src(%dma_wait3A_148 : memref<768xf32, #tpu.memory_space<hbm>>) dst(%dma_wait3A_145 : memref<768xf32, #tpu.memory_space<vmem>>)
      %dma_wait3A_149 = arith.constant 0 : i32
      %dma_wait3A_150 = arith.constant 0 : i32
      %dma_wait3A_151 = tpu.memref_slice %arg6[%dma_wait3A_149, %dma_wait3A_150] : memref<100x768xf32, #tpu.memory_space<vmem>> -> memref<1x768xf32, #tpu.memory_space<vmem>>
      %dma_wait3A_152 = tpu.memref_squeeze %dma_wait3A_151 : memref<1x768xf32, #tpu.memory_space<vmem>> -> memref<768xf32, #tpu.memory_space<vmem>>
      %dma_wait3A_153 = arith.constant 0 : i32
      %dma_wait3A_154 = tpu.memref_slice %arg4[%mul3A_2, %dma_wait3A_153] : memref<16384x768xf32, #tpu.memory_space<hbm>> -> memref<1x768xf32, #tpu.memory_space<hbm>>
      %dma_wait3A_155 = tpu.memref_squeeze %dma_wait3A_154 : memref<1x768xf32, #tpu.memory_space<hbm>> -> memref<768xf32, #tpu.memory_space<hbm>>
      %dma_wait3A_156 = arith.constant 0 : i32
      %dma_wait3A_157 = tpu.memref_slice %arg6[%dma_wait3A_149, %dma_wait3A_156] : memref<100x768xf32, #tpu.memory_space<vmem>> -> memref<1x768xf32, #tpu.memory_space<vmem>>
      %dma_wait3A_158 = tpu.memref_squeeze %dma_wait3A_157 : memref<1x768xf32, #tpu.memory_space<vmem>> -> memref<768xf32, #tpu.memory_space<vmem>>
      %dma_wait3A_159 = arith.constant 0 : i32
      %dma_wait3A_160 = tpu.memref_slice %arg4[%mul3A_2, %dma_wait3A_159] : memref<16384x768xf32, #tpu.memory_space<hbm>> -> memref<1x768xf32, #tpu.memory_space<hbm>>
      %dma_wait3A_161 = tpu.memref_squeeze %dma_wait3A_160 : memref<1x768xf32, #tpu.memory_space<hbm>> -> memref<768xf32, #tpu.memory_space<hbm>>
      tpu.wait_dma2 semaphore(%arg8 : memref<!tpu.dma_semaphore, #tpu.memory_space<semaphore_mem>>) src(%dma_wait3A_161 : memref<768xf32, #tpu.memory_space<hbm>>) dst(%dma_wait3A_158 : memref<768xf32, #tpu.memory_space<vmem>>)
      %dma_wait3A_162 = arith.constant 0 : i32
      %dma_wait3A_163 = arith.constant 0 : i32
      %dma_wait3A_164 = tpu.memref_slice %arg6[%dma_wait3A_162, %dma_wait3A_163] : memref<100x768xf32, #tpu.memory_space<vmem>> -> memref<1x768xf32, #tpu.memory_space<vmem>>
      %dma_wait3A_165 = tpu.memref_squeeze %dma_wait3A_164 : memref<1x768xf32, #tpu.memory_space<vmem>> -> memref<768xf32, #tpu.memory_space<vmem>>
      %dma_wait3A_166 = arith.constant 0 : i32
      %dma_wait3A_167 = tpu.memref_slice %arg4[%mul3A_2, %dma_wait3A_166] : memref<16384x768xf32, #tpu.memory_space<hbm>> -> memref<1x768xf32, #tpu.memory_space<hbm>>
      %dma_wait3A_168 = tpu.memref_squeeze %dma_wait3A_167 : memref<1x768xf32, #tpu.memory_space<hbm>> -> memref<768xf32, #tpu.memory_space<hbm>>
      %dma_wait3A_169 = arith.constant 0 : i32
      %dma_wait3A_170 = tpu.memref_slice %arg6[%dma_wait3A_162, %dma_wait3A_169] : memref<100x768xf32, #tpu.memory_space<vmem>> -> memref<1x768xf32, #tpu.memory_space<vmem>>
      %dma_wait3A_171 = tpu.memref_squeeze %dma_wait3A_170 : memref<1x768xf32, #tpu.memory_space<vmem>> -> memref<768xf32, #tpu.memory_space<vmem>>
      %dma_wait3A_172 = arith.constant 0 : i32
      %dma_wait3A_173 = tpu.memref_slice %arg4[%mul3A_2, %dma_wait3A_172] : memref<16384x768xf32, #tpu.memory_space<hbm>> -> memref<1x768xf32, #tpu.memory_space<hbm>>
      %dma_wait3A_174 = tpu.memref_squeeze %dma_wait3A_173 : memref<1x768xf32, #tpu.memory_space<hbm>> -> memref<768xf32, #tpu.memory_space<hbm>>
      tpu.wait_dma2 semaphore(%arg8 : memref<!tpu.dma_semaphore, #tpu.memory_space<semaphore_mem>>) src(%dma_wait3A_174 : memref<768xf32, #tpu.memory_space<hbm>>) dst(%dma_wait3A_171 : memref<768xf32, #tpu.memory_space<vmem>>)
      %dma_wait3A_175 = arith.constant 0 : i32
      %dma_wait3A_176 = arith.constant 0 : i32
      %dma_wait3A_177 = tpu.memref_slice %arg6[%dma_wait3A_175, %dma_wait3A_176] : memref<100x768xf32, #tpu.memory_space<vmem>> -> memref<1x768xf32, #tpu.memory_space<vmem>>
      %dma_wait3A_178 = tpu.memref_squeeze %dma_wait3A_177 : memref<1x768xf32, #tpu.memory_space<vmem>> -> memref<768xf32, #tpu.memory_space<vmem>>
      %dma_wait3A_179 = arith.constant 0 : i32
      %dma_wait3A_180 = tpu.memref_slice %arg4[%mul3A_2, %dma_wait3A_179] : memref<16384x768xf32, #tpu.memory_space<hbm>> -> memref<1x768xf32, #tpu.memory_space<hbm>>
      %dma_wait3A_181 = tpu.memref_squeeze %dma_wait3A_180 : memref<1x768xf32, #tpu.memory_space<hbm>> -> memref<768xf32, #tpu.memory_space<hbm>>
      %dma_wait3A_182 = arith.constant 0 : i32
      %dma_wait3A_183 = tpu.memref_slice %arg6[%dma_wait3A_175, %dma_wait3A_182] : memref<100x768xf32, #tpu.memory_space<vmem>> -> memref<1x768xf32, #tpu.memory_space<vmem>>
      %dma_wait3A_184 = tpu.memref_squeeze %dma_wait3A_183 : memref<1x768xf32, #tpu.memory_space<vmem>> -> memref<768xf32, #tpu.memory_space<vmem>>
      %dma_wait3A_185 = arith.constant 0 : i32
      %dma_wait3A_186 = tpu.memref_slice %arg4[%mul3A_2, %dma_wait3A_185] : memref<16384x768xf32, #tpu.memory_space<hbm>> -> memref<1x768xf32, #tpu.memory_space<hbm>>
      %dma_wait3A_187 = tpu.memref_squeeze %dma_wait3A_186 : memref<1x768xf32, #tpu.memory_space<hbm>> -> memref<768xf32, #tpu.memory_space<hbm>>
      tpu.wait_dma2 semaphore(%arg8 : memref<!tpu.dma_semaphore, #tpu.memory_space<semaphore_mem>>) src(%dma_wait3A_187 : memref<768xf32, #tpu.memory_space<hbm>>) dst(%dma_wait3A_184 : memref<768xf32, #tpu.memory_space<vmem>>)
      %dma_wait3A_188 = arith.constant 0 : i32
      %dma_wait3A_189 = arith.constant 0 : i32
      %dma_wait3A_190 = tpu.memref_slice %arg6[%dma_wait3A_188, %dma_wait3A_189] : memref<100x768xf32, #tpu.memory_space<vmem>> -> memref<1x768xf32, #tpu.memory_space<vmem>>
      %dma_wait3A_191 = tpu.memref_squeeze %dma_wait3A_190 : memref<1x768xf32, #tpu.memory_space<vmem>> -> memref<768xf32, #tpu.memory_space<vmem>>
      %dma_wait3A_192 = arith.constant 0 : i32
      %dma_wait3A_193 = tpu.memref_slice %arg4[%mul3A_2, %dma_wait3A_192] : memref<16384x768xf32, #tpu.memory_space<hbm>> -> memref<1x768xf32, #tpu.memory_space<hbm>>
      %dma_wait3A_194 = tpu.memref_squeeze %dma_wait3A_193 : memref<1x768xf32, #tpu.memory_space<hbm>> -> memref<768xf32, #tpu.memory_space<hbm>>
      %dma_wait3A_195 = arith.constant 0 : i32
      %dma_wait3A_196 = tpu.memref_slice %arg6[%dma_wait3A_188, %dma_wait3A_195] : memref<100x768xf32, #tpu.memory_space<vmem>> -> memref<1x768xf32, #tpu.memory_space<vmem>>
      %dma_wait3A_197 = tpu.memref_squeeze %dma_wait3A_196 : memref<1x768xf32, #tpu.memory_space<vmem>> -> memref<768xf32, #tpu.memory_space<vmem>>
      %dma_wait3A_198 = arith.constant 0 : i32
      %dma_wait3A_199 = tpu.memref_slice %arg4[%mul3A_2, %dma_wait3A_198] : memref<16384x768xf32, #tpu.memory_space<hbm>> -> memref<1x768xf32, #tpu.memory_space<hbm>>
      %dma_wait3A_200 = tpu.memref_squeeze %dma_wait3A_199 : memref<1x768xf32, #tpu.memory_space<hbm>> -> memref<768xf32, #tpu.memory_space<hbm>>
      tpu.wait_dma2 semaphore(%arg8 : memref<!tpu.dma_semaphore, #tpu.memory_space<semaphore_mem>>) src(%dma_wait3A_200 : memref<768xf32, #tpu.memory_space<hbm>>) dst(%dma_wait3A_197 : memref<768xf32, #tpu.memory_space<vmem>>)
      %dma_wait3A_201 = arith.constant 0 : i32
      %dma_wait3A_202 = arith.constant 0 : i32
      %dma_wait3A_203 = tpu.memref_slice %arg6[%dma_wait3A_201, %dma_wait3A_202] : memref<100x768xf32, #tpu.memory_space<vmem>> -> memref<1x768xf32, #tpu.memory_space<vmem>>
      %dma_wait3A_204 = tpu.memref_squeeze %dma_wait3A_203 : memref<1x768xf32, #tpu.memory_space<vmem>> -> memref<768xf32, #tpu.memory_space<vmem>>
      %dma_wait3A_205 = arith.constant 0 : i32
      %dma_wait3A_206 = tpu.memref_slice %arg4[%mul3A_2, %dma_wait3A_205] : memref<16384x768xf32, #tpu.memory_space<hbm>> -> memref<1x768xf32, #tpu.memory_space<hbm>>
      %dma_wait3A_207 = tpu.memref_squeeze %dma_wait3A_206 : memref<1x768xf32, #tpu.memory_space<hbm>> -> memref<768xf32, #tpu.memory_space<hbm>>
      %dma_wait3A_208 = arith.constant 0 : i32
      %dma_wait3A_209 = tpu.memref_slice %arg6[%dma_wait3A_201, %dma_wait3A_208] : memref<100x768xf32, #tpu.memory_space<vmem>> -> memref<1x768xf32, #tpu.memory_space<vmem>>
      %dma_wait3A_210 = tpu.memref_squeeze %dma_wait3A_209 : memref<1x768xf32, #tpu.memory_space<vmem>> -> memref<768xf32, #tpu.memory_space<vmem>>
      %dma_wait3A_211 = arith.constant 0 : i32
      %dma_wait3A_212 = tpu.memref_slice %arg4[%mul3A_2, %dma_wait3A_211] : memref<16384x768xf32, #tpu.memory_space<hbm>> -> memref<1x768xf32, #tpu.memory_space<hbm>>
      %dma_wait3A_213 = tpu.memref_squeeze %dma_wait3A_212 : memref<1x768xf32, #tpu.memory_space<hbm>> -> memref<768xf32, #tpu.memory_space<hbm>>
      tpu.wait_dma2 semaphore(%arg8 : memref<!tpu.dma_semaphore, #tpu.memory_space<semaphore_mem>>) src(%dma_wait3A_213 : memref<768xf32, #tpu.memory_space<hbm>>) dst(%dma_wait3A_210 : memref<768xf32, #tpu.memory_space<vmem>>)
      %dma_wait3A_214 = arith.constant 0 : i32
      %dma_wait3A_215 = arith.constant 0 : i32
      %dma_wait3A_216 = tpu.memref_slice %arg6[%dma_wait3A_214, %dma_wait3A_215] : memref<100x768xf32, #tpu.memory_space<vmem>> -> memref<1x768xf32, #tpu.memory_space<vmem>>
      %dma_wait3A_217 = tpu.memref_squeeze %dma_wait3A_216 : memref<1x768xf32, #tpu.memory_space<vmem>> -> memref<768xf32, #tpu.memory_space<vmem>>
      %dma_wait3A_218 = arith.constant 0 : i32
      %dma_wait3A_219 = tpu.memref_slice %arg4[%mul3A_2, %dma_wait3A_218] : memref<16384x768xf32, #tpu.memory_space<hbm>> -> memref<1x768xf32, #tpu.memory_space<hbm>>
      %dma_wait3A_220 = tpu.memref_squeeze %dma_wait3A_219 : memref<1x768xf32, #tpu.memory_space<hbm>> -> memref<768xf32, #tpu.memory_space<hbm>>
      %dma_wait3A_221 = arith.constant 0 : i32
      %dma_wait3A_222 = tpu.memref_slice %arg6[%dma_wait3A_214, %dma_wait3A_221] : memref<100x768xf32, #tpu.memory_space<vmem>> -> memref<1x768xf32, #tpu.memory_space<vmem>>
      %dma_wait3A_223 = tpu.memref_squeeze %dma_wait3A_222 : memref<1x768xf32, #tpu.memory_space<vmem>> -> memref<768xf32, #tpu.memory_space<vmem>>
      %dma_wait3A_224 = arith.constant 0 : i32
      %dma_wait3A_225 = tpu.memref_slice %arg4[%mul3A_2, %dma_wait3A_224] : memref<16384x768xf32, #tpu.memory_space<hbm>> -> memref<1x768xf32, #tpu.memory_space<hbm>>
      %dma_wait3A_226 = tpu.memref_squeeze %dma_wait3A_225 : memref<1x768xf32, #tpu.memory_space<hbm>> -> memref<768xf32, #tpu.memory_space<hbm>>
      tpu.wait_dma2 semaphore(%arg8 : memref<!tpu.dma_semaphore, #tpu.memory_space<semaphore_mem>>) src(%dma_wait3A_226 : memref<768xf32, #tpu.memory_space<hbm>>) dst(%dma_wait3A_223 : memref<768xf32, #tpu.memory_space<vmem>>)
      %dma_wait3A_227 = arith.constant 0 : i32
      %dma_wait3A_228 = arith.constant 0 : i32
      %dma_wait3A_229 = tpu.memref_slice %arg6[%dma_wait3A_227, %dma_wait3A_228] : memref<100x768xf32, #tpu.memory_space<vmem>> -> memref<1x768xf32, #tpu.memory_space<vmem>>
      %dma_wait3A_230 = tpu.memref_squeeze %dma_wait3A_229 : memref<1x768xf32, #tpu.memory_space<vmem>> -> memref<768xf32, #tpu.memory_space<vmem>>
      %dma_wait3A_231 = arith.constant 0 : i32
      %dma_wait3A_232 = tpu.memref_slice %arg4[%mul3A_2, %dma_wait3A_231] : memref<16384x768xf32, #tpu.memory_space<hbm>> -> memref<1x768xf32, #tpu.memory_space<hbm>>
      %dma_wait3A_233 = tpu.memref_squeeze %dma_wait3A_232 : memref<1x768xf32, #tpu.memory_space<hbm>> -> memref<768xf32, #tpu.memory_space<hbm>>
      %dma_wait3A_234 = arith.constant 0 : i32
      %dma_wait3A_235 = tpu.memref_slice %arg6[%dma_wait3A_227, %dma_wait3A_234] : memref<100x768xf32, #tpu.memory_space<vmem>> -> memref<1x768xf32, #tpu.memory_space<vmem>>
      %dma_wait3A_236 = tpu.memref_squeeze %dma_wait3A_235 : memref<1x768xf32, #tpu.memory_space<vmem>> -> memref<768xf32, #tpu.memory_space<vmem>>
      %dma_wait3A_237 = arith.constant 0 : i32
      %dma_wait3A_238 = tpu.memref_slice %arg4[%mul3A_2, %dma_wait3A_237] : memref<16384x768xf32, #tpu.memory_space<hbm>> -> memref<1x768xf32, #tpu.memory_space<hbm>>
      %dma_wait3A_239 = tpu.memref_squeeze %dma_wait3A_238 : memref<1x768xf32, #tpu.memory_space<hbm>> -> memref<768xf32, #tpu.memory_space<hbm>>
      tpu.wait_dma2 semaphore(%arg8 : memref<!tpu.dma_semaphore, #tpu.memory_space<semaphore_mem>>) src(%dma_wait3A_239 : memref<768xf32, #tpu.memory_space<hbm>>) dst(%dma_wait3A_236 : memref<768xf32, #tpu.memory_space<vmem>>)
      %dma_wait3A_240 = arith.constant 0 : i32
      %dma_wait3A_241 = arith.constant 0 : i32
      %dma_wait3A_242 = tpu.memref_slice %arg6[%dma_wait3A_240, %dma_wait3A_241] : memref<100x768xf32, #tpu.memory_space<vmem>> -> memref<1x768xf32, #tpu.memory_space<vmem>>
      %dma_wait3A_243 = tpu.memref_squeeze %dma_wait3A_242 : memref<1x768xf32, #tpu.memory_space<vmem>> -> memref<768xf32, #tpu.memory_space<vmem>>
      %dma_wait3A_244 = arith.constant 0 : i32
      %dma_wait3A_245 = tpu.memref_slice %arg4[%mul3A_2, %dma_wait3A_244] : memref<16384x768xf32, #tpu.memory_space<hbm>> -> memref<1x768xf32, #tpu.memory_space<hbm>>
      %dma_wait3A_246 = tpu.memref_squeeze %dma_wait3A_245 : memref<1x768xf32, #tpu.memory_space<hbm>> -> memref<768xf32, #tpu.memory_space<hbm>>
      %dma_wait3A_247 = arith.constant 0 : i32
      %dma_wait3A_248 = tpu.memref_slice %arg6[%dma_wait3A_240, %dma_wait3A_247] : memref<100x768xf32, #tpu.memory_space<vmem>> -> memref<1x768xf32, #tpu.memory_space<vmem>>
      %dma_wait3A_249 = tpu.memref_squeeze %dma_wait3A_248 : memref<1x768xf32, #tpu.memory_space<vmem>> -> memref<768xf32, #tpu.memory_space<vmem>>
      %dma_wait3A_250 = arith.constant 0 : i32
      %dma_wait3A_251 = tpu.memref_slice %arg4[%mul3A_2, %dma_wait3A_250] : memref<16384x768xf32, #tpu.memory_space<hbm>> -> memref<1x768xf32, #tpu.memory_space<hbm>>
      %dma_wait3A_252 = tpu.memref_squeeze %dma_wait3A_251 : memref<1x768xf32, #tpu.memory_space<hbm>> -> memref<768xf32, #tpu.memory_space<hbm>>
      tpu.wait_dma2 semaphore(%arg8 : memref<!tpu.dma_semaphore, #tpu.memory_space<semaphore_mem>>) src(%dma_wait3A_252 : memref<768xf32, #tpu.memory_space<hbm>>) dst(%dma_wait3A_249 : memref<768xf32, #tpu.memory_space<vmem>>)
    }
    %scan3A_43 = arith.constant 4 : i32
    return
  }
}

</mosaic_0001>

<sc_bundles>
// kernel: kernel.3.cloned.1.call-start
scs
__scs_entry_jumppad:
0x0: {  	(pc) =	sbr.rel $0x88, $3  }
0x1: {  	(tag) =	ssettag $0x0;
	lr =	simm.s32 $0x1  }
0x2: {  	[smem:$0x3F9F] =	sst lr;
	_ =	strace $0xD0000000  }
0x3: {  	_ = 	snop  }
0x4: {  	_ = 	snop  }
0x5: {  	_ = 	snop  }
0x6: {  	_ = 	snop  }
0x7: {  	_ = 	snop  }
__scs_overlays_trampoline_lowered:
0x8: {  	[smem:$0x3FAE] =	sst s0  }
0x9: {  	[smem:$0x3FAF] =	sst s1  }
0xa: {  	[smem:$0x3FB0] =	sst s2  }
0xb: {  	[smem:$0x3FB1] =	sst s3  }
0xc: {  	[smem:$0x3FB2] =	sst s4  }
0xd: {  	[smem:$0x3FB3] =	sst s5  }
0xe: {  	[smem:$0x3FB4] =	sst s6  }
0xf: {  	[smem:$0x3FB5] =	sst s7  }
0x10: {  	[smem:$0x3FB6] =	sst s8  }
0x11: {  	[smem:$0x3FB7] =	sst s9;
	s0 =	simm.s32 @!p0 $0x0  }
0x12: {  	s1 =	sld [smem:$0x3F9D];
	s0 =	simm.s32 @p0 $0x1  }
0x13: {  	[smem:$0x3FB8] =	sst s0;
	s0 =	simm.s32 @!p1 $0x0  }
0x14: {  	s2 =	sld [smem:$0x3F9C];
	s0 =	simm.s32 @p1 $0x1  }
0x15: {  	[smem:$0x3FB9] =	sst s0;
	s0 =	simm.s32 @!p2 $0x0  }
0x16: {  	s3 =	sld [smem:$0x3FDB];
	s0 =	simm.s32 @p2 $0x1  }
0x17: {  	s4 =	simm.s32 $0x1BF5;
	[smem:$0x3FBB] =	sst s0  }
0x18: {  	s0 =	sld [smem:$0x3F9E];
	_ =	swait.ge [sflag:s4], $0x0  }
0x19: {  	s7 =	sld [smem:$0x3F9F]  }
0x1a: {  	s8 =	sadd.s32 $0xFFFFE003, lr  }
0x1b: {  	s9 =	sadd.s32 $0xFFFFFEF7, lr;
	s5 =	simm.s32 $0xFFFFFFFF;
	p2 =	slt.u32 s8, $0xFFFFF086  }
0x1c: {  	p1 =	slt.u32 s9, $0xF7A;
	s5 =	simm.s32 @!p2 $0x0  }
0x1d: {  	s5 =	simm.s32 @p1 $0x1;
	p0 =	seq.s32 s7, s2  }
0x1e: {  	s7 =	smul.u32 @!p0 $0xF7A, s2;
	p2 =	seq.s32 @!p0 s5, $0x0  }
0x1f: {  	s9 =	smul.u32 $0xF7A, s1;
	s8 =	simm.s32 @!p0 $0x1BF5;
	p2 =	por !p2, p0  }
0x20: {  	[sflag:s8] =	ssyncset.s32 @!p0 $0xFFFFF086;
	s6 =	sadd.s32 @!p0 s3, s7;
	s7 =	simm.s32 @!p0 $0x108  }
0x21: {  	s3 =	sadd.s32 s3, s9;
	s6 =	sadd.s32 @!p0 $0x88, s6;
	s7 =	simm.s32 @p2 $0x1082  }
0x22: {  	[simem:s7], [sflag:s8] =	dma.local @!p0 [hbm:s6], $0xF7A  }
0x23: {  	s9 =	sor.u32 $0xD0000000, s2;
	s6 =	simm.s32 $0x108;
	_ =	swait.ge @!p0 [sflag:s8], $0x0  }
0x24: {  	s3 =	sadd.s32 $0x88, s3;
	s6 =	simm.s32 @!p1 $0x1082;
	[sflag:s4] =	ssyncset.s32 $0xFFFFF086  }
0x25: {  	[simem:s6], [sflag:s4] =	dma.local [hbm:s3], $0xF7A  }
0x26: {  	[smem:$0x3F9F] =	sst s1;
	(tag) =	ssettag s2;
	_ =	strace s9  }
0x27: {  	s1 =	sld [smem:$0x3FAF]  }
0x28: {  	s2 =	sld [smem:$0x3FB0]  }
0x29: {  	s4 =	sld [smem:$0x3FB2]  }
0x2a: {  	p0 =	seq.s32 s5, $0x0;
	s5 =	sld [smem:$0x3FB3]  }
0x2b: {  	s6 =	sld [smem:$0x3FB4]  }
0x2c: {  	s7 =	sld [smem:$0x3FB5]  }
0x2d: {  	s3 =	simm.s32 $0x108;
	s8 =	sld [smem:$0x3FB6]  }
0x2e: {  	s3 =	simm.s32 @!p0 $0x1082;
	s9 =	sld [smem:$0x3FB7]  }
0x2f: {  	lr =	sadd.s32 s0, s3;
	s0 =	sld [smem:$0x3FAE]  }
0x30: {  	s3 =	sld [smem:$0x3FB1]  }
0x31: {  	[smem:$0x3FBA] =	sst s10  }
0x32: {  	s10 =	sld [smem:$0x3FB8];
	_ =	sdelay $0x3  }
0x33: {  	p0 =	seq.s32 s10, $0x1;
	s10 =	sld [smem:$0x3FBA];
	_ =	sdelay $0x3  }
0x34: {  	[smem:$0x3FBA] =	sst s10  }
0x35: {  	s10 =	sld [smem:$0x3FB9];
	_ =	sdelay $0x3  }
0x36: {  	p1 =	seq.s32 s10, $0x1;
	s10 =	sld [smem:$0x3FBA];
	_ =	sdelay $0x3  }
0x37: {  	[smem:$0x3FBA] =	sst s10  }
0x38: {  	s10 =	sld [smem:$0x3FBB]  }
0x39: {  	_ = 	snop;
	(pc) =	sbr.ind lr, $3  }
0x3a: {  	_ = 	snop  }
0x3b: {  	_ = 	snop  }
0x3c: {  	p2 =	seq.s32 s10, $0x1;
	s10 =	sld [smem:$0x3FBA]  }
0x3d: {  	_ =	shalt  }
0x3e: {  	_ =	shalt  }
0x3f: {  	_ =	shalt  }
0x40: {  	_ =	shalt  }
0x41: {  	_ =	shalt  }
0x42: {  	_ =	shalt  }
0x43: {  	_ =	shalt  }
0x44: {  	_ =	shalt  }
0x45: {  	_ =	shalt  }
0x46: {  	_ =	shalt  }
0x47: {  	_ =	shalt  }
0x48: {  	_ =	shalt  }
0x49: {  	_ =	shalt  }
0x4a: {  	_ =	shalt  }
0x4b: {  	_ =	shalt  }
0x4c: {  	_ =	shalt  }
0x4d: {  	_ =	shalt  }
0x4e: {  	_ =	shalt  }
0x4f: {  	_ =	shalt  }
0x50: {  	_ =	shalt  }
0x51: {  	_ =	shalt  }
0x52: {  	_ =	shalt  }
0x53: {  	_ =	shalt  }
0x54: {  	_ =	shalt  }
0x55: {  	_ =	shalt  }
0x56: {  	_ =	shalt  }
0x57: {  	_ =	shalt  }
0x58: {  	_ =	shalt  }
0x59: {  	_ =	shalt  }
0x5a: {  	_ =	shalt  }
0x5b: {  	_ =	shalt  }
0x5c: {  	_ =	shalt  }
0x5d: {  	_ =	shalt  }
0x5e: {  	_ =	shalt  }
0x5f: {  	_ =	shalt  }
0x60: {  	_ =	shalt  }
0x61: {  	_ =	shalt  }
0x62: {  	_ =	shalt  }
0x63: {  	_ =	shalt  }
0x64: {  	_ =	shalt  }
0x65: {  	_ =	shalt  }
0x66: {  	_ =	shalt  }
0x67: {  	_ =	shalt  }
0x68: {  	_ =	shalt  }
0x69: {  	_ =	shalt  }
0x6a: {  	_ =	shalt  }
0x6b: {  	_ =	shalt  }
0x6c: {  	_ =	shalt  }
0x6d: {  	_ =	shalt  }
0x6e: {  	_ =	shalt  }
0x6f: {  	_ =	shalt  }
0x70: {  	_ =	shalt  }
0x71: {  	_ =	shalt  }
0x72: {  	_ =	shalt  }
0x73: {  	_ =	shalt  }
0x74: {  	_ =	shalt  }
0x75: {  	_ =	shalt  }
0x76: {  	_ =	shalt  }
0x77: {  	_ =	shalt  }
0x78: {  	_ =	shalt  }
0x79: {  	_ =	shalt  }
0x7a: {  	_ =	shalt  }
0x7b: {  	_ =	shalt  }
0x7c: {  	_ =	shalt  }
0x7d: {  	_ =	shalt  }
0x7e: {  	_ =	shalt  }
0x7f: {  	_ =	shalt  }
0x80: {  	_ =	shalt  }
0x81: {  	_ =	shalt  }
0x82: {  	_ =	shalt  }
0x83: {  	_ =	shalt  }
0x84: {  	_ =	shalt  }
0x85: {  	_ =	shalt  }
0x86: {  	_ =	shalt  }
0x87: {  	_ =	shalt  }
.Lfunc_end0:
.L_simem_size_0:
called_computation_lowered:
.L_overlay_start_0:
0x88: {  	s2 =	sld [smem:$0x3FD9]  }
0x89: {  	s3 =	sld [smem:$0x3FFE];
	_ =	sdelay $0x1  }
0x8a: {  	s1 =	srdreg.scid  }
0x8b: {  	s0 =	sand.u32 $0x1, s1  }
0x8c: {  	s18 =	sshll.u32 s0, $0xA;
	s2 =	sadd.s32 s3, s2  }
0x8d: {  	s2 =	sadd.s32 s2, s18  }
0x8e: {  	[smem:$0x3FC6] =	sst s2  }
0x8f: {  	_ = 	snop  }
0x90: {  	s2 =	sld [smem:$0x3FC9]  }
0x91: {  	s19 =	sld [smem:$0x3FC8]  }
0x92: {  	s4 =	sld [smem:$0x3FD0];
	(tm) =	ssettm $0x1  }
0x93: {  	s5 =	sld [smem:$0x3FFB];
	_ =	sdelay $0x3  }
0x94: {  	_ =	strace s5  }
0x95: {  	s5 =	sld [smem:$0x3FFC];
	_ =	sdelay $0x3  }
0x96: {  	_ =	strace s5  }
0x97: {  	s5 =	sld [smem:$0x3FFD];
	_ =	sdelay $0x3  }
0x98: {  	_ =	strace s5  }
0x99: {  	_ =	strace $0x8FFFFFFF  }
0x9a: {  	s20 =	sld [smem:$0x3FDB];
	_ =	sdelay $0x1  }
0x9b: {  	s6 =	simm.s32 $_scs_section_size  }
0x9c: {  	s7 =	simm.s32 $_size__tile_overlayer_lowered;
	s8 =	simm.s32 $_tile_overlayer_lowered  }
0x9d: {  	s23 =	simm.s32 $0x1BFF;
	s22 =	sshll.u32 s8, $0x1;
	s5 =	sadd.s32 s6, s20  }
0x9e: {  	s9 =	simm.s32 $0x0;
	s21 =	sshll.u32 s7, $0x1;
	s7 =	sadd.s32 s22, s5  }
0x9f: {  	[timem:s9], [sflag:s23] =	dma.local [hbm:s7], s21  }
0xa0: {  	_ =	swait.ge [sflag:s23], s21  }
0xa1: {  	s6 =	ssub.s32 $0x0, s21;
	[sflag:s23] =	ssyncset.done $0x0  }
0xa2: {  	[sflag:s23] =	ssyncadd.s32 s6;
	_ =	sdelay $0x1  }
0xa3: {  	s24 =	simm.s32 $0x1B8B  }
0xa4: {  	_ =	swait.ge [sflag:s24], $0x1  }
0xa5: {  	[sflag:s24] =	ssyncset.done $0x0  }
0xa6: {  	s25 =	simm.s32 $0x1B8E;
	[sflag:s24] =	ssyncadd.s32 $0xFFFFFFFF  }
0xa7: {  	s26 =	simm.s32 $execute0_lowered;
	[smem:$0x3FD2] =	sst s25  }
0xa8: {  	s6 =	sshll.u32 s26, $0x1;
	_ =	strace $0x80000046;
	[dreg:$0x1] =	wrdreg $0xFFFFFFFF  }
0xa9: {  	s28 =	simm.s32 $_size_execute0_lowered;
	s5 =	sadd.s32 s5, s6;
	[dreg:$0x0] =	wrdreg $0x0  }
0xaa: {  	s6 =	sshll.u32 s28, $0x1;
	[dreg:$0x2] =	wrdreg s5  }
0xab: {  	[dreg:$0x3] =	wrdreg s6  }
0xac: {  	[dreg:$0x4] =	wrdreg $0xC0  }
0xad: {  	_ =	task [dreg:s9], $0x5FFFF  }
0xae: {  	[dreg:$0x1] =	wrdreg $0xFFFFFFFF  }
0xaf: {  	[dreg:$0x0] =	wrdreg $0x60  }
0xb0: {  	[dreg:$0x2] =	wrdreg s19  }
0xb1: {  	[dreg:$0x3] =	wrdreg s2  }
0xb2: {  	[dreg:$0x4] =	wrdreg s4  }
0xb3: {  	[dreg:$0x5] =	wrdreg $0x0  }
0xb4: {  	[dreg:$0x6] =	wrdreg $0x9  }
0xb5: {  	_ =	task.clear_ibuf [dreg:s9], $0x7FFFF;
	_ =	strace $0x90000046  }
0xb6: {  	s29 =	simm.s32 $0x9;
	_ =	strace $0x80000048  }
0xb7: {  	_ =	swait.ge [sflag:s29], $0x1  }
0xb8: {  	[sflag:s29] =	ssyncadd.s32 $0xFFFFFFFF  }
0xb9: {  	_ =	strace $0x90000048  }
0xba: {  	_ =	sfence  }
0xbb: {  	s30 =	sld [smem:$0x0];
	_ =	sdelay $0x2  }
0xbc: {  	s31 =	sshll.u32 s1, $0xD;
	s1 =	sshrl.u32 s1, $0x2  }
0xbd: {  	s3 =	sand.u32 $0x4000, s31;
	s1 =	sadd.s32 s1, s30  }
0xbe: {  	s0 =	sor.u32 s3, s0;
	s1 =	sshll.u32 s1, $0x11  }
0xbf: {  	s0 =	sor.u32 s1, s0  }
0xc0: {  	s0 =	sadd.s32 $0x8F2B, s0  }
0xc1: {  	[sflag:s0] =	ssyncadd.remote.s32 $0x1  }
0xc2: {  	_ =	sfence.sel $0xFFFF  }
0xc3: {  	[dreg:$0x0] =	wrdreg $0xFFFFFFFF;
	(pc) =	sbr.abs _section_cstart, $3  }
0xc4: {  	[dreg:$0x1] =	wrdreg $0xFFFFFFFF  }
0xc5: {  	_ =	task.clear_ibuf [dreg:s9], $0x2FFFF;
	_ =	strace $0x9FFFFFFF  }
0xc6: {  	(tm) =	ssettm $0x7FFFFFFF  }
0xc7: {  	_ =	shalt  }
tec
execute0_lowered:
.L_overlay_start_1:
0x0: {  	(tag) =	ssettag $0x1  }
0x1: {  	s5 =	rddreg [dreg:$0x0]  }
0x2: {  	s6 =	rddreg [dreg:$0x1]  }
0x3: {  	s8 =	rddreg [dreg:$0x2]  }
0x4: {  	s1 =	rddreg [dreg:$0x3]  }
0x5: {  	s0 =	rddreg [dreg:$0x4];
	s3 =	simm.s32 $0x0;
	s4 =	srdreg.scid  }
0x6: {  	s2 =	stileid.u32;
	s13 =	simm.s32 $0x2;
	s14 =	simm.s32 $0x1  }
0x7: {  	s15 =	simm.s32 $0x0;
	[smem:$0x7FF] =	sst s3;
	s4 =	sand.u32 $0x1, s4  }
0x8: {  	s9 =	smul.u32 $0x1800, s2;
	s11 =	sshll.u32 s2, $0xA;
	p0 =	sgt.u32 s2, $0x8  }
0x9: {  	_ =	strace $0x80000047;
	s7 =	ssub.s32 $0x2, s4;
	s4 =	sshll.u32 s4, $0x9  }
0xa: {  	s10 =	sshrl.u32 s7, $0x1;
	s29 =	sor.u32 s4, s11;
	s30 =	sshrl.u32 s9, $0x3  }
0xb: {  	s9 =	sadd.s32 s9, s1;
	s7 =	ssub.s32 s7, s10;
	s4 =	sadd.s32 s5, s30  }
0xc: {  	s11 =	sshrl.u32 s29, $0x3;
	s10 =	sor.u32 $0x40, s29;
	s5 =	sadd.s32 $0x1B00, s5  }
0xd: {  	s9 =	sshrl.u32 @!p0 s9, $0x3;
	s12 =	smul.u32 $0x300, s11;
	s10 =	sshrl.u32 s10, $0x3  }
0xe: {  	s6 =	sadd.s32 s6, s11;
	s7 =	smax.u32 s7, $0x1;
	s10 =	smul.u32 $0x300, s10  }
0xf: {  	s11 =	simm.s32 $0x3;
	s31 =	sadd.s32 s12, s8;
	s12 =	simm.s32 $0x12C0  }
0x10: {  	[dreg:$0x5] =	wrdreg s31;
	s8 =	sadd.s32 s10, s8;
	s10 =	sshll.u32 @!p0 s2, $0x6  }
0x11: {  	[dreg:$0x6] =	wrdreg s8;
	s8 =	sor.u32 @!p0 $0x1C03, s10;
	s10 =	simm.s32 $0xEAC0  }
.LBB2_1:
0x12: {  	[spmem:s9], [sflag:s8] =	dma.local @!p0 [hbm:s4], $0x300  }
0x13: {  	s16 =	simm.s32 @!p0 $0x3  }
0x14: {  	_ =	swait.ge @!p0 [sflag:s16], $0x300  }
0x15: {  	[sflag:s16] =	ssyncset.done @!p0 $0x0  }
0x16: {  	[sflag:s16] =	ssyncadd.s32 @!p0 $0xFFFFFD00  }
0x17: {  	[tilespmem:s10], [sflag:$0x2] =	stream.linear.gather [hbm4b:s5+s3], $0x6000, $0x38;
	[tilespmem:$0x14CC0] =	vst v63  }
0x18: {  	s17 =	simm.s32 $0x14AC0  }
0x19: {  	[tilespmem:s17], [sflag:$0x3] =	stream.linear.gather [hbm4b:s6+s3], $0x200, $0x38;
	[tilespmem:$0x14CC0] =	vst v63  }
0x1a: {  	_ =	swait.ge [sflag:s11], $0x200  }
0x1b: {  	[sflag:s11] =	ssyncset.done $0x0  }
0x1c: {  	[sflag:s11] =	ssyncadd.s32 $0xFFFFFE00  }
0x1d: {  	[bflag:$0x0] =	sbarrier.arrive $0xFFFF  }
0x1e: {  	[tilespmem:s12], [sflag:$0x3] =	stream.linear.gather [spmem:s1], $0xD800, $0x38;
	[tilespmem:$0x14CC0] =	vst v63  }
0x1f: {  	_ =	swait.ge [sflag:s11], $0xD800  }
0x20: {  	[sflag:s11] =	ssyncset.done $0x0  }
0x21: {  	[sflag:s11] =	ssyncadd.s32 $0xFFFF2800  }
0x22: {  	_ =	swait.ge [sflag:s13], $0x6000  }
0x23: {  	[sflag:s13] =	ssyncset.done $0x0  }
0x24: {  	s18 =	simm.s32 $0x0;
	[sflag:s13] =	ssyncadd.s32 $0xFFFFA000  }
.LBB2_2:
0x25: {  	v0 =	vld [tilespmem:s17+$0x0];
	_ =	sdelay $0x4  }
0x26: {  	(v2sf) =	vpush v0, $0x0;
	_ =	sdelay $0xe  }
0x27: {  	s16 =	spop (v2sf)  }
0x28: {  	(v2sf) =	vpush v0, $0x1;
	s19 =	sshrl.u32 s16, $0x3  }
0x29: {  	s19 =	smul.u32 $0x6000, s19  }
0x2a: {  	s16 =	sshll.u32 s16, $0x7  }
0x2b: {  	s16 =	sand.u32 $0x380, s16;
	s19 =	sshra.s32 s19, $0x2  }
0x2c: {  	s20 =	rddreg [dreg:$0x5];
	s21 =	sor.u32 s16, s19  }
0x2d: {  	s19 =	sadd.s32 s18, s20;
	s16 =	simm.s32 $0x0;
	s25 =	sadd.s32 $0x12C0, s21  }
0x2e: {  	[hbm4b:s19+s16] =	stream.linear.scatter [tilespmem:s25], [sflag:$0x1], $0x80, $0x38;
	[tilespmem:$0x14CC0] =	vst v63  }
0x2f: {  	s26 =	sadd.s32 $0x16C0, s21;
	s22 =	sadd.s32 $0x80, s19  }
0x30: {  	[hbm4b:s22+s16] =	stream.linear.scatter [tilespmem:s26], [sflag:$0x1], $0x80, $0x38;
	[tilespmem:$0x14CC0] =	vst v63  }
0x31: {  	s28 =	sadd.s32 $0x1AC0, s21;
	s29 =	sadd.s32 $0x100, s19  }
0x32: {  	[hbm4b:s29+s16] =	stream.linear.scatter [tilespmem:s28], [sflag:$0x1], $0x80, $0x38;
	[tilespmem:$0x14CC0] =	vst v63  }
0x33: {  	s30 =	sadd.s32 $0x1EC0, s21;
	s31 =	sadd.s32 $0x180, s19  }
0x34: {  	[hbm4b:s31+s16] =	stream.linear.scatter [tilespmem:s30], [sflag:$0x1], $0x80, $0x38;
	[tilespmem:$0x14CC0] =	vst v63  }
0x35: {  	s23 =	sadd.s32 $0x22C0, s21;
	s24 =	sadd.s32 $0x200, s19  }
0x36: {  	[hbm4b:s24+s16] =	stream.linear.scatter [tilespmem:s23], [sflag:$0x1], $0x80, $0x38;
	[tilespmem:$0x14CC0] =	vst v63  }
0x37: {  	s28 =	spop (v2sf)  }
0x38: {  	s25 =	sadd.s32 $0x26C0, s21;
	(v2sf) =	vpush v0, $0x2;
	s29 =	sshrl.u32 s28, $0x3  }
0x39: {  	s26 =	sadd.s32 $0x280, s19;
	s20 =	sshll.u32 s28, $0x7;
	s21 =	smul.u32 $0x6000, s29  }
0x3a: {  	[hbm4b:s26+s16] =	stream.linear.scatter [tilespmem:s25], [sflag:$0x1], $0x80, $0x38;
	[tilespmem:$0x14CC0] =	vst v63  }
0x3b: {  	s20 =	sand.u32 $0x380, s20;
	s21 =	sshra.s32 s21, $0x2  }
0x3c: {  	s20 =	sor.u32 s20, s21  }
0x3d: {  	s30 =	sadd.s32 $0x10, s19;
	s31 =	sadd.s32 $0x12C0, s20  }
0x3e: {  	[hbm4b:s30+s16] =	stream.linear.scatter [tilespmem:s31], [sflag:$0x1], $0x80, $0x38;
	[tilespmem:$0x14CC0] =	vst v63  }
0x3f: {  	s24 =	sadd.s32 $0x90, s19;
	s23 =	sadd.s32 $0x16C0, s20  }
0x40: {  	[hbm4b:s24+s16] =	stream.linear.scatter [tilespmem:s23], [sflag:$0x1], $0x80, $0x38;
	[tilespmem:$0x14CC0] =	vst v63  }
0x41: {  	s26 =	sadd.s32 $0x110, s19;
	s25 =	sadd.s32 $0x1AC0, s20  }
0x42: {  	[hbm4b:s26+s16] =	stream.linear.scatter [tilespmem:s25], [sflag:$0x1], $0x80, $0x38;
	[tilespmem:$0x14CC0] =	vst v63  }
0x43: {  	s29 =	sadd.s32 $0x190, s19;
	s28 =	sadd.s32 $0x1EC0, s20  }
0x44: {  	[hbm4b:s29+s16] =	stream.linear.scatter [tilespmem:s28], [sflag:$0x1], $0x80, $0x38;
	[tilespmem:$0x14CC0] =	vst v63  }
0x45: {  	s30 =	sadd.s32 $0x22C0, s20;
	s31 =	sadd.s32 $0x210, s19  }
0x46: {  	[hbm4b:s31+s16] =	stream.linear.scatter [tilespmem:s30], [sflag:$0x1], $0x80, $0x38;
	[tilespmem:$0x14CC0] =	vst v63  }
0x47: {  	s23 =	spop (v2sf)  }
0x48: {  	s22 =	sadd.s32 $0x290, s19;
	s20 =	sadd.s32 $0x26C0, s20;
	s24 =	sshrl.u32 s23, $0x3  }
0x49: {  	(v2sf) =	vpush v0, $0x3;
	[hbm4b:s22+s16] =	stream.linear.scatter [tilespmem:s20], [sflag:$0x1], $0x80, $0x38;
	[tilespmem:$0x14CC0] =	vst v63  }
0x4a: {  	s21 =	smul.u32 $0x6000, s24  }
0x4b: {  	s20 =	sshll.u32 s23, $0x7  }
0x4c: {  	s20 =	sand.u32 $0x380, s20;
	s21 =	sshra.s32 s21, $0x2  }
0x4d: {  	s20 =	sor.u32 s20, s21  }
0x4e: {  	s25 =	sadd.s32 $0x20, s19;
	s26 =	sadd.s32 $0x12C0, s20  }
0x4f: {  	[hbm4b:s25+s16] =	stream.linear.scatter [tilespmem:s26], [sflag:$0x1], $0x80, $0x38;
	[tilespmem:$0x14CC0] =	vst v63  }
0x50: {  	s29 =	sadd.s32 $0xA0, s19;
	s28 =	sadd.s32 $0x16C0, s20  }
0x51: {  	[hbm4b:s29+s16] =	stream.linear.scatter [tilespmem:s28], [sflag:$0x1], $0x80, $0x38;
	[tilespmem:$0x14CC0] =	vst v63  }
0x52: {  	s31 =	sadd.s32 $0x120, s19;
	s30 =	sadd.s32 $0x1AC0, s20  }
0x53: {  	[hbm4b:s31+s16] =	stream.linear.scatter [tilespmem:s30], [sflag:$0x1], $0x80, $0x38;
	[tilespmem:$0x14CC0] =	vst v63  }
0x54: {  	s23 =	sadd.s32 $0x1A0, s19;
	s22 =	sadd.s32 $0x1EC0, s20  }
0x55: {  	[hbm4b:s23+s16] =	stream.linear.scatter [tilespmem:s22], [sflag:$0x1], $0x80, $0x38;
	[tilespmem:$0x14CC0] =	vst v63  }
0x56: {  	s24 =	sadd.s32 $0x22C0, s20;
	s25 =	sadd.s32 $0x220, s19  }
0x57: {  	[hbm4b:s25+s16] =	stream.linear.scatter [tilespmem:s24], [sflag:$0x1], $0x80, $0x38;
	[tilespmem:$0x14CC0] =	vst v63  }
0x58: {  	s28 =	spop (v2sf)  }
0x59: {  	s20 =	sadd.s32 $0x26C0, s20;
	s26 =	sadd.s32 $0x2A0, s19;
	s29 =	sshrl.u32 s28, $0x3  }
0x5a: {  	(v2sf) =	vpush v0, $0x4;
	[hbm4b:s26+s16] =	stream.linear.scatter [tilespmem:s20], [sflag:$0x1], $0x80, $0x38;
	[tilespmem:$0x14CC0] =	vst v63  }
0x5b: {  	s21 =	smul.u32 $0x6000, s29  }
0x5c: {  	s20 =	sshll.u32 s28, $0x7  }
0x5d: {  	s20 =	sand.u32 $0x380, s20;
	s21 =	sshra.s32 s21, $0x2  }
0x5e: {  	s20 =	sor.u32 s20, s21  }
0x5f: {  	s30 =	sadd.s32 $0x30, s19;
	s31 =	sadd.s32 $0x12C0, s20  }
0x60: {  	[hbm4b:s30+s16] =	stream.linear.scatter [tilespmem:s31], [sflag:$0x1], $0x80, $0x38;
	[tilespmem:$0x14CC0] =	vst v63  }
0x61: {  	s24 =	sadd.s32 $0xB0, s19;
	s23 =	sadd.s32 $0x16C0, s20  }
0x62: {  	[hbm4b:s24+s16] =	stream.linear.scatter [tilespmem:s23], [sflag:$0x1], $0x80, $0x38;
	[tilespmem:$0x14CC0] =	vst v63  }
0x63: {  	s26 =	sadd.s32 $0x130, s19;
	s25 =	sadd.s32 $0x1AC0, s20  }
0x64: {  	[hbm4b:s26+s16] =	stream.linear.scatter [tilespmem:s25], [sflag:$0x1], $0x80, $0x38;
	[tilespmem:$0x14CC0] =	vst v63  }
0x65: {  	s29 =	sadd.s32 $0x1B0, s19;
	s28 =	sadd.s32 $0x1EC0, s20  }
0x66: {  	[hbm4b:s29+s16] =	stream.linear.scatter [tilespmem:s28], [sflag:$0x1], $0x80, $0x38;
	[tilespmem:$0x14CC0] =	vst v63  }
0x67: {  	s30 =	sadd.s32 $0x22C0, s20;
	s31 =	sadd.s32 $0x230, s19  }
0x68: {  	[hbm4b:s31+s16] =	stream.linear.scatter [tilespmem:s30], [sflag:$0x1], $0x80, $0x38;
	[tilespmem:$0x14CC0] =	vst v63  }
0x69: {  	s23 =	spop (v2sf)  }
0x6a: {  	s22 =	sadd.s32 $0x2B0, s19;
	s20 =	sadd.s32 $0x26C0, s20;
	s24 =	sshrl.u32 s23, $0x3  }
0x6b: {  	(v2sf) =	vpush v0, $0x5;
	[hbm4b:s22+s16] =	stream.linear.scatter [tilespmem:s20], [sflag:$0x1], $0x80, $0x38;
	[tilespmem:$0x14CC0] =	vst v63  }
0x6c: {  	s21 =	smul.u32 $0x6000, s24  }
0x6d: {  	s20 =	sshll.u32 s23, $0x7  }
0x6e: {  	s20 =	sand.u32 $0x380, s20;
	s21 =	sshra.s32 s21, $0x2  }
0x6f: {  	s20 =	sor.u32 s20, s21  }
0x70: {  	s25 =	sadd.s32 $0x40, s19;
	s26 =	sadd.s32 $0x12C0, s20  }
0x71: {  	[hbm4b:s25+s16] =	stream.linear.scatter [tilespmem:s26], [sflag:$0x1], $0x80, $0x38;
	[tilespmem:$0x14CC0] =	vst v63  }
0x72: {  	s29 =	sadd.s32 $0xC0, s19;
	s28 =	sadd.s32 $0x16C0, s20  }
0x73: {  	[hbm4b:s29+s16] =	stream.linear.scatter [tilespmem:s28], [sflag:$0x1], $0x80, $0x38;
	[tilespmem:$0x14CC0] =	vst v63  }
0x74: {  	s31 =	sadd.s32 $0x140, s19;
	s30 =	sadd.s32 $0x1AC0, s20  }
0x75: {  	[hbm4b:s31+s16] =	stream.linear.scatter [tilespmem:s30], [sflag:$0x1], $0x80, $0x38;
	[tilespmem:$0x14CC0] =	vst v63  }
0x76: {  	s23 =	sadd.s32 $0x1C0, s19;
	s22 =	sadd.s32 $0x1EC0, s20  }
0x77: {  	[hbm4b:s23+s16] =	stream.linear.scatter [tilespmem:s22], [sflag:$0x1], $0x80, $0x38;
	[tilespmem:$0x14CC0] =	vst v63  }
0x78: {  	s24 =	sadd.s32 $0x22C0, s20;
	s25 =	sadd.s32 $0x240, s19  }
0x79: {  	[hbm4b:s25+s16] =	stream.linear.scatter [tilespmem:s24], [sflag:$0x1], $0x80, $0x38;
	[tilespmem:$0x14CC0] =	vst v63  }
0x7a: {  	s28 =	spop (v2sf)  }
0x7b: {  	s20 =	sadd.s32 $0x26C0, s20;
	s26 =	sadd.s32 $0x2C0, s19;
	s29 =	sshrl.u32 s28, $0x3  }
0x7c: {  	(v2sf) =	vpush v0, $0x6;
	[hbm4b:s26+s16] =	stream.linear.scatter [tilespmem:s20], [sflag:$0x1], $0x80, $0x38;
	[tilespmem:$0x14CC0] =	vst v63  }
0x7d: {  	s21 =	smul.u32 $0x6000, s29  }
0x7e: {  	s20 =	sshll.u32 s28, $0x7  }
0x7f: {  	s20 =	sand.u32 $0x380, s20;
	s21 =	sshra.s32 s21, $0x2  }
0x80: {  	s20 =	sor.u32 s20, s21  }
0x81: {  	s30 =	sadd.s32 $0x50, s19;
	s31 =	sadd.s32 $0x12C0, s20  }
0x82: {  	[hbm4b:s30+s16] =	stream.linear.scatter [tilespmem:s31], [sflag:$0x1], $0x80, $0x38;
	[tilespmem:$0x14CC0] =	vst v63  }
0x83: {  	s24 =	sadd.s32 $0xD0, s19;
	s23 =	sadd.s32 $0x16C0, s20  }
0x84: {  	[hbm4b:s24+s16] =	stream.linear.scatter [tilespmem:s23], [sflag:$0x1], $0x80, $0x38;
	[tilespmem:$0x14CC0] =	vst v63  }
0x85: {  	s26 =	sadd.s32 $0x150, s19;
	s25 =	sadd.s32 $0x1AC0, s20  }
0x86: {  	[hbm4b:s26+s16] =	stream.linear.scatter [tilespmem:s25], [sflag:$0x1], $0x80, $0x38;
	[tilespmem:$0x14CC0] =	vst v63  }
0x87: {  	s29 =	sadd.s32 $0x1D0, s19;
	s28 =	sadd.s32 $0x1EC0, s20  }
0x88: {  	[hbm4b:s29+s16] =	stream.linear.scatter [tilespmem:s28], [sflag:$0x1], $0x80, $0x38;
	[tilespmem:$0x14CC0] =	vst v63  }
0x89: {  	s30 =	sadd.s32 $0x22C0, s20;
	s31 =	sadd.s32 $0x250, s19  }
0x8a: {  	[hbm4b:s31+s16] =	stream.linear.scatter [tilespmem:s30], [sflag:$0x1], $0x80, $0x38;
	[tilespmem:$0x14CC0] =	vst v63  }
0x8b: {  	s23 =	spop (v2sf)  }
0x8c: {  	s22 =	sadd.s32 $0x2D0, s19;
	s20 =	sadd.s32 $0x26C0, s20;
	s24 =	sshrl.u32 s23, $0x3  }
0x8d: {  	(v2sf) =	vpush v0, $0x7;
	[hbm4b:s22+s16] =	stream.linear.scatter [tilespmem:s20], [sflag:$0x1], $0x80, $0x38;
	[tilespmem:$0x14CC0] =	vst v63  }
0x8e: {  	s21 =	smul.u32 $0x6000, s24  }
0x8f: {  	s20 =	sshll.u32 s23, $0x7  }
0x90: {  	s20 =	sand.u32 $0x380, s20;
	s21 =	sshra.s32 s21, $0x2  }
0x91: {  	s20 =	sor.u32 s20, s21  }
0x92: {  	s25 =	sadd.s32 $0x60, s19;
	s26 =	sadd.s32 $0x12C0, s20  }
0x93: {  	[hbm4b:s25+s16] =	stream.linear.scatter [tilespmem:s26], [sflag:$0x1], $0x80, $0x38;
	[tilespmem:$0x14CC0] =	vst v63  }
0x94: {  	s29 =	sadd.s32 $0xE0, s19;
	s28 =	sadd.s32 $0x16C0, s20  }
0x95: {  	[hbm4b:s29+s16] =	stream.linear.scatter [tilespmem:s28], [sflag:$0x1], $0x80, $0x38;
	[tilespmem:$0x14CC0] =	vst v63  }
0x96: {  	s31 =	sadd.s32 $0x160, s19;
	s30 =	sadd.s32 $0x1AC0, s20  }
0x97: {  	[hbm4b:s31+s16] =	stream.linear.scatter [tilespmem:s30], [sflag:$0x1], $0x80, $0x38;
	[tilespmem:$0x14CC0] =	vst v63  }
0x98: {  	s23 =	sadd.s32 $0x1E0, s19;
	s22 =	sadd.s32 $0x1EC0, s20  }
0x99: {  	[hbm4b:s23+s16] =	stream.linear.scatter [tilespmem:s22], [sflag:$0x1], $0x80, $0x38;
	[tilespmem:$0x14CC0] =	vst v63  }
0x9a: {  	s24 =	sadd.s32 $0x22C0, s20;
	s25 =	sadd.s32 $0x260, s19  }
0x9b: {  	[hbm4b:s25+s16] =	stream.linear.scatter [tilespmem:s24], [sflag:$0x1], $0x80, $0x38;
	[tilespmem:$0x14CC0] =	vst v63  }
0x9c: {  	s28 =	spop (v2sf)  }
0x9d: {  	s20 =	sadd.s32 $0x26C0, s20;
	s26 =	sadd.s32 $0x2E0, s19;
	s29 =	sshrl.u32 s28, $0x3  }
0x9e: {  	(v2sf) =	vpush v0, $0x8;
	[hbm4b:s26+s16] =	stream.linear.scatter [tilespmem:s20], [sflag:$0x1], $0x80, $0x38;
	[tilespmem:$0x14CC0] =	vst v63  }
0x9f: {  	s21 =	smul.u32 $0x6000, s29  }
0xa0: {  	s20 =	sshll.u32 s28, $0x7  }
0xa1: {  	s20 =	sand.u32 $0x380, s20;
	s21 =	sshra.s32 s21, $0x2  }
0xa2: {  	s20 =	sor.u32 s20, s21  }
0xa3: {  	s30 =	sadd.s32 $0x70, s19;
	s31 =	sadd.s32 $0x12C0, s20  }
0xa4: {  	[hbm4b:s30+s16] =	stream.linear.scatter [tilespmem:s31], [sflag:$0x1], $0x80, $0x38;
	[tilespmem:$0x14CC0] =	vst v63  }
0xa5: {  	s24 =	sadd.s32 $0xF0, s19;
	s23 =	sadd.s32 $0x16C0, s20  }
0xa6: {  	[hbm4b:s24+s16] =	stream.linear.scatter [tilespmem:s23], [sflag:$0x1], $0x80, $0x38;
	[tilespmem:$0x14CC0] =	vst v63  }
0xa7: {  	s26 =	sadd.s32 $0x170, s19;
	s25 =	sadd.s32 $0x1AC0, s20  }
0xa8: {  	[hbm4b:s26+s16] =	stream.linear.scatter [tilespmem:s25], [sflag:$0x1], $0x80, $0x38;
	[tilespmem:$0x14CC0] =	vst v63  }
0xa9: {  	s29 =	sadd.s32 $0x1F0, s19;
	s28 =	sadd.s32 $0x1EC0, s20  }
0xaa: {  	[hbm4b:s29+s16] =	stream.linear.scatter [tilespmem:s28], [sflag:$0x1], $0x80, $0x38;
	[tilespmem:$0x14CC0] =	vst v63  }
0xab: {  	s30 =	sadd.s32 $0x22C0, s20;
	s31 =	sadd.s32 $0x270, s19  }
0xac: {  	[hbm4b:s31+s16] =	stream.linear.scatter [tilespmem:s30], [sflag:$0x1], $0x80, $0x38;
	[tilespmem:$0x14CC0] =	vst v63  }
0xad: {  	s23 =	spop (v2sf)  }
0xae: {  	s22 =	sadd.s32 $0x2F0, s19;
	s20 =	sadd.s32 $0x26C0, s20;
	s24 =	sshrl.u32 s23, $0x3  }
0xaf: {  	(v2sf) =	vpush v0, $0x9;
	[hbm4b:s22+s16] =	stream.linear.scatter [tilespmem:s20], [sflag:$0x1], $0x80, $0x38;
	[tilespmem:$0x14CC0] =	vst v63  }
0xb0: {  	s21 =	smul.u32 $0x6000, s24  }
0xb1: {  	s20 =	sshll.u32 s23, $0x7  }
0xb2: {  	s20 =	sand.u32 $0x380, s20;
	s21 =	sshra.s32 s21, $0x2  }
0xb3: {  	s20 =	sor.u32 s20, s21  }
0xb4: {  	s25 =	sadd.s32 $0x300, s19;
	s26 =	sadd.s32 $0x12C0, s20  }
0xb5: {  	[hbm4b:s25+s16] =	stream.linear.scatter [tilespmem:s26], [sflag:$0x1], $0x80, $0x38;
	[tilespmem:$0x14CC0] =	vst v63  }
0xb6: {  	s29 =	sadd.s32 $0x380, s19;
	s28 =	sadd.s32 $0x16C0, s20  }
0xb7: {  	[hbm4b:s29+s16] =	stream.linear.scatter [tilespmem:s28], [sflag:$0x1], $0x80, $0x38;
	[tilespmem:$0x14CC0] =	vst v63  }
0xb8: {  	s31 =	sadd.s32 $0x400, s19;
	s30 =	sadd.s32 $0x1AC0, s20  }
0xb9: {  	[hbm4b:s31+s16] =	stream.linear.scatter [tilespmem:s30], [sflag:$0x1], $0x80, $0x38;
	[tilespmem:$0x14CC0] =	vst v63  }
0xba: {  	s23 =	sadd.s32 $0x480, s19;
	s22 =	sadd.s32 $0x1EC0, s20  }
0xbb: {  	[hbm4b:s23+s16] =	stream.linear.scatter [tilespmem:s22], [sflag:$0x1], $0x80, $0x38;
	[tilespmem:$0x14CC0] =	vst v63  }
0xbc: {  	s24 =	sadd.s32 $0x22C0, s20;
	s25 =	sadd.s32 $0x500, s19  }
0xbd: {  	[hbm4b:s25+s16] =	stream.linear.scatter [tilespmem:s24], [sflag:$0x1], $0x80, $0x38;
	[tilespmem:$0x14CC0] =	vst v63  }
0xbe: {  	s28 =	spop (v2sf)  }
0xbf: {  	s20 =	sadd.s32 $0x26C0, s20;
	s26 =	sadd.s32 $0x580, s19;
	s29 =	sshrl.u32 s28, $0x3  }
0xc0: {  	(v2sf) =	vpush v0, $0xA;
	[hbm4b:s26+s16] =	stream.linear.scatter [tilespmem:s20], [sflag:$0x1], $0x80, $0x38;
	[tilespmem:$0x14CC0] =	vst v63  }
0xc1: {  	s21 =	smul.u32 $0x6000, s29  }
0xc2: {  	s20 =	sshll.u32 s28, $0x7  }
0xc3: {  	s20 =	sand.u32 $0x380, s20;
	s21 =	sshra.s32 s21, $0x2  }
0xc4: {  	s20 =	sor.u32 s20, s21  }
0xc5: {  	s30 =	sadd.s32 $0x310, s19;
	s31 =	sadd.s32 $0x12C0, s20  }
0xc6: {  	[hbm4b:s30+s16] =	stream.linear.scatter [tilespmem:s31], [sflag:$0x1], $0x80, $0x38;
	[tilespmem:$0x14CC0] =	vst v63  }
0xc7: {  	s24 =	sadd.s32 $0x390, s19;
	s23 =	sadd.s32 $0x16C0, s20  }
0xc8: {  	[hbm4b:s24+s16] =	stream.linear.scatter [tilespmem:s23], [sflag:$0x1], $0x80, $0x38;
	[tilespmem:$0x14CC0] =	vst v63  }
0xc9: {  	s26 =	sadd.s32 $0x410, s19;
	s25 =	sadd.s32 $0x1AC0, s20  }
0xca: {  	[hbm4b:s26+s16] =	stream.linear.scatter [tilespmem:s25], [sflag:$0x1], $0x80, $0x38;
	[tilespmem:$0x14CC0] =	vst v63  }
0xcb: {  	s29 =	sadd.s32 $0x490, s19;
	s28 =	sadd.s32 $0x1EC0, s20  }
0xcc: {  	[hbm4b:s29+s16] =	stream.linear.scatter [tilespmem:s28], [sflag:$0x1], $0x80, $0x38;
	[tilespmem:$0x14CC0] =	vst v63  }
0xcd: {  	s30 =	sadd.s32 $0x22C0, s20;
	s31 =	sadd.s32 $0x510, s19  }
0xce: {  	[hbm4b:s31+s16] =	stream.linear.scatter [tilespmem:s30], [sflag:$0x1], $0x80, $0x38;
	[tilespmem:$0x14CC0] =	vst v63  }
0xcf: {  	s23 =	spop (v2sf)  }
0xd0: {  	s22 =	sadd.s32 $0x590, s19;
	s20 =	sadd.s32 $0x26C0, s20;
	s24 =	sshrl.u32 s23, $0x3  }
0xd1: {  	(v2sf) =	vpush v0, $0xB;
	[hbm4b:s22+s16] =	stream.linear.scatter [tilespmem:s20], [sflag:$0x1], $0x80, $0x38;
	[tilespmem:$0x14CC0] =	vst v63  }
0xd2: {  	s21 =	smul.u32 $0x6000, s24  }
0xd3: {  	s20 =	sshll.u32 s23, $0x7  }
0xd4: {  	s20 =	sand.u32 $0x380, s20;
	s21 =	sshra.s32 s21, $0x2  }
0xd5: {  	s20 =	sor.u32 s20, s21  }
0xd6: {  	s25 =	sadd.s32 $0x320, s19;
	s26 =	sadd.s32 $0x12C0, s20  }
0xd7: {  	[hbm4b:s25+s16] =	stream.linear.scatter [tilespmem:s26], [sflag:$0x1], $0x80, $0x38;
	[tilespmem:$0x14CC0] =	vst v63  }
0xd8: {  	s29 =	sadd.s32 $0x3A0, s19;
	s28 =	sadd.s32 $0x16C0, s20  }
0xd9: {  	[hbm4b:s29+s16] =	stream.linear.scatter [tilespmem:s28], [sflag:$0x1], $0x80, $0x38;
	[tilespmem:$0x14CC0] =	vst v63  }
0xda: {  	s31 =	sadd.s32 $0x420, s19;
	s30 =	sadd.s32 $0x1AC0, s20  }
0xdb: {  	[hbm4b:s31+s16] =	stream.linear.scatter [tilespmem:s30], [sflag:$0x1], $0x80, $0x38;
	[tilespmem:$0x14CC0] =	vst v63  }
0xdc: {  	s23 =	sadd.s32 $0x4A0, s19;
	s22 =	sadd.s32 $0x1EC0, s20  }
0xdd: {  	[hbm4b:s23+s16] =	stream.linear.scatter [tilespmem:s22], [sflag:$0x1], $0x80, $0x38;
	[tilespmem:$0x14CC0] =	vst v63  }
0xde: {  	s24 =	sadd.s32 $0x22C0, s20;
	s25 =	sadd.s32 $0x520, s19  }
0xdf: {  	[hbm4b:s25+s16] =	stream.linear.scatter [tilespmem:s24], [sflag:$0x1], $0x80, $0x38;
	[tilespmem:$0x14CC0] =	vst v63  }
0xe0: {  	s28 =	spop (v2sf)  }
0xe1: {  	s20 =	sadd.s32 $0x26C0, s20;
	s26 =	sadd.s32 $0x5A0, s19;
	s29 =	sshrl.u32 s28, $0x3  }
0xe2: {  	(v2sf) =	vpush v0, $0xC;
	[hbm4b:s26+s16] =	stream.linear.scatter [tilespmem:s20], [sflag:$0x1], $0x80, $0x38;
	[tilespmem:$0x14CC0] =	vst v63  }
0xe3: {  	s21 =	smul.u32 $0x6000, s29  }
0xe4: {  	s20 =	sshll.u32 s28, $0x7  }
0xe5: {  	s20 =	sand.u32 $0x380, s20;
	s21 =	sshra.s32 s21, $0x2  }
0xe6: {  	s20 =	sor.u32 s20, s21  }
0xe7: {  	s30 =	sadd.s32 $0x330, s19;
	s31 =	sadd.s32 $0x12C0, s20  }
0xe8: {  	[hbm4b:s30+s16] =	stream.linear.scatter [tilespmem:s31], [sflag:$0x1], $0x80, $0x38;
	[tilespmem:$0x14CC0] =	vst v63  }
0xe9: {  	s24 =	sadd.s32 $0x3B0, s19;
	s23 =	sadd.s32 $0x16C0, s20  }
0xea: {  	[hbm4b:s24+s16] =	stream.linear.scatter [tilespmem:s23], [sflag:$0x1], $0x80, $0x38;
	[tilespmem:$0x14CC0] =	vst v63  }
0xeb: {  	s26 =	sadd.s32 $0x430, s19;
	s25 =	sadd.s32 $0x1AC0, s20  }
0xec: {  	[hbm4b:s26+s16] =	stream.linear.scatter [tilespmem:s25], [sflag:$0x1], $0x80, $0x38;
	[tilespmem:$0x14CC0] =	vst v63  }
0xed: {  	s29 =	sadd.s32 $0x4B0, s19;
	s28 =	sadd.s32 $0x1EC0, s20  }
0xee: {  	[hbm4b:s29+s16] =	stream.linear.scatter [tilespmem:s28], [sflag:$0x1], $0x80, $0x38;
	[tilespmem:$0x14CC0] =	vst v63  }
0xef: {  	s30 =	sadd.s32 $0x22C0, s20;
	s31 =	sadd.s32 $0x530, s19  }
0xf0: {  	[hbm4b:s31+s16] =	stream.linear.scatter [tilespmem:s30], [sflag:$0x1], $0x80, $0x38;
	[tilespmem:$0x14CC0] =	vst v63  }
0xf1: {  	s23 =	spop (v2sf)  }
0xf2: {  	s22 =	sadd.s32 $0x5B0, s19;
	s20 =	sadd.s32 $0x26C0, s20;
	s24 =	sshrl.u32 s23, $0x3  }
0xf3: {  	(v2sf) =	vpush v0, $0xD;
	[hbm4b:s22+s16] =	stream.linear.scatter [tilespmem:s20], [sflag:$0x1], $0x80, $0x38;
	[tilespmem:$0x14CC0] =	vst v63  }
0xf4: {  	s21 =	smul.u32 $0x6000, s24  }
0xf5: {  	s20 =	sshll.u32 s23, $0x7  }
0xf6: {  	s20 =	sand.u32 $0x380, s20;
	s21 =	sshra.s32 s21, $0x2  }
0xf7: {  	s20 =	sor.u32 s20, s21  }
0xf8: {  	s25 =	sadd.s32 $0x340, s19;
	s26 =	sadd.s32 $0x12C0, s20  }
0xf9: {  	[hbm4b:s25+s16] =	stream.linear.scatter [tilespmem:s26], [sflag:$0x1], $0x80, $0x38;
	[tilespmem:$0x14CC0] =	vst v63  }
0xfa: {  	s29 =	sadd.s32 $0x3C0, s19;
	s28 =	sadd.s32 $0x16C0, s20  }
0xfb: {  	[hbm4b:s29+s16] =	stream.linear.scatter [tilespmem:s28], [sflag:$0x1], $0x80, $0x38;
	[tilespmem:$0x14CC0] =	vst v63  }
0xfc: {  	s31 =	sadd.s32 $0x440, s19;
	s30 =	sadd.s32 $0x1AC0, s20  }
0xfd: {  	[hbm4b:s31+s16] =	stream.linear.scatter [tilespmem:s30], [sflag:$0x1], $0x80, $0x38;
	[tilespmem:$0x14CC0] =	vst v63  }
0xfe: {  	s23 =	sadd.s32 $0x4C0, s19;
	s22 =	sadd.s32 $0x1EC0, s20  }
0xff: {  	[hbm4b:s23+s16] =	stream.linear.scatter [tilespmem:s22], [sflag:$0x1], $0x80, $0x38;
	[tilespmem:$0x14CC0] =	vst v63  }
0x100: {  	s24 =	sadd.s32 $0x22C0, s20;
	s25 =	sadd.s32 $0x540, s19  }
0x101: {  	[hbm4b:s25+s16] =	stream.linear.scatter [tilespmem:s24], [sflag:$0x1], $0x80, $0x38;
	[tilespmem:$0x14CC0] =	vst v63  }
0x102: {  	s28 =	spop (v2sf)  }
0x103: {  	s20 =	sadd.s32 $0x26C0, s20;
	s26 =	sadd.s32 $0x5C0, s19;
	s29 =	sshrl.u32 s28, $0x3  }
0x104: {  	(v2sf) =	vpush v0, $0xE;
	[hbm4b:s26+s16] =	stream.linear.scatter [tilespmem:s20], [sflag:$0x1], $0x80, $0x38;
	[tilespmem:$0x14CC0] =	vst v63  }
0x105: {  	s21 =	smul.u32 $0x6000, s29  }
0x106: {  	s20 =	sshll.u32 s28, $0x7  }
0x107: {  	s20 =	sand.u32 $0x380, s20;
	s21 =	sshra.s32 s21, $0x2  }
0x108: {  	s20 =	sor.u32 s20, s21  }
0x109: {  	s30 =	sadd.s32 $0x350, s19;
	s31 =	sadd.s32 $0x12C0, s20  }
0x10a: {  	[hbm4b:s30+s16] =	stream.linear.scatter [tilespmem:s31], [sflag:$0x1], $0x80, $0x38;
	[tilespmem:$0x14CC0] =	vst v63  }
0x10b: {  	s24 =	sadd.s32 $0x3D0, s19;
	s23 =	sadd.s32 $0x16C0, s20  }
0x10c: {  	[hbm4b:s24+s16] =	stream.linear.scatter [tilespmem:s23], [sflag:$0x1], $0x80, $0x38;
	[tilespmem:$0x14CC0] =	vst v63  }
0x10d: {  	s26 =	sadd.s32 $0x450, s19;
	s25 =	sadd.s32 $0x1AC0, s20  }
0x10e: {  	[hbm4b:s26+s16] =	stream.linear.scatter [tilespmem:s25], [sflag:$0x1], $0x80, $0x38;
	[tilespmem:$0x14CC0] =	vst v63  }
0x10f: {  	s29 =	sadd.s32 $0x4D0, s19;
	s28 =	sadd.s32 $0x1EC0, s20  }
0x110: {  	[hbm4b:s29+s16] =	stream.linear.scatter [tilespmem:s28], [sflag:$0x1], $0x80, $0x38;
	[tilespmem:$0x14CC0] =	vst v63  }
0x111: {  	s30 =	sadd.s32 $0x22C0, s20;
	s31 =	sadd.s32 $0x550, s19  }
0x112: {  	[hbm4b:s31+s16] =	stream.linear.scatter [tilespmem:s30], [sflag:$0x1], $0x80, $0x38;
	[tilespmem:$0x14CC0] =	vst v63  }
0x113: {  	s23 =	spop (v2sf)  }
0x114: {  	s22 =	sadd.s32 $0x5D0, s19;
	s20 =	sadd.s32 $0x26C0, s20;
	s24 =	sshrl.u32 s23, $0x3  }
0x115: {  	(v2sf) =	vpush v0, $0xF;
	[hbm4b:s22+s16] =	stream.linear.scatter [tilespmem:s20], [sflag:$0x1], $0x80, $0x38;
	[tilespmem:$0x14CC0] =	vst v63  }
0x116: {  	s21 =	smul.u32 $0x6000, s24  }
0x117: {  	s20 =	sshll.u32 s23, $0x7  }
0x118: {  	s20 =	sand.u32 $0x380, s20;
	s21 =	sshra.s32 s21, $0x2  }
0x119: {  	s20 =	sor.u32 s20, s21  }
0x11a: {  	s25 =	sadd.s32 $0x360, s19;
	s26 =	sadd.s32 $0x12C0, s20  }
0x11b: {  	[hbm4b:s25+s16] =	stream.linear.scatter [tilespmem:s26], [sflag:$0x1], $0x80, $0x38;
	[tilespmem:$0x14CC0] =	vst v63  }
0x11c: {  	s29 =	sadd.s32 $0x3E0, s19;
	s28 =	sadd.s32 $0x16C0, s20  }
0x11d: {  	[hbm4b:s29+s16] =	stream.linear.scatter [tilespmem:s28], [sflag:$0x1], $0x80, $0x38;
	[tilespmem:$0x14CC0] =	vst v63  }
0x11e: {  	s31 =	sadd.s32 $0x460, s19;
	s30 =	sadd.s32 $0x1AC0, s20  }
0x11f: {  	[hbm4b:s31+s16] =	stream.linear.scatter [tilespmem:s30], [sflag:$0x1], $0x80, $0x38;
	[tilespmem:$0x14CC0] =	vst v63  }
0x120: {  	s23 =	sadd.s32 $0x4E0, s19;
	s22 =	sadd.s32 $0x1EC0, s20  }
0x121: {  	[hbm4b:s23+s16] =	stream.linear.scatter [tilespmem:s22], [sflag:$0x1], $0x80, $0x38;
	[tilespmem:$0x14CC0] =	vst v63  }
0x122: {  	s24 =	sadd.s32 $0x22C0, s20;
	s25 =	sadd.s32 $0x560, s19  }
0x123: {  	[hbm4b:s25+s16] =	stream.linear.scatter [tilespmem:s24], [sflag:$0x1], $0x80, $0x38;
	[tilespmem:$0x14CC0] =	vst v63  }
0x124: {  	s28 =	spop (v2sf)  }
0x125: {  	s20 =	sadd.s32 $0x26C0, s20;
	s26 =	sadd.s32 $0x5E0, s19;
	s29 =	sshrl.u32 s28, $0x3  }
0x126: {  	[hbm4b:s26+s16] =	stream.linear.scatter [tilespmem:s20], [sflag:$0x1], $0x80, $0x38;
	[tilespmem:$0x14CC0] =	vst v63  }
0x127: {  	s21 =	smul.u32 $0x6000, s29  }
0x128: {  	s20 =	sshll.u32 s28, $0x7  }
0x129: {  	s20 =	sand.u32 $0x380, s20;
	s21 =	sshra.s32 s21, $0x2  }
0x12a: {  	s20 =	sor.u32 s20, s21  }
0x12b: {  	s30 =	sadd.s32 $0x370, s19;
	s31 =	sadd.s32 $0x12C0, s20  }
0x12c: {  	[hbm4b:s30+s16] =	stream.linear.scatter [tilespmem:s31], [sflag:$0x1], $0x80, $0x38;
	[tilespmem:$0x14CC0] =	vst v63  }
0x12d: {  	s24 =	sadd.s32 $0x3F0, s19;
	s23 =	sadd.s32 $0x16C0, s20  }
0x12e: {  	[hbm4b:s24+s16] =	stream.linear.scatter [tilespmem:s23], [sflag:$0x1], $0x80, $0x38;
	[tilespmem:$0x14CC0] =	vst v63  }
0x12f: {  	s26 =	sadd.s32 $0x470, s19;
	s25 =	sadd.s32 $0x1AC0, s20  }
0x130: {  	[hbm4b:s26+s16] =	stream.linear.scatter [tilespmem:s25], [sflag:$0x1], $0x80, $0x38;
	[tilespmem:$0x14CC0] =	vst v63  }
0x131: {  	p1 =	sne.s32 s18, $0x1200;
	s29 =	sadd.s32 $0x4F0, s19;
	s28 =	sadd.s32 $0x1EC0, s20  }
0x132: {  	[hbm4b:s29+s16] =	stream.linear.scatter [tilespmem:s28], [sflag:$0x1], $0x80, $0x38;
	[tilespmem:$0x14CC0] =	vst v63  }
.Ltmp0:
0x133: {  	_ = 	snop;
	(pc) =	sbr.rel @p1 .LBB2_2-.Ltmp0, $4  }
0x134: {  	s17 =	sadd.s32 $0x10, s17;
	s30 =	sadd.s32 $0x22C0, s20;
	s31 =	sadd.s32 $0x570, s19  }
0x135: {  	[hbm4b:s31+s16] =	stream.linear.scatter [tilespmem:s30], [sflag:$0x1], $0x80, $0x38;
	[tilespmem:$0x14CC0] =	vst v63  }
0x136: {  	s18 =	sadd.s32 $0x600, s18;
	s20 =	sadd.s32 $0x26C0, s20;
	s19 =	sadd.s32 $0x5F0, s19  }
0x137: {  	[hbm4b:s19+s16] =	stream.linear.scatter [tilespmem:s20], [sflag:$0x1], $0x80, $0x38;
	[tilespmem:$0x14CC0] =	vst v63  }
0x138: {  	s17 =	simm.s32 $0x14B00  }
.LBB2_4:
0x139: {  	_ =	swait.ge [sflag:s14], $0x300  }
0x13a: {  	[sflag:s14] =	ssyncset.done $0x0  }
0x13b: {  	[sflag:s14] =	ssyncadd.s32 $0xFFFFFD00  }
0x13c: {  	_ =	swait.ge [sflag:s14], $0x300  }
0x13d: {  	[sflag:s14] =	ssyncset.done $0x0  }
0x13e: {  	[sflag:s14] =	ssyncadd.s32 $0xFFFFFD00  }
0x13f: {  	_ =	swait.ge [sflag:s14], $0x300  }
0x140: {  	[sflag:s14] =	ssyncset.done $0x0  }
0x141: {  	[sflag:s14] =	ssyncadd.s32 $0xFFFFFD00  }
0x142: {  	_ =	swait.ge [sflag:s14], $0x300  }
0x143: {  	[sflag:s14] =	ssyncset.done $0x0  }
0x144: {  	[sflag:s14] =	ssyncadd.s32 $0xFFFFFD00  }
0x145: {  	_ =	swait.ge [sflag:s14], $0x300  }
0x146: {  	[sflag:s14] =	ssyncset.done $0x0  }
0x147: {  	[sflag:s14] =	ssyncadd.s32 $0xFFFFFD00  }
0x148: {  	_ =	swait.ge [sflag:s14], $0x300  }
0x149: {  	[sflag:s14] =	ssyncset.done $0x0  }
0x14a: {  	[sflag:s14] =	ssyncadd.s32 $0xFFFFFD00  }
0x14b: {  	_ =	swait.ge [sflag:s14], $0x300  }
0x14c: {  	[sflag:s14] =	ssyncset.done $0x0  }
0x14d: {  	[sflag:s14] =	ssyncadd.s32 $0xFFFFFD00  }
0x14e: {  	_ =	swait.ge [sflag:s14], $0x300  }
0x14f: {  	[sflag:s14] =	ssyncset.done $0x0  }
0x150: {  	[sflag:s14] =	ssyncadd.s32 $0xFFFFFD00  }
0x151: {  	_ =	swait.ge [sflag:s14], $0x300  }
0x152: {  	[sflag:s14] =	ssyncset.done $0x0  }
0x153: {  	[sflag:s14] =	ssyncadd.s32 $0xFFFFFD00  }
0x154: {  	_ =	swait.ge [sflag:s14], $0x300  }
0x155: {  	[sflag:s14] =	ssyncset.done $0x0  }
0x156: {  	[sflag:s14] =	ssyncadd.s32 $0xFFFFFD00  }
0x157: {  	_ =	swait.ge [sflag:s14], $0x300  }
0x158: {  	[sflag:s14] =	ssyncset.done $0x0  }
0x159: {  	[sflag:s14] =	ssyncadd.s32 $0xFFFFFD00  }
0x15a: {  	_ =	swait.ge [sflag:s14], $0x300  }
0x15b: {  	[sflag:s14] =	ssyncset.done $0x0  }
0x15c: {  	[sflag:s14] =	ssyncadd.s32 $0xFFFFFD00  }
0x15d: {  	_ =	swait.ge [sflag:s14], $0x300  }
0x15e: {  	[sflag:s14] =	ssyncset.done $0x0  }
0x15f: {  	[sflag:s14] =	ssyncadd.s32 $0xFFFFFD00  }
0x160: {  	_ =	swait.ge [sflag:s14], $0x300  }
0x161: {  	[sflag:s14] =	ssyncset.done $0x0  }
0x162: {  	[sflag:s14] =	ssyncadd.s32 $0xFFFFFD00  }
0x163: {  	_ =	swait.ge [sflag:s14], $0x300  }
0x164: {  	[sflag:s14] =	ssyncset.done $0x0  }
0x165: {  	[sflag:s14] =	ssyncadd.s32 $0xFFFFFD00  }
0x166: {  	_ =	swait.ge [sflag:s14], $0x300  }
0x167: {  	[sflag:s14] =	ssyncset.done $0x0  }
0x168: {  	[sflag:s14] =	ssyncadd.s32 $0xFFFFFD00  }
0x169: {  	v0 =	vld [tilespmem:s17+$0x0];
	_ =	sdelay $0x4  }
0x16a: {  	(v2sf) =	vpush v0, $0x0;
	_ =	sdelay $0xe  }
0x16b: {  	s18 =	spop (v2sf)  }
0x16c: {  	(v2sf) =	vpush v0, $0x1;
	s19 =	sshrl.u32 s18, $0x3  }
0x16d: {  	s19 =	smul.u32 $0x6000, s19  }
0x16e: {  	s18 =	sshll.u32 s18, $0x7  }
0x16f: {  	s18 =	sand.u32 $0x380, s18;
	s19 =	sshra.s32 s19, $0x2  }
0x170: {  	s20 =	rddreg [dreg:$0x6];
	s19 =	sor.u32 s18, s19  }
0x171: {  	s18 =	sadd.s32 s16, s20;
	s23 =	sadd.s32 $0x12C0, s19  }
0x172: {  	[hbm4b:s18+s3] =	stream.linear.scatter [tilespmem:s23], [sflag:$0x1], $0x80, $0x38;
	[tilespmem:$0x14CC0] =	vst v63  }
0x173: {  	s24 =	sadd.s32 $0x16C0, s19;
	s21 =	sadd.s32 $0x80, s18  }
0x174: {  	[hbm4b:s21+s3] =	stream.linear.scatter [tilespmem:s24], [sflag:$0x1], $0x80, $0x38;
	[tilespmem:$0x14CC0] =	vst v63  }
0x175: {  	s25 =	sadd.s32 $0x1AC0, s19;
	s26 =	sadd.s32 $0x100, s18  }
0x176: {  	[hbm4b:s26+s3] =	stream.linear.scatter [tilespmem:s25], [sflag:$0x1], $0x80, $0x38;
	[tilespmem:$0x14CC0] =	vst v63  }
0x177: {  	s28 =	sadd.s32 $0x1EC0, s19;
	s29 =	sadd.s32 $0x180, s18  }
0x178: {  	[hbm4b:s29+s3] =	stream.linear.scatter [tilespmem:s28], [sflag:$0x1], $0x80, $0x38;
	[tilespmem:$0x14CC0] =	vst v63  }
0x179: {  	s30 =	sadd.s32 $0x22C0, s19;
	s31 =	sadd.s32 $0x200, s18  }
0x17a: {  	[hbm4b:s31+s3] =	stream.linear.scatter [tilespmem:s30], [sflag:$0x1], $0x80, $0x38;
	[tilespmem:$0x14CC0] =	vst v63  }
0x17b: {  	s23 =	spop (v2sf)  }
0x17c: {  	s19 =	sadd.s32 $0x26C0, s19;
	s22 =	sadd.s32 $0x280, s18;
	s24 =	sshrl.u32 s23, $0x3  }
0x17d: {  	(v2sf) =	vpush v0, $0x2;
	[hbm4b:s22+s3] =	stream.linear.scatter [tilespmem:s19], [sflag:$0x1], $0x80, $0x38;
	[tilespmem:$0x14CC0] =	vst v63  }
0x17e: {  	s20 =	smul.u32 $0x6000, s24  }
0x17f: {  	s19 =	sshll.u32 s23, $0x7  }
0x180: {  	s19 =	sand.u32 $0x380, s19;
	s20 =	sshra.s32 s20, $0x2  }
0x181: {  	s19 =	sor.u32 s19, s20  }
0x182: {  	s25 =	sadd.s32 $0x10, s18;
	s26 =	sadd.s32 $0x12C0, s19  }
0x183: {  	[hbm4b:s25+s3] =	stream.linear.scatter [tilespmem:s26], [sflag:$0x1], $0x80, $0x38;
	[tilespmem:$0x14CC0] =	vst v63  }
0x184: {  	s29 =	sadd.s32 $0x90, s18;
	s28 =	sadd.s32 $0x16C0, s19  }
0x185: {  	[hbm4b:s29+s3] =	stream.linear.scatter [tilespmem:s28], [sflag:$0x1], $0x80, $0x38;
	[tilespmem:$0x14CC0] =	vst v63  }
0x186: {  	s31 =	sadd.s32 $0x110, s18;
	s30 =	sadd.s32 $0x1AC0, s19  }
0x187: {  	[hbm4b:s31+s3] =	stream.linear.scatter [tilespmem:s30], [sflag:$0x1], $0x80, $0x38;
	[tilespmem:$0x14CC0] =	vst v63  }
0x188: {  	s23 =	sadd.s32 $0x190, s18;
	s22 =	sadd.s32 $0x1EC0, s19  }
0x189: {  	[hbm4b:s23+s3] =	stream.linear.scatter [tilespmem:s22], [sflag:$0x1], $0x80, $0x38;
	[tilespmem:$0x14CC0] =	vst v63  }
0x18a: {  	s24 =	sadd.s32 $0x22C0, s19;
	s25 =	sadd.s32 $0x210, s18  }
0x18b: {  	[hbm4b:s25+s3] =	stream.linear.scatter [tilespmem:s24], [sflag:$0x1], $0x80, $0x38;
	[tilespmem:$0x14CC0] =	vst v63  }
0x18c: {  	s28 =	spop (v2sf)  }
0x18d: {  	s19 =	sadd.s32 $0x26C0, s19;
	s26 =	sadd.s32 $0x290, s18;
	s29 =	sshrl.u32 s28, $0x3  }
0x18e: {  	(v2sf) =	vpush v0, $0x3;
	[hbm4b:s26+s3] =	stream.linear.scatter [tilespmem:s19], [sflag:$0x1], $0x80, $0x38;
	[tilespmem:$0x14CC0] =	vst v63  }
0x18f: {  	s20 =	smul.u32 $0x6000, s29  }
0x190: {  	s19 =	sshll.u32 s28, $0x7  }
0x191: {  	s19 =	sand.u32 $0x380, s19;
	s20 =	sshra.s32 s20, $0x2  }
0x192: {  	s19 =	sor.u32 s19, s20  }
0x193: {  	s30 =	sadd.s32 $0x20, s18;
	s31 =	sadd.s32 $0x12C0, s19  }
0x194: {  	[hbm4b:s30+s3] =	stream.linear.scatter [tilespmem:s31], [sflag:$0x1], $0x80, $0x38;
	[tilespmem:$0x14CC0] =	vst v63  }
0x195: {  	s23 =	sadd.s32 $0xA0, s18;
	s22 =	sadd.s32 $0x16C0, s19  }
0x196: {  	[hbm4b:s23+s3] =	stream.linear.scatter [tilespmem:s22], [sflag:$0x1], $0x80, $0x38;
	[tilespmem:$0x14CC0] =	vst v63  }
0x197: {  	s25 =	sadd.s32 $0x120, s18;
	s24 =	sadd.s32 $0x1AC0, s19  }
0x198: {  	[hbm4b:s25+s3] =	stream.linear.scatter [tilespmem:s24], [sflag:$0x1], $0x80, $0x38;
	[tilespmem:$0x14CC0] =	vst v63  }
0x199: {  	s28 =	sadd.s32 $0x1A0, s18;
	s26 =	sadd.s32 $0x1EC0, s19  }
0x19a: {  	[hbm4b:s28+s3] =	stream.linear.scatter [tilespmem:s26], [sflag:$0x1], $0x80, $0x38;
	[tilespmem:$0x14CC0] =	vst v63  }
0x19b: {  	s29 =	sadd.s32 $0x22C0, s19;
	s30 =	sadd.s32 $0x220, s18  }
0x19c: {  	[hbm4b:s30+s3] =	stream.linear.scatter [tilespmem:s29], [sflag:$0x1], $0x80, $0x38;
	[tilespmem:$0x14CC0] =	vst v63  }
0x19d: {  	s21 =	spop (v2sf)  }
0x19e: {  	s19 =	sadd.s32 $0x26C0, s19;
	s31 =	sadd.s32 $0x2A0, s18;
	s22 =	sshrl.u32 s21, $0x3  }
0x19f: {  	(v2sf) =	vpush v0, $0x4;
	[hbm4b:s31+s3] =	stream.linear.scatter [tilespmem:s19], [sflag:$0x1], $0x80, $0x38;
	[tilespmem:$0x14CC0] =	vst v63  }
0x1a0: {  	s20 =	smul.u32 $0x6000, s22  }
0x1a1: {  	s19 =	sshll.u32 s21, $0x7  }
0x1a2: {  	s19 =	sand.u32 $0x380, s19;
	s20 =	sshra.s32 s20, $0x2  }
0x1a3: {  	s19 =	sor.u32 s19, s20  }
0x1a4: {  	s23 =	sadd.s32 $0x30, s18;
	s24 =	sadd.s32 $0x12C0, s19  }
0x1a5: {  	[hbm4b:s23+s3] =	stream.linear.scatter [tilespmem:s24], [sflag:$0x1], $0x80, $0x38;
	[tilespmem:$0x14CC0] =	vst v63  }
0x1a6: {  	s26 =	sadd.s32 $0xB0, s18;
	s25 =	sadd.s32 $0x16C0, s19  }
0x1a7: {  	[hbm4b:s26+s3] =	stream.linear.scatter [tilespmem:s25], [sflag:$0x1], $0x80, $0x38;
	[tilespmem:$0x14CC0] =	vst v63  }
0x1a8: {  	s29 =	sadd.s32 $0x130, s18;
	s28 =	sadd.s32 $0x1AC0, s19  }
0x1a9: {  	[hbm4b:s29+s3] =	stream.linear.scatter [tilespmem:s28], [sflag:$0x1], $0x80, $0x38;
	[tilespmem:$0x14CC0] =	vst v63  }
0x1aa: {  	s31 =	sadd.s32 $0x1B0, s18;
	s30 =	sadd.s32 $0x1EC0, s19  }
0x1ab: {  	[hbm4b:s31+s3] =	stream.linear.scatter [tilespmem:s30], [sflag:$0x1], $0x80, $0x38;
	[tilespmem:$0x14CC0] =	vst v63  }
0x1ac: {  	s22 =	sadd.s32 $0x22C0, s19;
	s23 =	sadd.s32 $0x230, s18  }
0x1ad: {  	[hbm4b:s23+s3] =	stream.linear.scatter [tilespmem:s22], [sflag:$0x1], $0x80, $0x38;
	[tilespmem:$0x14CC0] =	vst v63  }
0x1ae: {  	s25 =	spop (v2sf)  }
0x1af: {  	s19 =	sadd.s32 $0x26C0, s19;
	s24 =	sadd.s32 $0x2B0, s18;
	s26 =	sshrl.u32 s25, $0x3  }
0x1b0: {  	(v2sf) =	vpush v0, $0x5;
	[hbm4b:s24+s3] =	stream.linear.scatter [tilespmem:s19], [sflag:$0x1], $0x80, $0x38;
	[tilespmem:$0x14CC0] =	vst v63  }
0x1b1: {  	s20 =	smul.u32 $0x6000, s26  }
0x1b2: {  	s19 =	sshll.u32 s25, $0x7  }
0x1b3: {  	s19 =	sand.u32 $0x380, s19;
	s20 =	sshra.s32 s20, $0x2  }
0x1b4: {  	s19 =	sor.u32 s19, s20  }
0x1b5: {  	s28 =	sadd.s32 $0x40, s18;
	s29 =	sadd.s32 $0x12C0, s19  }
0x1b6: {  	[hbm4b:s28+s3] =	stream.linear.scatter [tilespmem:s29], [sflag:$0x1], $0x80, $0x38;
	[tilespmem:$0x14CC0] =	vst v63  }
0x1b7: {  	s31 =	sadd.s32 $0xC0, s18;
	s30 =	sadd.s32 $0x16C0, s19  }
0x1b8: {  	[hbm4b:s31+s3] =	stream.linear.scatter [tilespmem:s30], [sflag:$0x1], $0x80, $0x38;
	[tilespmem:$0x14CC0] =	vst v63  }
0x1b9: {  	s23 =	sadd.s32 $0x140, s18;
	s22 =	sadd.s32 $0x1AC0, s19  }
0x1ba: {  	[hbm4b:s23+s3] =	stream.linear.scatter [tilespmem:s22], [sflag:$0x1], $0x80, $0x38;
	[tilespmem:$0x14CC0] =	vst v63  }
0x1bb: {  	s25 =	sadd.s32 $0x1C0, s18;
	s24 =	sadd.s32 $0x1EC0, s19  }
0x1bc: {  	[hbm4b:s25+s3] =	stream.linear.scatter [tilespmem:s24], [sflag:$0x1], $0x80, $0x38;
	[tilespmem:$0x14CC0] =	vst v63  }
0x1bd: {  	s26 =	sadd.s32 $0x22C0, s19;
	s28 =	sadd.s32 $0x240, s18  }
0x1be: {  	[hbm4b:s28+s3] =	stream.linear.scatter [tilespmem:s26], [sflag:$0x1], $0x80, $0x38;
	[tilespmem:$0x14CC0] =	vst v63  }
0x1bf: {  	s30 =	spop (v2sf)  }
0x1c0: {  	s19 =	sadd.s32 $0x26C0, s19;
	s29 =	sadd.s32 $0x2C0, s18;
	s31 =	sshrl.u32 s30, $0x3  }
0x1c1: {  	(v2sf) =	vpush v0, $0x6;
	[hbm4b:s29+s3] =	stream.linear.scatter [tilespmem:s19], [sflag:$0x1], $0x80, $0x38;
	[tilespmem:$0x14CC0] =	vst v63  }
0x1c2: {  	s20 =	smul.u32 $0x6000, s31  }
0x1c3: {  	s19 =	sshll.u32 s30, $0x7  }
0x1c4: {  	s19 =	sand.u32 $0x380, s19;
	s20 =	sshra.s32 s20, $0x2  }
0x1c5: {  	s19 =	sor.u32 s19, s20  }
0x1c6: {  	s21 =	sadd.s32 $0x50, s18;
	s22 =	sadd.s32 $0x12C0, s19  }
0x1c7: {  	[hbm4b:s21+s3] =	stream.linear.scatter [tilespmem:s22], [sflag:$0x1], $0x80, $0x38;
	[tilespmem:$0x14CC0] =	vst v63  }
0x1c8: {  	s24 =	sadd.s32 $0xD0, s18;
	s23 =	sadd.s32 $0x16C0, s19  }
0x1c9: {  	[hbm4b:s24+s3] =	stream.linear.scatter [tilespmem:s23], [sflag:$0x1], $0x80, $0x38;
	[tilespmem:$0x14CC0] =	vst v63  }
0x1ca: {  	s26 =	sadd.s32 $0x150, s18;
	s25 =	sadd.s32 $0x1AC0, s19  }
0x1cb: {  	[hbm4b:s26+s3] =	stream.linear.scatter [tilespmem:s25], [sflag:$0x1], $0x80, $0x38;
	[tilespmem:$0x14CC0] =	vst v63  }
0x1cc: {  	s29 =	sadd.s32 $0x1D0, s18;
	s28 =	sadd.s32 $0x1EC0, s19  }
0x1cd: {  	[hbm4b:s29+s3] =	stream.linear.scatter [tilespmem:s28], [sflag:$0x1], $0x80, $0x38;
	[tilespmem:$0x14CC0] =	vst v63  }
0x1ce: {  	s31 =	sadd.s32 $0x250, s18;
	s30 =	sadd.s32 $0x22C0, s19  }
0x1cf: {  	[hbm4b:s31+s3] =	stream.linear.scatter [tilespmem:s30], [sflag:$0x1], $0x80, $0x38;
	[tilespmem:$0x14CC0] =	vst v63  }
0x1d0: {  	s23 =	spop (v2sf)  }
0x1d1: {  	s19 =	sadd.s32 $0x26C0, s19;
	s22 =	sadd.s32 $0x2D0, s18;
	s24 =	sshrl.u32 s23, $0x3  }
0x1d2: {  	(v2sf) =	vpush v0, $0x7;
	[hbm4b:s22+s3] =	stream.linear.scatter [tilespmem:s19], [sflag:$0x1], $0x80, $0x38;
	[tilespmem:$0x14CC0] =	vst v63  }
0x1d3: {  	s20 =	smul.u32 $0x6000, s24  }
0x1d4: {  	s19 =	sshll.u32 s23, $0x7  }
0x1d5: {  	s19 =	sand.u32 $0x380, s19;
	s20 =	sshra.s32 s20, $0x2  }
0x1d6: {  	s19 =	sor.u32 s19, s20  }
0x1d7: {  	s25 =	sadd.s32 $0x60, s18;
	s26 =	sadd.s32 $0x12C0, s19  }
0x1d8: {  	[hbm4b:s25+s3] =	stream.linear.scatter [tilespmem:s26], [sflag:$0x1], $0x80, $0x38;
	[tilespmem:$0x14CC0] =	vst v63  }
0x1d9: {  	s29 =	sadd.s32 $0xE0, s18;
	s28 =	sadd.s32 $0x16C0, s19  }
0x1da: {  	[hbm4b:s29+s3] =	stream.linear.scatter [tilespmem:s28], [sflag:$0x1], $0x80, $0x38;
	[tilespmem:$0x14CC0] =	vst v63  }
0x1db: {  	s31 =	sadd.s32 $0x160, s18;
	s30 =	sadd.s32 $0x1AC0, s19  }
0x1dc: {  	[hbm4b:s31+s3] =	stream.linear.scatter [tilespmem:s30], [sflag:$0x1], $0x80, $0x38;
	[tilespmem:$0x14CC0] =	vst v63  }
0x1dd: {  	s23 =	sadd.s32 $0x1E0, s18;
	s22 =	sadd.s32 $0x1EC0, s19  }
0x1de: {  	[hbm4b:s23+s3] =	stream.linear.scatter [tilespmem:s22], [sflag:$0x1], $0x80, $0x38;
	[tilespmem:$0x14CC0] =	vst v63  }
0x1df: {  	s24 =	sadd.s32 $0x22C0, s19;
	s25 =	sadd.s32 $0x260, s18  }
0x1e0: {  	[hbm4b:s25+s3] =	stream.linear.scatter [tilespmem:s24], [sflag:$0x1], $0x80, $0x38;
	[tilespmem:$0x14CC0] =	vst v63  }
0x1e1: {  	s28 =	spop (v2sf)  }
0x1e2: {  	s19 =	sadd.s32 $0x26C0, s19;
	s26 =	sadd.s32 $0x2E0, s18;
	s29 =	sshrl.u32 s28, $0x3  }
0x1e3: {  	(v2sf) =	vpush v0, $0x8;
	[hbm4b:s26+s3] =	stream.linear.scatter [tilespmem:s19], [sflag:$0x1], $0x80, $0x38;
	[tilespmem:$0x14CC0] =	vst v63  }
0x1e4: {  	s20 =	smul.u32 $0x6000, s29  }
0x1e5: {  	s19 =	sshll.u32 s28, $0x7  }
0x1e6: {  	s19 =	sand.u32 $0x380, s19;
	s20 =	sshra.s32 s20, $0x2  }
0x1e7: {  	s19 =	sor.u32 s19, s20  }
0x1e8: {  	s30 =	sadd.s32 $0x70, s18;
	s31 =	sadd.s32 $0x12C0, s19  }
0x1e9: {  	[hbm4b:s30+s3] =	stream.linear.scatter [tilespmem:s31], [sflag:$0x1], $0x80, $0x38;
	[tilespmem:$0x14CC0] =	vst v63  }
0x1ea: {  	s23 =	sadd.s32 $0xF0, s18;
	s22 =	sadd.s32 $0x16C0, s19  }
0x1eb: {  	[hbm4b:s23+s3] =	stream.linear.scatter [tilespmem:s22], [sflag:$0x1], $0x80, $0x38;
	[tilespmem:$0x14CC0] =	vst v63  }
0x1ec: {  	s25 =	sadd.s32 $0x170, s18;
	s24 =	sadd.s32 $0x1AC0, s19  }
0x1ed: {  	[hbm4b:s25+s3] =	stream.linear.scatter [tilespmem:s24], [sflag:$0x1], $0x80, $0x38;
	[tilespmem:$0x14CC0] =	vst v63  }
0x1ee: {  	s28 =	sadd.s32 $0x1F0, s18;
	s26 =	sadd.s32 $0x1EC0, s19  }
0x1ef: {  	[hbm4b:s28+s3] =	stream.linear.scatter [tilespmem:s26], [sflag:$0x1], $0x80, $0x38;
	[tilespmem:$0x14CC0] =	vst v63  }
0x1f0: {  	s29 =	sadd.s32 $0x22C0, s19;
	s30 =	sadd.s32 $0x270, s18  }
0x1f1: {  	[hbm4b:s30+s3] =	stream.linear.scatter [tilespmem:s29], [sflag:$0x1], $0x80, $0x38;
	[tilespmem:$0x14CC0] =	vst v63  }
0x1f2: {  	s21 =	spop (v2sf)  }
0x1f3: {  	s19 =	sadd.s32 $0x26C0, s19;
	s31 =	sadd.s32 $0x2F0, s18;
	s22 =	sshrl.u32 s21, $0x3  }
0x1f4: {  	(v2sf) =	vpush v0, $0x9;
	[hbm4b:s31+s3] =	stream.linear.scatter [tilespmem:s19], [sflag:$0x1], $0x80, $0x38;
	[tilespmem:$0x14CC0] =	vst v63  }
0x1f5: {  	s20 =	smul.u32 $0x6000, s22  }
0x1f6: {  	s19 =	sshll.u32 s21, $0x7  }
0x1f7: {  	s19 =	sand.u32 $0x380, s19;
	s20 =	sshra.s32 s20, $0x2  }
0x1f8: {  	s19 =	sor.u32 s19, s20  }
0x1f9: {  	s23 =	sadd.s32 $0x300, s18;
	s24 =	sadd.s32 $0x12C0, s19  }
0x1fa: {  	[hbm4b:s23+s3] =	stream.linear.scatter [tilespmem:s24], [sflag:$0x1], $0x80, $0x38;
	[tilespmem:$0x14CC0] =	vst v63  }
0x1fb: {  	s26 =	sadd.s32 $0x380, s18;
	s25 =	sadd.s32 $0x16C0, s19  }
0x1fc: {  	[hbm4b:s26+s3] =	stream.linear.scatter [tilespmem:s25], [sflag:$0x1], $0x80, $0x38;
	[tilespmem:$0x14CC0] =	vst v63  }
0x1fd: {  	s29 =	sadd.s32 $0x400, s18;
	s28 =	sadd.s32 $0x1AC0, s19  }
0x1fe: {  	[hbm4b:s29+s3] =	stream.linear.scatter [tilespmem:s28], [sflag:$0x1], $0x80, $0x38;
	[tilespmem:$0x14CC0] =	vst v63  }
0x1ff: {  	s31 =	sadd.s32 $0x480, s18;
	s30 =	sadd.s32 $0x1EC0, s19  }
0x200: {  	[hbm4b:s31+s3] =	stream.linear.scatter [tilespmem:s30], [sflag:$0x1], $0x80, $0x38;
	[tilespmem:$0x14CC0] =	vst v63  }
0x201: {  	s22 =	sadd.s32 $0x22C0, s19;
	s23 =	sadd.s32 $0x500, s18  }
0x202: {  	[hbm4b:s23+s3] =	stream.linear.scatter [tilespmem:s22], [sflag:$0x1], $0x80, $0x38;
	[tilespmem:$0x14CC0] =	vst v63  }
0x203: {  	s25 =	spop (v2sf)  }
0x204: {  	s19 =	sadd.s32 $0x26C0, s19;
	s24 =	sadd.s32 $0x580, s18;
	s26 =	sshrl.u32 s25, $0x3  }
0x205: {  	(v2sf) =	vpush v0, $0xA;
	[hbm4b:s24+s3] =	stream.linear.scatter [tilespmem:s19], [sflag:$0x1], $0x80, $0x38;
	[tilespmem:$0x14CC0] =	vst v63  }
0x206: {  	s20 =	smul.u32 $0x6000, s26  }
0x207: {  	s19 =	sshll.u32 s25, $0x7  }
0x208: {  	s19 =	sand.u32 $0x380, s19;
	s20 =	sshra.s32 s20, $0x2  }
0x209: {  	s19 =	sor.u32 s19, s20  }
0x20a: {  	s28 =	sadd.s32 $0x310, s18;
	s29 =	sadd.s32 $0x12C0, s19  }
0x20b: {  	[hbm4b:s28+s3] =	stream.linear.scatter [tilespmem:s29], [sflag:$0x1], $0x80, $0x38;
	[tilespmem:$0x14CC0] =	vst v63  }
0x20c: {  	s31 =	sadd.s32 $0x390, s18;
	s30 =	sadd.s32 $0x16C0, s19  }
0x20d: {  	[hbm4b:s31+s3] =	stream.linear.scatter [tilespmem:s30], [sflag:$0x1], $0x80, $0x38;
	[tilespmem:$0x14CC0] =	vst v63  }
0x20e: {  	s23 =	sadd.s32 $0x410, s18;
	s22 =	sadd.s32 $0x1AC0, s19  }
0x20f: {  	[hbm4b:s23+s3] =	stream.linear.scatter [tilespmem:s22], [sflag:$0x1], $0x80, $0x38;
	[tilespmem:$0x14CC0] =	vst v63  }
0x210: {  	s25 =	sadd.s32 $0x490, s18;
	s24 =	sadd.s32 $0x1EC0, s19  }
0x211: {  	[hbm4b:s25+s3] =	stream.linear.scatter [tilespmem:s24], [sflag:$0x1], $0x80, $0x38;
	[tilespmem:$0x14CC0] =	vst v63  }
0x212: {  	s26 =	sadd.s32 $0x22C0, s19;
	s28 =	sadd.s32 $0x510, s18  }
0x213: {  	[hbm4b:s28+s3] =	stream.linear.scatter [tilespmem:s26], [sflag:$0x1], $0x80, $0x38;
	[tilespmem:$0x14CC0] =	vst v63  }
0x214: {  	s30 =	spop (v2sf)  }
0x215: {  	s19 =	sadd.s32 $0x26C0, s19;
	s29 =	sadd.s32 $0x590, s18;
	s31 =	sshrl.u32 s30, $0x3  }
0x216: {  	(v2sf) =	vpush v0, $0xB;
	[hbm4b:s29+s3] =	stream.linear.scatter [tilespmem:s19], [sflag:$0x1], $0x80, $0x38;
	[tilespmem:$0x14CC0] =	vst v63  }
0x217: {  	s20 =	smul.u32 $0x6000, s31  }
0x218: {  	s19 =	sshll.u32 s30, $0x7  }
0x219: {  	s19 =	sand.u32 $0x380, s19;
	s20 =	sshra.s32 s20, $0x2  }
0x21a: {  	s19 =	sor.u32 s19, s20  }
0x21b: {  	s21 =	sadd.s32 $0x320, s18;
	s22 =	sadd.s32 $0x12C0, s19  }
0x21c: {  	[hbm4b:s21+s3] =	stream.linear.scatter [tilespmem:s22], [sflag:$0x1], $0x80, $0x38;
	[tilespmem:$0x14CC0] =	vst v63  }
0x21d: {  	s24 =	sadd.s32 $0x3A0, s18;
	s23 =	sadd.s32 $0x16C0, s19  }
0x21e: {  	[hbm4b:s24+s3] =	stream.linear.scatter [tilespmem:s23], [sflag:$0x1], $0x80, $0x38;
	[tilespmem:$0x14CC0] =	vst v63  }
0x21f: {  	s26 =	sadd.s32 $0x420, s18;
	s25 =	sadd.s32 $0x1AC0, s19  }
0x220: {  	[hbm4b:s26+s3] =	stream.linear.scatter [tilespmem:s25], [sflag:$0x1], $0x80, $0x38;
	[tilespmem:$0x14CC0] =	vst v63  }
0x221: {  	s29 =	sadd.s32 $0x4A0, s18;
	s28 =	sadd.s32 $0x1EC0, s19  }
0x222: {  	[hbm4b:s29+s3] =	stream.linear.scatter [tilespmem:s28], [sflag:$0x1], $0x80, $0x38;
	[tilespmem:$0x14CC0] =	vst v63  }
0x223: {  	s31 =	sadd.s32 $0x520, s18;
	s30 =	sadd.s32 $0x22C0, s19  }
0x224: {  	[hbm4b:s31+s3] =	stream.linear.scatter [tilespmem:s30], [sflag:$0x1], $0x80, $0x38;
	[tilespmem:$0x14CC0] =	vst v63  }
0x225: {  	s23 =	spop (v2sf)  }
0x226: {  	s19 =	sadd.s32 $0x26C0, s19;
	s22 =	sadd.s32 $0x5A0, s18;
	s24 =	sshrl.u32 s23, $0x3  }
0x227: {  	(v2sf) =	vpush v0, $0xC;
	[hbm4b:s22+s3] =	stream.linear.scatter [tilespmem:s19], [sflag:$0x1], $0x80, $0x38;
	[tilespmem:$0x14CC0] =	vst v63  }
0x228: {  	s20 =	smul.u32 $0x6000, s24  }
0x229: {  	s19 =	sshll.u32 s23, $0x7  }
0x22a: {  	s19 =	sand.u32 $0x380, s19;
	s20 =	sshra.s32 s20, $0x2  }
0x22b: {  	s19 =	sor.u32 s19, s20  }
0x22c: {  	s25 =	sadd.s32 $0x330, s18;
	s26 =	sadd.s32 $0x12C0, s19  }
0x22d: {  	[hbm4b:s25+s3] =	stream.linear.scatter [tilespmem:s26], [sflag:$0x1], $0x80, $0x38;
	[tilespmem:$0x14CC0] =	vst v63  }
0x22e: {  	s29 =	sadd.s32 $0x3B0, s18;
	s28 =	sadd.s32 $0x16C0, s19  }
0x22f: {  	[hbm4b:s29+s3] =	stream.linear.scatter [tilespmem:s28], [sflag:$0x1], $0x80, $0x38;
	[tilespmem:$0x14CC0] =	vst v63  }
0x230: {  	s31 =	sadd.s32 $0x430, s18;
	s30 =	sadd.s32 $0x1AC0, s19  }
0x231: {  	[hbm4b:s31+s3] =	stream.linear.scatter [tilespmem:s30], [sflag:$0x1], $0x80, $0x38;
	[tilespmem:$0x14CC0] =	vst v63  }
0x232: {  	s23 =	sadd.s32 $0x4B0, s18;
	s22 =	sadd.s32 $0x1EC0, s19  }
0x233: {  	[hbm4b:s23+s3] =	stream.linear.scatter [tilespmem:s22], [sflag:$0x1], $0x80, $0x38;
	[tilespmem:$0x14CC0] =	vst v63  }
0x234: {  	s24 =	sadd.s32 $0x22C0, s19;
	s25 =	sadd.s32 $0x530, s18  }
0x235: {  	[hbm4b:s25+s3] =	stream.linear.scatter [tilespmem:s24], [sflag:$0x1], $0x80, $0x38;
	[tilespmem:$0x14CC0] =	vst v63  }
0x236: {  	s28 =	spop (v2sf)  }
0x237: {  	s19 =	sadd.s32 $0x26C0, s19;
	s26 =	sadd.s32 $0x5B0, s18;
	s29 =	sshrl.u32 s28, $0x3  }
0x238: {  	(v2sf) =	vpush v0, $0xD;
	[hbm4b:s26+s3] =	stream.linear.scatter [tilespmem:s19], [sflag:$0x1], $0x80, $0x38;
	[tilespmem:$0x14CC0] =	vst v63  }
0x239: {  	s20 =	smul.u32 $0x6000, s29  }
0x23a: {  	s19 =	sshll.u32 s28, $0x7  }
0x23b: {  	s19 =	sand.u32 $0x380, s19;
	s20 =	sshra.s32 s20, $0x2  }
0x23c: {  	s19 =	sor.u32 s19, s20  }
0x23d: {  	s30 =	sadd.s32 $0x340, s18;
	s31 =	sadd.s32 $0x12C0, s19  }
0x23e: {  	[hbm4b:s30+s3] =	stream.linear.scatter [tilespmem:s31], [sflag:$0x1], $0x80, $0x38;
	[tilespmem:$0x14CC0] =	vst v63  }
0x23f: {  	s23 =	sadd.s32 $0x3C0, s18;
	s22 =	sadd.s32 $0x16C0, s19  }
0x240: {  	[hbm4b:s23+s3] =	stream.linear.scatter [tilespmem:s22], [sflag:$0x1], $0x80, $0x38;
	[tilespmem:$0x14CC0] =	vst v63  }
0x241: {  	s25 =	sadd.s32 $0x440, s18;
	s24 =	sadd.s32 $0x1AC0, s19  }
0x242: {  	[hbm4b:s25+s3] =	stream.linear.scatter [tilespmem:s24], [sflag:$0x1], $0x80, $0x38;
	[tilespmem:$0x14CC0] =	vst v63  }
0x243: {  	s28 =	sadd.s32 $0x4C0, s18;
	s26 =	sadd.s32 $0x1EC0, s19  }
0x244: {  	[hbm4b:s28+s3] =	stream.linear.scatter [tilespmem:s26], [sflag:$0x1], $0x80, $0x38;
	[tilespmem:$0x14CC0] =	vst v63  }
0x245: {  	s29 =	sadd.s32 $0x22C0, s19;
	s30 =	sadd.s32 $0x540, s18  }
0x246: {  	[hbm4b:s30+s3] =	stream.linear.scatter [tilespmem:s29], [sflag:$0x1], $0x80, $0x38;
	[tilespmem:$0x14CC0] =	vst v63  }
0x247: {  	s21 =	spop (v2sf)  }
0x248: {  	s19 =	sadd.s32 $0x26C0, s19;
	s31 =	sadd.s32 $0x5C0, s18;
	s22 =	sshrl.u32 s21, $0x3  }
0x249: {  	(v2sf) =	vpush v0, $0xE;
	[hbm4b:s31+s3] =	stream.linear.scatter [tilespmem:s19], [sflag:$0x1], $0x80, $0x38;
	[tilespmem:$0x14CC0] =	vst v63  }
0x24a: {  	s20 =	smul.u32 $0x6000, s22  }
0x24b: {  	s19 =	sshll.u32 s21, $0x7  }
0x24c: {  	s19 =	sand.u32 $0x380, s19;
	s20 =	sshra.s32 s20, $0x2  }
0x24d: {  	s19 =	sor.u32 s19, s20  }
0x24e: {  	s23 =	sadd.s32 $0x350, s18;
	s24 =	sadd.s32 $0x12C0, s19  }
0x24f: {  	[hbm4b:s23+s3] =	stream.linear.scatter [tilespmem:s24], [sflag:$0x1], $0x80, $0x38;
	[tilespmem:$0x14CC0] =	vst v63  }
0x250: {  	s26 =	sadd.s32 $0x3D0, s18;
	s25 =	sadd.s32 $0x16C0, s19  }
0x251: {  	[hbm4b:s26+s3] =	stream.linear.scatter [tilespmem:s25], [sflag:$0x1], $0x80, $0x38;
	[tilespmem:$0x14CC0] =	vst v63  }
0x252: {  	s29 =	sadd.s32 $0x450, s18;
	s28 =	sadd.s32 $0x1AC0, s19  }
0x253: {  	[hbm4b:s29+s3] =	stream.linear.scatter [tilespmem:s28], [sflag:$0x1], $0x80, $0x38;
	[tilespmem:$0x14CC0] =	vst v63  }
0x254: {  	s31 =	sadd.s32 $0x4D0, s18;
	s30 =	sadd.s32 $0x1EC0, s19  }
0x255: {  	[hbm4b:s31+s3] =	stream.linear.scatter [tilespmem:s30], [sflag:$0x1], $0x80, $0x38;
	[tilespmem:$0x14CC0] =	vst v63  }
0x256: {  	s22 =	sadd.s32 $0x22C0, s19;
	s23 =	sadd.s32 $0x550, s18  }
0x257: {  	[hbm4b:s23+s3] =	stream.linear.scatter [tilespmem:s22], [sflag:$0x1], $0x80, $0x38;
	[tilespmem:$0x14CC0] =	vst v63  }
0x258: {  	s25 =	spop (v2sf)  }
0x259: {  	s19 =	sadd.s32 $0x26C0, s19;
	s24 =	sadd.s32 $0x5D0, s18;
	s26 =	sshrl.u32 s25, $0x3  }
0x25a: {  	(v2sf) =	vpush v0, $0xF;
	[hbm4b:s24+s3] =	stream.linear.scatter [tilespmem:s19], [sflag:$0x1], $0x80, $0x38;
	[tilespmem:$0x14CC0] =	vst v63  }
0x25b: {  	s20 =	smul.u32 $0x6000, s26  }
0x25c: {  	s19 =	sshll.u32 s25, $0x7  }
0x25d: {  	s19 =	sand.u32 $0x380, s19;
	s20 =	sshra.s32 s20, $0x2  }
0x25e: {  	s19 =	sor.u32 s19, s20  }
0x25f: {  	s28 =	sadd.s32 $0x360, s18;
	s29 =	sadd.s32 $0x12C0, s19  }
0x260: {  	[hbm4b:s28+s3] =	stream.linear.scatter [tilespmem:s29], [sflag:$0x1], $0x80, $0x38;
	[tilespmem:$0x14CC0] =	vst v63  }
0x261: {  	s31 =	sadd.s32 $0x3E0, s18;
	s30 =	sadd.s32 $0x16C0, s19  }
0x262: {  	[hbm4b:s31+s3] =	stream.linear.scatter [tilespmem:s30], [sflag:$0x1], $0x80, $0x38;
	[tilespmem:$0x14CC0] =	vst v63  }
0x263: {  	s23 =	sadd.s32 $0x460, s18;
	s22 =	sadd.s32 $0x1AC0, s19  }
0x264: {  	[hbm4b:s23+s3] =	stream.linear.scatter [tilespmem:s22], [sflag:$0x1], $0x80, $0x38;
	[tilespmem:$0x14CC0] =	vst v63  }
0x265: {  	s25 =	sadd.s32 $0x4E0, s18;
	s24 =	sadd.s32 $0x1EC0, s19  }
0x266: {  	[hbm4b:s25+s3] =	stream.linear.scatter [tilespmem:s24], [sflag:$0x1], $0x80, $0x38;
	[tilespmem:$0x14CC0] =	vst v63  }
0x267: {  	s26 =	sadd.s32 $0x22C0, s19;
	s28 =	sadd.s32 $0x560, s18  }
0x268: {  	[hbm4b:s28+s3] =	stream.linear.scatter [tilespmem:s26], [sflag:$0x1], $0x80, $0x38;
	[tilespmem:$0x14CC0] =	vst v63  }
0x269: {  	s30 =	spop (v2sf)  }
0x26a: {  	s19 =	sadd.s32 $0x26C0, s19;
	s29 =	sadd.s32 $0x5E0, s18;
	s31 =	sshrl.u32 s30, $0x3  }
0x26b: {  	[hbm4b:s29+s3] =	stream.linear.scatter [tilespmem:s19], [sflag:$0x1], $0x80, $0x38;
	[tilespmem:$0x14CC0] =	vst v63  }
0x26c: {  	s20 =	smul.u32 $0x6000, s31  }
0x26d: {  	s19 =	sshll.u32 s30, $0x7  }
0x26e: {  	s19 =	sand.u32 $0x380, s19;
	s20 =	sshra.s32 s20, $0x2  }
0x26f: {  	s19 =	sor.u32 s19, s20  }
0x270: {  	s21 =	sadd.s32 $0x370, s18;
	s22 =	sadd.s32 $0x12C0, s19  }
0x271: {  	[hbm4b:s21+s3] =	stream.linear.scatter [tilespmem:s22], [sflag:$0x1], $0x80, $0x38;
	[tilespmem:$0x14CC0] =	vst v63  }
0x272: {  	s24 =	sadd.s32 $0x3F0, s18;
	s23 =	sadd.s32 $0x16C0, s19  }
0x273: {  	[hbm4b:s24+s3] =	stream.linear.scatter [tilespmem:s23], [sflag:$0x1], $0x80, $0x38;
	[tilespmem:$0x14CC0] =	vst v63  }
0x274: {  	s26 =	sadd.s32 $0x470, s18;
	s25 =	sadd.s32 $0x1AC0, s19  }
0x275: {  	[hbm4b:s26+s3] =	stream.linear.scatter [tilespmem:s25], [sflag:$0x1], $0x80, $0x38;
	[tilespmem:$0x14CC0] =	vst v63  }
0x276: {  	p1 =	sne.s32 s16, $0xA200;
	s29 =	sadd.s32 $0x4F0, s18;
	s28 =	sadd.s32 $0x1EC0, s19  }
0x277: {  	[hbm4b:s29+s3] =	stream.linear.scatter [tilespmem:s28], [sflag:$0x1], $0x80, $0x38;
	[tilespmem:$0x14CC0] =	vst v63  }
.Ltmp1:
0x278: {  	_ = 	snop;
	(pc) =	sbr.rel @p1 .LBB2_4-.Ltmp1, $4  }
0x279: {  	s17 =	sadd.s32 $0x10, s17;
	s31 =	sadd.s32 $0x570, s18;
	s30 =	sadd.s32 $0x22C0, s19  }
0x27a: {  	[hbm4b:s31+s3] =	stream.linear.scatter [tilespmem:s30], [sflag:$0x1], $0x80, $0x38;
	[tilespmem:$0x14CC0] =	vst v63  }
0x27b: {  	s16 =	sadd.s32 $0x600, s16;
	s18 =	sadd.s32 $0x5F0, s18;
	s19 =	sadd.s32 $0x26C0, s19  }
0x27c: {  	[hbm4b:s18+s3] =	stream.linear.scatter [tilespmem:s19], [sflag:$0x1], $0x80, $0x38;
	[tilespmem:$0x14CC0] =	vst v63  }
0x27d: {  	_ =	swait.ge [sflag:s14], $0x300  }
0x27e: {  	[sflag:s14] =	ssyncset.done $0x0  }
0x27f: {  	[sflag:s14] =	ssyncadd.s32 $0xFFFFFD00  }
0x280: {  	_ =	swait.ge [sflag:s14], $0x300  }
0x281: {  	[sflag:s14] =	ssyncset.done $0x0  }
0x282: {  	[sflag:s14] =	ssyncadd.s32 $0xFFFFFD00  }
0x283: {  	_ =	swait.ge [sflag:s14], $0x300  }
0x284: {  	[sflag:s14] =	ssyncset.done $0x0  }
0x285: {  	[sflag:s14] =	ssyncadd.s32 $0xFFFFFD00  }
0x286: {  	_ =	swait.ge [sflag:s14], $0x300  }
0x287: {  	[sflag:s14] =	ssyncset.done $0x0  }
0x288: {  	[sflag:s14] =	ssyncadd.s32 $0xFFFFFD00  }
0x289: {  	_ =	swait.ge [sflag:s14], $0x300  }
0x28a: {  	[sflag:s14] =	ssyncset.done $0x0  }
0x28b: {  	[sflag:s14] =	ssyncadd.s32 $0xFFFFFD00  }
0x28c: {  	_ =	swait.ge [sflag:s14], $0x300  }
0x28d: {  	[sflag:s14] =	ssyncset.done $0x0  }
0x28e: {  	[sflag:s14] =	ssyncadd.s32 $0xFFFFFD00  }
0x28f: {  	_ =	swait.ge [sflag:s14], $0x300  }
0x290: {  	[sflag:s14] =	ssyncset.done $0x0  }
0x291: {  	[sflag:s14] =	ssyncadd.s32 $0xFFFFFD00  }
0x292: {  	_ =	swait.ge [sflag:s14], $0x300  }
0x293: {  	[sflag:s14] =	ssyncset.done $0x0  }
0x294: {  	[sflag:s14] =	ssyncadd.s32 $0xFFFFFD00  }
0x295: {  	_ =	swait.ge [sflag:s14], $0x300  }
0x296: {  	[sflag:s14] =	ssyncset.done $0x0  }
0x297: {  	[sflag:s14] =	ssyncadd.s32 $0xFFFFFD00  }
0x298: {  	_ =	swait.ge [sflag:s14], $0x300  }
0x299: {  	[sflag:s14] =	ssyncset.done $0x0  }
0x29a: {  	[sflag:s14] =	ssyncadd.s32 $0xFFFFFD00  }
0x29b: {  	_ =	swait.ge [sflag:s14], $0x300  }
0x29c: {  	[sflag:s14] =	ssyncset.done $0x0  }
0x29d: {  	[sflag:s14] =	ssyncadd.s32 $0xFFFFFD00  }
0x29e: {  	_ =	swait.ge [sflag:s14], $0x300  }
0x29f: {  	[sflag:s14] =	ssyncset.done $0x0  }
0x2a0: {  	[sflag:s14] =	ssyncadd.s32 $0xFFFFFD00  }
0x2a1: {  	_ =	swait.ge [sflag:s14], $0x300  }
0x2a2: {  	[sflag:s14] =	ssyncset.done $0x0  }
0x2a3: {  	[sflag:s14] =	ssyncadd.s32 $0xFFFFFD00  }
0x2a4: {  	_ =	swait.ge [sflag:s14], $0x300  }
0x2a5: {  	[sflag:s14] =	ssyncset.done $0x0  }
0x2a6: {  	[sflag:s14] =	ssyncadd.s32 $0xFFFFFD00  }
0x2a7: {  	_ =	swait.ge [sflag:s14], $0x300  }
0x2a8: {  	[sflag:s14] =	ssyncset.done $0x0  }
0x2a9: {  	[sflag:s14] =	ssyncadd.s32 $0xFFFFFD00  }
0x2aa: {  	_ =	swait.ge [sflag:s14], $0x300  }
0x2ab: {  	s16 =	simm.s32 $0x3;
	[sflag:s14] =	ssyncset.done $0x0  }
.LBB2_6:
0x2ac: {  	p1 =	sne.s32 s16, $0x1;
	s16 =	sadd.s32 $0xFFFFFFFF, s16;
	[sflag:s14] =	ssyncadd.s32 $0xFFFFFD00  }
0x2ad: {  	_ =	swait.ge [sflag:s14], $0x300  }
0x2ae: {  	[sflag:s14] =	ssyncset.done $0x0  }
0x2af: {  	[sflag:s14] =	ssyncadd.s32 $0xFFFFFD00  }
0x2b0: {  	_ =	swait.ge [sflag:s14], $0x300  }
0x2b1: {  	[sflag:s14] =	ssyncset.done $0x0  }
0x2b2: {  	[sflag:s14] =	ssyncadd.s32 $0xFFFFFD00  }
0x2b3: {  	_ =	swait.ge [sflag:s14], $0x300  }
0x2b4: {  	[sflag:s14] =	ssyncset.done $0x0  }
0x2b5: {  	[sflag:s14] =	ssyncadd.s32 $0xFFFFFD00  }
0x2b6: {  	_ =	swait.ge [sflag:s14], $0x300  }
0x2b7: {  	[sflag:s14] =	ssyncset.done $0x0  }
0x2b8: {  	[sflag:s14] =	ssyncadd.s32 $0xFFFFFD00  }
0x2b9: {  	_ =	swait.ge [sflag:s14], $0x300  }
0x2ba: {  	[sflag:s14] =	ssyncset.done $0x0  }
0x2bb: {  	[sflag:s14] =	ssyncadd.s32 $0xFFFFFD00  }
0x2bc: {  	_ =	swait.ge [sflag:s14], $0x300  }
0x2bd: {  	[sflag:s14] =	ssyncset.done $0x0  }
0x2be: {  	[sflag:s14] =	ssyncadd.s32 $0xFFFFFD00  }
0x2bf: {  	_ =	swait.ge [sflag:s14], $0x300  }
0x2c0: {  	[sflag:s14] =	ssyncset.done $0x0  }
0x2c1: {  	[sflag:s14] =	ssyncadd.s32 $0xFFFFFD00  }
0x2c2: {  	_ =	swait.ge [sflag:s14], $0x300  }
0x2c3: {  	[sflag:s14] =	ssyncset.done $0x0  }
0x2c4: {  	[sflag:s14] =	ssyncadd.s32 $0xFFFFFD00  }
0x2c5: {  	_ =	swait.ge [sflag:s14], $0x300  }
0x2c6: {  	[sflag:s14] =	ssyncset.done $0x0  }
0x2c7: {  	[sflag:s14] =	ssyncadd.s32 $0xFFFFFD00  }
0x2c8: {  	_ =	swait.ge [sflag:s14], $0x300  }
0x2c9: {  	[sflag:s14] =	ssyncset.done $0x0  }
0x2ca: {  	[sflag:s14] =	ssyncadd.s32 $0xFFFFFD00  }
0x2cb: {  	_ =	swait.ge [sflag:s14], $0x300  }
0x2cc: {  	[sflag:s14] =	ssyncset.done $0x0  }
0x2cd: {  	[sflag:s14] =	ssyncadd.s32 $0xFFFFFD00  }
0x2ce: {  	_ =	swait.ge [sflag:s14], $0x300  }
0x2cf: {  	[sflag:s14] =	ssyncset.done $0x0  }
0x2d0: {  	[sflag:s14] =	ssyncadd.s32 $0xFFFFFD00  }
0x2d1: {  	_ =	swait.ge [sflag:s14], $0x300  }
0x2d2: {  	[sflag:s14] =	ssyncset.done $0x0  }
0x2d3: {  	[sflag:s14] =	ssyncadd.s32 $0xFFFFFD00  }
0x2d4: {  	_ =	swait.ge [sflag:s14], $0x300  }
0x2d5: {  	[sflag:s14] =	ssyncset.done $0x0  }
0x2d6: {  	[sflag:s14] =	ssyncadd.s32 $0xFFFFFD00  }
.Ltmp2:
0x2d7: {  	_ =	swait.ge [sflag:s14], $0x300;
	(pc) =	sbr.rel @p1 .LBB2_6-.Ltmp2, $4  }
0x2d8: {  	[sflag:s14] =	ssyncset.done $0x0  }
0x2d9: {  	[sflag:s14] =	ssyncadd.s32 $0xFFFFFD00  }
0x2da: {  	_ =	swait.ge [sflag:s14], $0x300  }
0x2db: {  	[sflag:s14] =	ssyncset.done $0x0  }
0x2dc: {  	s15 =	sadd.s32 $0x1, s15  }
0x2dd: {  	p1 =	sne.s32 s15, s7  }
.Ltmp3:
0x2de: {  	_ = 	snop;
	(pc) =	sbr.rel @p1 .LBB2_1-.Ltmp3, $2  }
0x2df: {  	_ =	sdelay $0x2  }
0x2e0: {  	[sflag:s14] =	ssyncadd.s32 $0xFFFFFD00  }
0x2e1: {  	_ =	sfence.sel $0x180000  }
0x2e2: {  	[bflag:$0x0] =	sbarrier.arrive $0xFFFF  }
0x2e3: {  	p0 =	sne.s32 s2, $0x0;
	_ =	strace $0x90000047  }
0x2e4: {  	s0 =	sadd.s32 @!p0 $0x100000, s0;
	[bflag:$0x2] =	sbarrier.arrive $0xFFFF  }
0x2e5: {  	[sflag:s0] =	ssyncadd.tile.s32 @!p0 $0x1;
	_ =	shalt  }
.Lfunc_end2:
_tile_overlayer_lowered:
.L_overlay_start_2:
0x2e6: {  	(tag) =	ssettag $0x2  }
0x2e7: {  	s0 =	rddreg [dreg:$0x0];
	s2 =	stileid.u32  }
0x2e8: {  	s1 =	rddreg [dreg:$0x1];
	p0 =	sne.s32 s2, $0x0  }
0x2e9: {  	s3 =	rddreg [dreg:$0x2];
	[bflag:$0x3] =	sbarrier.arrive $0xFFFF;
	s2 =	simm.s32 @!p0 $0x1C03  }
0x2ea: {  	[timem:s3], [sflag:s2] =	dma.local @!p0 [hbm:s0], s1  }
0x2eb: {  	s0 =	simm.s32 @!p0 $0x3  }
0x2ec: {  	_ =	swait.ge @!p0 [sflag:s0], s1  }
0x2ed: {  	s1 =	ssub.s32 @!p0 $0x0, s1;
	[sflag:s0] =	ssyncset.done @!p0 $0x0  }
0x2ee: {  	[sflag:s0] =	ssyncadd.s32 @!p0 s1  }
0x2ef: {  	[bflag:$0x3] =	sbarrier.arrive $0xFFFF  }
0x2f0: {  	_ =	shalt  }

</sc_bundles>
